<compile_context>
chip_gen: v7x
topology: tpu7x:2x2x1
jax: 0.10.2.dev20260603
libtpu: 0.0.44.dev20260713+nightly
codegen_flags: <defaults>
</compile_context>

<pallas_src>
import functools

import jax
import jax.numpy as jnp
from jax import lax
from jax.experimental import pallas as pl
from jax.experimental.pallas import tpu as pltpu
from jax.experimental.pallas import tpu_sc as plsc

GRID_RES = 64
FOV = 10.0
N = 8192 * 512
NW = 32
PER_W = N // NW
H = 1024
C = 2 * H
NCHUNK = PER_W // C
L = 16
GRID_N = GRID_RES ** 3
FMAX = 3.4028235e38
DEBIAS = -8322.0
BIAS = 33.5


def _tri_kernel(x_hbm, y_hbm, z_hbm, r_hbm, grid_hbm, out_hbm,
                grid_sh, rv, xv, yv, zv, wv, ov,
                ia0, ia1, ia2, ia3,
                ib0, ib1, ib2, ib3,
                va0, va1, va2, va3,
                vb0, vb1, vb2, vb3,
                sem_in, sem_a, sem_b):
    cid = lax.axis_index("c")
    sid = lax.axis_index("s")
    wid = cid * 16 + sid

    @pl.when(sid == 0)
    def _():
        pltpu.sync_copy(grid_hbm, grid_sh)
    pltpu.sync_copy(r_hbm, rv)
    plsc.subcore_barrier()

    ias = (ia0, ia1, ia2, ia3)
    ibs = (ib0, ib1, ib2, ib3)
    vas = (va0, va1, va2, va3)
    vbs = (vb0, vb1, vb2, vb3)

    def pass1(i, off, idxr):
        s = pl.ds(off + i * L, L)
        r00 = rv[0, pl.ds(0, L)]
        r01 = rv[1, pl.ds(0, L)]
        r02 = rv[2, pl.ds(0, L)]
        r10 = rv[3, pl.ds(0, L)]
        r11 = rv[4, pl.ds(0, L)]
        r12 = rv[5, pl.ds(0, L)]
        r20 = rv[6, pl.ds(0, L)]
        r21 = rv[7, pl.ds(0, L)]
        r22 = rv[8, pl.ds(0, L)]
        xx = xv[s]
        yy = yv[s]
        zz = zv[s]
        ex = r00 * xx + r01 * yy + r02 * zz + BIAS
        ey = r10 * xx + r11 * yy + r12 * zz + BIAS
        ez = r20 * xx + r21 * yy + r22 * zz + BIAS
        zero = jnp.zeros((L,), jnp.float32)
        mx = jnp.abs(ex) <= FMAX
        my = jnp.abs(ey) <= FMAX
        mz = jnp.abs(ez) <= FMAX
        bias = jnp.full((L,), BIAS, jnp.float32)
        ex = jnp.where(mx, ex, bias)
        ey = jnp.where(my, ey, bias)
        ez = jnp.where(mz, ez, bias)

        def floor_parts(e):
            e = jnp.clip(e, 0.0, 68.0)
            tf = e.astype(jnp.int32).astype(jnp.float32)
            f = e - tf
            w0 = jnp.where(tf >= 2.0, 1.0 - f, zero)
            w0 = jnp.where(tf <= 65.0, w0, zero)
            w1 = jnp.where(tf >= 1.0, f, zero)
            w1 = jnp.where(tf <= 64.0, w1, zero)
            return tf, w0, w1

        tx, wx0, wx1 = floor_parts(ex)
        ty, wy0, wy1 = floor_parts(ey)
        tz, wz0, wz1 = floor_parts(ez)
        ax0 = jnp.clip(tx, 2.0, 65.0)
        ax1 = jnp.clip(tx + 1.0, 2.0, 65.0)
        ay0 = jnp.clip(ty, 2.0, 65.0)
        ay1 = jnp.clip(ty + 1.0, 2.0, 65.0)
        zbb = jnp.clip(tz, 2.0, 64.0)
        uz0 = jnp.where(tz == 1.0, wz1, jnp.where(tz <= 64.0, wz0, zero))
        uz1 = jnp.where(tz == 1.0, zero, jnp.where(tz == 65.0, wz0, wz1))
        wx0 = jnp.where(mx, wx0, zero)
        wx1 = jnp.where(mx, wx1, zero)

        bx0 = ax0 * 4096.0 + DEBIAS
        bx1 = ax1 * 4096.0 + DEBIAS
        by0 = ay0 * 64.0
        by1 = ay1 * 64.0
        si = pl.ds(i * L, L)
        idxr[0][si] = (bx0 + by0 + zbb).astype(jnp.int32)
        idxr[1][si] = (bx0 + by1 + zbb).astype(jnp.int32)
        idxr[2][si] = (bx1 + by0 + zbb).astype(jnp.int32)
        idxr[3][si] = (bx1 + by1 + zbb).astype(jnp.int32)
        wv[0, s] = wx0 * wy0
        wv[1, s] = wx0 * wy1
        wv[2, s] = wx1 * wy0
        wv[3, s] = wx1 * wy1
        wv[4, s] = uz0
        wv[5, s] = uz1

    def pass2(i, off, valr):
        s = pl.ds(off + i * L, L)
        si = pl.ds(i * L, L)
        a00 = wv[0, s]
        a01 = wv[1, s]
        a10 = wv[2, s]
        a11 = wv[3, s]
        uz0 = wv[4, s]
        uz1 = wv[5, s]
        himask = jnp.full((L,), -65536, jnp.int32)

        def unpack2(w):
            lo = jax.lax.bitcast_convert_type(w << 16, jnp.float32)
            hi = jax.lax.bitcast_convert_type(w & himask, jnp.float32)
            return lo, hi

        l0, h0 = unpack2(valr[0][si])
        l1, h1 = unpack2(valr[1][si])
        l2, h2 = unpack2(valr[2][si])
        l3, h3 = unpack2(valr[3][si])
        acc = (a00 * (uz0 * l0 + uz1 * h0)
               + a01 * (uz0 * l1 + uz1 * h1)
               + a10 * (uz0 * l2 + uz1 * h2)
               + a11 * (uz0 * l3 + uz1 * h3))
        ov[s] = acc

    def start_in(base, off):
        cps = [pltpu.make_async_copy(x_hbm.at[pl.ds(base, H)],
                                     xv.at[pl.ds(off, H)], sem_in),
               pltpu.make_async_copy(y_hbm.at[pl.ds(base, H)],
                                     yv.at[pl.ds(off, H)], sem_in),
               pltpu.make_async_copy(z_hbm.at[pl.ds(base, H)],
                                     zv.at[pl.ds(off, H)], sem_in)]
        for cp in cps:
            cp.start()
        return cps

    def wait_in(base, off):
        cps = [pltpu.make_async_copy(x_hbm.at[pl.ds(base, H)],
                                     xv.at[pl.ds(off, H)], sem_in),
               pltpu.make_async_copy(y_hbm.at[pl.ds(base, H)],
                                     yv.at[pl.ds(off, H)], sem_in),
               pltpu.make_async_copy(z_hbm.at[pl.ds(base, H)],
                                     zv.at[pl.ds(off, H)], sem_in)]
        for cp in cps:
            cp.wait()

    def gathers(idxr, valr, sem):
        return [pltpu.make_async_copy(grid_sh.at[ivr], vvr, sem)
                for ivr, vvr in zip(idxr, valr)]

    tile_base = wid * PER_W
    start_in(tile_base, 0)

    def body(k, _):
        base_a = tile_base + (2 * k) * H
        base_b = base_a + H
        wait_in(base_a, 0)
        start_in(base_b, H)

        @plsc.parallel_loop(0, H // L, unroll=4)
        def p1a(i):
            pass1(i, 0, ias)
        for cp in gathers(ias, vas, sem_a):
            cp.start()

        @pl.when(k > 0)
        def _():
            for cp in gathers(ibs, vbs, sem_b):
                cp.wait()

            @plsc.parallel_loop(0, H // L, unroll=4)
            def p2b(i):
                pass2(i, H, vbs)
            pltpu.sync_copy(ov.at[pl.ds(H, H)],
                            out_hbm.at[pl.ds(base_a - H, H)])

        wait_in(base_b, H)
        base_next = jnp.minimum(base_b + H, N - H)
        start_in(base_next, 0)

        @plsc.parallel_loop(0, H // L, unroll=4)
        def p1b(i):
            pass1(i, H, ibs)
        for cp in gathers(ibs, vbs, sem_b):
            cp.start()

        for cp in gathers(ias, vas, sem_a):
            cp.wait()

        @plsc.parallel_loop(0, H // L, unroll=4)
        def p2a(i):
            pass2(i, 0, vas)
        pltpu.sync_copy(ov.at[pl.ds(0, H)], out_hbm.at[pl.ds(base_a, H)])
        return ()

    lax.fori_loop(0, NCHUNK, body, ())

    for cp in gathers(ibs, vbs, sem_b):
        cp.wait()

    @plsc.parallel_loop(0, H // L, unroll=4)
    def p2b_tail(i):
        pass2(i, H, vbs)
    pltpu.sync_copy(ov.at[pl.ds(H, H)],
                    out_hbm.at[pl.ds(tile_base + PER_W - H, H)])
    wait_in(jnp.minimum(tile_base + PER_W, N - H), 0)


@jax.jit
def _run(xf, yf, zf, rarr, gridf):
    mesh = plsc.VectorSubcoreMesh(core_axis_name="c", subcore_axis_name="s")
    f = functools.partial(
        pl.kernel,
        out_type=jax.ShapeDtypeStruct((N,), jnp.float32),
        name="trilinear_grid_sample_sc",
        mesh=mesh,
        scratch_types=(
            [pltpu.VMEM_SHARED((GRID_N,), jnp.int32),
             pltpu.VMEM((9, 16), jnp.float32),
             pltpu.VMEM((C,), jnp.float32),
             pltpu.VMEM((C,), jnp.float32),
             pltpu.VMEM((C,), jnp.float32),
             pltpu.VMEM((6, C), jnp.float32),
             pltpu.VMEM((C,), jnp.float32)]
            + [pltpu.VMEM((H,), jnp.int32)] * 8
            + [pltpu.VMEM((H,), jnp.int32)] * 8
            + [pltpu.SemaphoreType.DMA] * 3
        ),
    )(_tri_kernel)
    return f(xf, yf, zf, rarr, gridf)


def kernel(x, y, z, t, v, axis, grid):
    a = axis / jnp.linalg.norm(axis)
    theta = (-2.0 * jnp.pi) * v * t
    c = jnp.cos(theta)[0]
    s = jnp.sin(theta)[0]
    ax, ay, az = a[0], a[1], a[2]
    omc = 1.0 - c
    scale = (GRID_RES - 1.0) / FOV
    r = jnp.stack([
        c + omc * ax * ax, omc * ax * ay - s * az, omc * ax * az + s * ay,
        omc * ax * ay + s * az, c + omc * ay * ay, omc * ay * az - s * ax,
        omc * ax * az - s * ay, omc * ay * az + s * ax, c + omc * az * az,
    ]) * scale
    rarr = jnp.tile(r.astype(jnp.float32)[:, None], (1, 16))
    gb = grid.reshape(GRID_N).astype(jnp.bfloat16)
    gb1 = jnp.roll(gb, -1)
    packed = jax.lax.bitcast_convert_type(
        jnp.stack([gb, gb1], axis=-1), jnp.int32)
    out = _run(x.reshape(N), y.reshape(N), z.reshape(N), rarr, packed)
    return out.reshape(x.shape)

# --- scband reference (transcript-rebuilt; emitter-appended) ---
"""Pipeline reference for scband-predict-emission-3-d-grid-48155173323452 (READ-ONLY COPY).

The authoritative reference and input builder live on the scoring server;
editing this copy changes nothing except your own understanding.
"""

import jax, jax.numpy as jnp
import numpy as np

GRID_RES = 64
FOV = 10.0

def velocity_warp_3d(x, y, z, t, velocity, axis):
    # Rotate points (x,y,z) about `axis` by angle -2*pi*velocity*t (Rodrigues rotation),
    # standing in for emission_utils.velocity_warp_3d.
    pts = jnp.stack([x, y, z], axis=-1)
    a = axis / jnp.linalg.norm(axis)
    theta = jnp.broadcast_to(-2.0 * jnp.pi * velocity * t, x.shape)[..., None]
    cos_t = jnp.cos(theta)
    sin_t = jnp.sin(theta)
    a_b = jnp.broadcast_to(a, pts.shape)
    cross = jnp.cross(a_b, pts)
    dot = jnp.sum(pts * a, axis=-1, keepdims=True)
    return pts * cos_t + cross * sin_t + a * dot * (1.0 - cos_t)

def setup_inputs(seed: int = 0):
    key = jax.random.key(seed)
    ks = jax.random.split(key, 7)
    shape = (8192, 512)
    x = jax.random.normal(ks[0], shape, dtype=jnp.float32)
    y = jax.random.normal(ks[1], shape, dtype=jnp.float32)
    z = jax.random.normal(ks[2], shape, dtype=jnp.float32)
    t = jax.random.uniform(ks[3], (1,), dtype=jnp.float32)
    v = jax.random.uniform(ks[4], (1,), dtype=jnp.float32)
    axis = jax.random.normal(ks[5], (3,), dtype=jnp.float32)
    grid = jax.random.normal(ks[6], (GRID_RES, GRID_RES, GRID_RES), dtype=jnp.float32)
    return {"x": x, "y": y, "z": z, "t": t, "v": v, "axis": axis, "grid": grid}

def reference(x, y, z, t, v, axis, grid):
    net_input = velocity_warp_3d(x, y, z, t, v, axis)
    valid_inputs_mask = jnp.isfinite(net_input)
    net_input = jnp.where(valid_inputs_mask, net_input, jnp.zeros_like(net_input))
    net_input = jnp.moveaxis(net_input, -1, 0)
    net_input = (net_input + FOV / 2.0) / FOV * (GRID_RES - 1.0)
    net_output = jax.scipy.ndimage.map_coordinates(grid, [net_input[0], net_input[1], net_input[2]], order=1, cval=0.0)
    emission = jnp.where(valid_inputs_mask[..., 0], net_output, jnp.zeros_like(net_output))
    return emission

if __name__ == "__main__":
    import jax
    _d = setup_inputs()
    print(jax.jit(kernel)(*tuple(_d.values())))

</pallas_src>

<mosaic_0001>
#map = affine_map<(d0, d1) -> (0)>
#map1 = affine_map<(d0, d1) -> (0, 0)>
module attributes {stable_mosaic.version = 14 : i64} {
  func.func @trilinear_grid_sample_sc(%arg0: i32, %arg1: i32, %arg2: memref<4194304xf32, #tpu.memory_space<hbm>>, %arg3: memref<4194304xf32, #tpu.memory_space<hbm>>, %arg4: memref<4194304xf32, #tpu.memory_space<hbm>>, %arg5: memref<9x16xf32, #tpu.memory_space<hbm>>, %arg6: memref<262144xi32, #tpu.memory_space<hbm>>, %arg7: memref<4194304xf32, #tpu.memory_space<hbm>>, %arg8: memref<262144xi32, #tpu.memory_space<vmem_shared>>, %arg9: memref<9x16xf32, #tpu.memory_space<vmem>>, %arg10: memref<2048xf32, #tpu.memory_space<vmem>>, %arg11: memref<2048xf32, #tpu.memory_space<vmem>>, %arg12: memref<2048xf32, #tpu.memory_space<vmem>>, %arg13: memref<6x2048xf32, #tpu.memory_space<vmem>>, %arg14: memref<2048xf32, #tpu.memory_space<vmem>>, %arg15: memref<1024xi32, #tpu.memory_space<vmem>>, %arg16: memref<1024xi32, #tpu.memory_space<vmem>>, %arg17: memref<1024xi32, #tpu.memory_space<vmem>>, %arg18: memref<1024xi32, #tpu.memory_space<vmem>>, %arg19: memref<1024xi32, #tpu.memory_space<vmem>>, %arg20: memref<1024xi32, #tpu.memory_space<vmem>>, %arg21: memref<1024xi32, #tpu.memory_space<vmem>>, %arg22: memref<1024xi32, #tpu.memory_space<vmem>>, %arg23: memref<1024xi32, #tpu.memory_space<vmem>>, %arg24: memref<1024xi32, #tpu.memory_space<vmem>>, %arg25: memref<1024xi32, #tpu.memory_space<vmem>>, %arg26: memref<1024xi32, #tpu.memory_space<vmem>>, %arg27: memref<1024xi32, #tpu.memory_space<vmem>>, %arg28: memref<1024xi32, #tpu.memory_space<vmem>>, %arg29: memref<1024xi32, #tpu.memory_space<vmem>>, %arg30: memref<1024xi32, #tpu.memory_space<vmem>>, %arg31: memref<!tpu.dma_semaphore, #tpu.memory_space<semaphore_mem>>, %arg32: memref<!tpu.dma_semaphore, #tpu.memory_space<semaphore_mem>>, %arg33: memref<!tpu.dma_semaphore, #tpu.memory_space<semaphore_mem>>) attributes {dimension_semantics = [#tpu.dimension_semantics<core_parallel>, #tpu.dimension_semantics<subcore_parallel>], iteration_bounds = array<i64: 2, 16>, scalar_prefetch = 0 : i64, scratch_operands = 26 : i64, tpu.core_type = #tpu.core_type<sc_vector_subcore>, window_params = [{transform_indices = #map}, {transform_indices = #map}, {transform_indices = #map}, {transform_indices = #map1}, {transform_indices = #map}, {transform_indices = #map}]} {
    %mul3A = arith.constant 16 : i32
    %mul3A_0 = arith.muli %arg0, %mul3A : i32
    %add3A = arith.addi %mul3A_0, %arg1 : i32
    %eq3A = arith.constant 0 : i32
    %eq3A_1 = arith.cmpi eq, %arg1, %eq3A : i32
    %convert_element_type3A = arith.extui %eq3A_1 : i1 to i32
    %cond3A = arith.constant 0 : i32
    %cond3A_2 = arith.cmpi ne, %convert_element_type3A, %cond3A : i32
    scf.if %cond3A_2 {
      "tpu.region"() ({
        %run_scoped3A = tpu.sem_alloc : memref<!tpu.dma_semaphore, #tpu.memory_space<semaphore_mem>>
        tpu.enqueue_dma source(%arg6 : memref<262144xi32, #tpu.memory_space<hbm>>) target(%arg8 : memref<262144xi32, #tpu.memory_space<vmem_shared>>) target_semaphore(%run_scoped3A : memref<!tpu.dma_semaphore, #tpu.memory_space<semaphore_mem>>)
        tpu.wait_dma2 semaphore(%run_scoped3A : memref<!tpu.dma_semaphore, #tpu.memory_space<semaphore_mem>>) src(%arg6 : memref<262144xi32, #tpu.memory_space<hbm>>) dst(%arg8 : memref<262144xi32, #tpu.memory_space<vmem_shared>>)
        tpu.yield
      }) : () -> ()
    } else {
    }
    "tpu.region"() ({
      %run_scoped3A = tpu.sem_alloc : memref<!tpu.dma_semaphore, #tpu.memory_space<semaphore_mem>>
      tpu.enqueue_dma source(%arg5 : memref<9x16xf32, #tpu.memory_space<hbm>>) target(%arg9 : memref<9x16xf32, #tpu.memory_space<vmem>>) target_semaphore(%run_scoped3A : memref<!tpu.dma_semaphore, #tpu.memory_space<semaphore_mem>>)
      tpu.wait_dma2 semaphore(%run_scoped3A : memref<!tpu.dma_semaphore, #tpu.memory_space<semaphore_mem>>) src(%arg5 : memref<9x16xf32, #tpu.memory_space<hbm>>) dst(%arg9 : memref<9x16xf32, #tpu.memory_space<vmem>>)
      tpu.yield
    }) : () -> ()
    %barrier3A = arith.constant 0 : index
    tpu.barrier barrier_id(%barrier3A)
    %mul3A_3 = arith.constant 131072 : i32
    %mul3A_4 = arith.muli %add3A, %mul3A_3 : i32
    %dma_start3A = arith.constant 0 : i32
    %dma_start3A_5 = tpu.memref_slice %arg10[%dma_start3A] : memref<2048xf32, #tpu.memory_space<vmem>> -> memref<1024xf32, #tpu.memory_space<vmem>>
    %dma_start3A_6 = tpu.memref_slice %arg2[%mul3A_4] : memref<4194304xf32, #tpu.memory_space<hbm>> -> memref<1024xf32, #tpu.memory_space<hbm>>
    %dma_start3A_7 = arith.constant 0 : i32
    %dma_start3A_8 = tpu.memref_slice %arg10[%dma_start3A_7] : memref<2048xf32, #tpu.memory_space<vmem>> -> memref<1024xf32, #tpu.memory_space<vmem>>
    %dma_start3A_9 = tpu.memref_slice %arg2[%mul3A_4] : memref<4194304xf32, #tpu.memory_space<hbm>> -> memref<1024xf32, #tpu.memory_space<hbm>>
    tpu.enqueue_dma source(%dma_start3A_9 : memref<1024xf32, #tpu.memory_space<hbm>>) target(%dma_start3A_8 : memref<1024xf32, #tpu.memory_space<vmem>>) target_semaphore(%arg31 : memref<!tpu.dma_semaphore, #tpu.memory_space<semaphore_mem>>)
    %dma_start3A_10 = arith.constant 0 : i32
    %dma_start3A_11 = tpu.memref_slice %arg11[%dma_start3A_10] : memref<2048xf32, #tpu.memory_space<vmem>> -> memref<1024xf32, #tpu.memory_space<vmem>>
    %dma_start3A_12 = tpu.memref_slice %arg3[%mul3A_4] : memref<4194304xf32, #tpu.memory_space<hbm>> -> memref<1024xf32, #tpu.memory_space<hbm>>
    %dma_start3A_13 = arith.constant 0 : i32
    %dma_start3A_14 = tpu.memref_slice %arg11[%dma_start3A_13] : memref<2048xf32, #tpu.memory_space<vmem>> -> memref<1024xf32, #tpu.memory_space<vmem>>
    %dma_start3A_15 = tpu.memref_slice %arg3[%mul3A_4] : memref<4194304xf32, #tpu.memory_space<hbm>> -> memref<1024xf32, #tpu.memory_space<hbm>>
    tpu.enqueue_dma source(%dma_start3A_15 : memref<1024xf32, #tpu.memory_space<hbm>>) target(%dma_start3A_14 : memref<1024xf32, #tpu.memory_space<vmem>>) target_semaphore(%arg31 : memref<!tpu.dma_semaphore, #tpu.memory_space<semaphore_mem>>)
    %dma_start3A_16 = arith.constant 0 : i32
    %dma_start3A_17 = tpu.memref_slice %arg12[%dma_start3A_16] : memref<2048xf32, #tpu.memory_space<vmem>> -> memref<1024xf32, #tpu.memory_space<vmem>>
    %dma_start3A_18 = tpu.memref_slice %arg4[%mul3A_4] : memref<4194304xf32, #tpu.memory_space<hbm>> -> memref<1024xf32, #tpu.memory_space<hbm>>
    %dma_start3A_19 = arith.constant 0 : i32
    %dma_start3A_20 = tpu.memref_slice %arg12[%dma_start3A_19] : memref<2048xf32, #tpu.memory_space<vmem>> -> memref<1024xf32, #tpu.memory_space<vmem>>
    %dma_start3A_21 = tpu.memref_slice %arg4[%mul3A_4] : memref<4194304xf32, #tpu.memory_space<hbm>> -> memref<1024xf32, #tpu.memory_space<hbm>>
    tpu.enqueue_dma source(%dma_start3A_21 : memref<1024xf32, #tpu.memory_space<hbm>>) target(%dma_start3A_20 : memref<1024xf32, #tpu.memory_space<vmem>>) target_semaphore(%arg31 : memref<!tpu.dma_semaphore, #tpu.memory_space<semaphore_mem>>)
    %scan3A = arith.constant 0 : i32
    %scan3A_22 = arith.constant 64 : i32
    %scan3A_23 = arith.addi %scan3A, %scan3A_22 : i32
    %scan3A_24 = arith.constant 1 : i32
    scf.for %scan3A_59 = %scan3A to %scan3A_23 step %scan3A_24  : i32 {
      %mul3A_60 = arith.constant 2 : i32
      %mul3A_61 = arith.muli %mul3A_60, %scan3A_59 : i32
      %mul3A_62 = arith.constant 1024 : i32
      %mul3A_63 = arith.muli %mul3A_61, %mul3A_62 : i32
      %add3A_64 = arith.addi %mul3A_4, %mul3A_63 : i32
      %add3A_65 = arith.constant 1024 : i32
      %add3A_66 = arith.addi %add3A_64, %add3A_65 : i32
      %dma_wait3A_67 = arith.constant 0 : i32
      %dma_wait3A_68 = tpu.memref_slice %arg10[%dma_wait3A_67] : memref<2048xf32, #tpu.memory_space<vmem>> -> memref<1024xf32, #tpu.memory_space<vmem>>
      %dma_wait3A_69 = tpu.memref_slice %arg2[%add3A_64] : memref<4194304xf32, #tpu.memory_space<hbm>> -> memref<1024xf32, #tpu.memory_space<hbm>>
      %dma_wait3A_70 = arith.constant 0 : i32
      %dma_wait3A_71 = tpu.memref_slice %arg10[%dma_wait3A_70] : memref<2048xf32, #tpu.memory_space<vmem>> -> memref<1024xf32, #tpu.memory_space<vmem>>
      %dma_wait3A_72 = tpu.memref_slice %arg2[%add3A_64] : memref<4194304xf32, #tpu.memory_space<hbm>> -> memref<1024xf32, #tpu.memory_space<hbm>>
      tpu.wait_dma2 semaphore(%arg31 : memref<!tpu.dma_semaphore, #tpu.memory_space<semaphore_mem>>) src(%dma_wait3A_72 : memref<1024xf32, #tpu.memory_space<hbm>>) dst(%dma_wait3A_71 : memref<1024xf32, #tpu.memory_space<vmem>>)
      %dma_wait3A_73 = arith.constant 0 : i32
      %dma_wait3A_74 = tpu.memref_slice %arg11[%dma_wait3A_73] : memref<2048xf32, #tpu.memory_space<vmem>> -> memref<1024xf32, #tpu.memory_space<vmem>>
      %dma_wait3A_75 = tpu.memref_slice %arg3[%add3A_64] : memref<4194304xf32, #tpu.memory_space<hbm>> -> memref<1024xf32, #tpu.memory_space<hbm>>
      %dma_wait3A_76 = arith.constant 0 : i32
      %dma_wait3A_77 = tpu.memref_slice %arg11[%dma_wait3A_76] : memref<2048xf32, #tpu.memory_space<vmem>> -> memref<1024xf32, #tpu.memory_space<vmem>>
      %dma_wait3A_78 = tpu.memref_slice %arg3[%add3A_64] : memref<4194304xf32, #tpu.memory_space<hbm>> -> memref<1024xf32, #tpu.memory_space<hbm>>
      tpu.wait_dma2 semaphore(%arg31 : memref<!tpu.dma_semaphore, #tpu.memory_space<semaphore_mem>>) src(%dma_wait3A_78 : memref<1024xf32, #tpu.memory_space<hbm>>) dst(%dma_wait3A_77 : memref<1024xf32, #tpu.memory_space<vmem>>)
      %dma_wait3A_79 = arith.constant 0 : i32
      %dma_wait3A_80 = tpu.memref_slice %arg12[%dma_wait3A_79] : memref<2048xf32, #tpu.memory_space<vmem>> -> memref<1024xf32, #tpu.memory_space<vmem>>
      %dma_wait3A_81 = tpu.memref_slice %arg4[%add3A_64] : memref<4194304xf32, #tpu.memory_space<hbm>> -> memref<1024xf32, #tpu.memory_space<hbm>>
      %dma_wait3A_82 = arith.constant 0 : i32
      %dma_wait3A_83 = tpu.memref_slice %arg12[%dma_wait3A_82] : memref<2048xf32, #tpu.memory_space<vmem>> -> memref<1024xf32, #tpu.memory_space<vmem>>
      %dma_wait3A_84 = tpu.memref_slice %arg4[%add3A_64] : memref<4194304xf32, #tpu.memory_space<hbm>> -> memref<1024xf32, #tpu.memory_space<hbm>>
      tpu.wait_dma2 semaphore(%arg31 : memref<!tpu.dma_semaphore, #tpu.memory_space<semaphore_mem>>) src(%dma_wait3A_84 : memref<1024xf32, #tpu.memory_space<hbm>>) dst(%dma_wait3A_83 : memref<1024xf32, #tpu.memory_space<vmem>>)
      %dma_start3A_85 = arith.constant 1024 : i32
      %dma_start3A_86 = tpu.memref_slice %arg10[%dma_start3A_85] : memref<2048xf32, #tpu.memory_space<vmem>> -> memref<1024xf32, #tpu.memory_space<vmem>>
      %dma_start3A_87 = tpu.memref_slice %arg2[%add3A_66] : memref<4194304xf32, #tpu.memory_space<hbm>> -> memref<1024xf32, #tpu.memory_space<hbm>>
      %dma_start3A_88 = arith.constant 1024 : i32
      %dma_start3A_89 = tpu.memref_slice %arg10[%dma_start3A_88] : memref<2048xf32, #tpu.memory_space<vmem>> -> memref<1024xf32, #tpu.memory_space<vmem>>
      %dma_start3A_90 = tpu.memref_slice %arg2[%add3A_66] : memref<4194304xf32, #tpu.memory_space<hbm>> -> memref<1024xf32, #tpu.memory_space<hbm>>
      tpu.enqueue_dma source(%dma_start3A_90 : memref<1024xf32, #tpu.memory_space<hbm>>) target(%dma_start3A_89 : memref<1024xf32, #tpu.memory_space<vmem>>) target_semaphore(%arg31 : memref<!tpu.dma_semaphore, #tpu.memory_space<semaphore_mem>>)
      %dma_start3A_91 = arith.constant 1024 : i32
      %dma_start3A_92 = tpu.memref_slice %arg11[%dma_start3A_91] : memref<2048xf32, #tpu.memory_space<vmem>> -> memref<1024xf32, #tpu.memory_space<vmem>>
      %dma_start3A_93 = tpu.memref_slice %arg3[%add3A_66] : memref<4194304xf32, #tpu.memory_space<hbm>> -> memref<1024xf32, #tpu.memory_space<hbm>>
      %dma_start3A_94 = arith.constant 1024 : i32
      %dma_start3A_95 = tpu.memref_slice %arg11[%dma_start3A_94] : memref<2048xf32, #tpu.memory_space<vmem>> -> memref<1024xf32, #tpu.memory_space<vmem>>
      %dma_start3A_96 = tpu.memref_slice %arg3[%add3A_66] : memref<4194304xf32, #tpu.memory_space<hbm>> -> memref<1024xf32, #tpu.memory_space<hbm>>
      tpu.enqueue_dma source(%dma_start3A_96 : memref<1024xf32, #tpu.memory_space<hbm>>) target(%dma_start3A_95 : memref<1024xf32, #tpu.memory_space<vmem>>) target_semaphore(%arg31 : memref<!tpu.dma_semaphore, #tpu.memory_space<semaphore_mem>>)
      %dma_start3A_97 = arith.constant 1024 : i32
      %dma_start3A_98 = tpu.memref_slice %arg12[%dma_start3A_97] : memref<2048xf32, #tpu.memory_space<vmem>> -> memref<1024xf32, #tpu.memory_space<vmem>>
      %dma_start3A_99 = tpu.memref_slice %arg4[%add3A_66] : memref<4194304xf32, #tpu.memory_space<hbm>> -> memref<1024xf32, #tpu.memory_space<hbm>>
      %dma_start3A_100 = arith.constant 1024 : i32
      %dma_start3A_101 = tpu.memref_slice %arg12[%dma_start3A_100] : memref<2048xf32, #tpu.memory_space<vmem>> -> memref<1024xf32, #tpu.memory_space<vmem>>
      %dma_start3A_102 = tpu.memref_slice %arg4[%add3A_66] : memref<4194304xf32, #tpu.memory_space<hbm>> -> memref<1024xf32, #tpu.memory_space<hbm>>
      tpu.enqueue_dma source(%dma_start3A_102 : memref<1024xf32, #tpu.memory_space<hbm>>) target(%dma_start3A_101 : memref<1024xf32, #tpu.memory_space<vmem>>) target_semaphore(%arg31 : memref<!tpu.dma_semaphore, #tpu.memory_space<semaphore_mem>>)
      %parallel_loop3A_103 = arith.constant 0 : i32
      %parallel_loop3A_104 = arith.constant 64 : i32
      %parallel_loop3A_105 = arith.constant 1 : i32
      scf.for %parallel_loop3A_180 = %parallel_loop3A_103 to %parallel_loop3A_104 step %parallel_loop3A_105  : i32 {
        %parallel_loop3A_181 = arith.constant 16 : i32
        %parallel_loop3A_182 = arith.muli %parallel_loop3A_180, %parallel_loop3A_181 : i32
        %parallel_loop3A_183 = arith.constant 0 : i32
        %parallel_loop3A_184 = arith.addi %parallel_loop3A_183, %parallel_loop3A_182 : i32
        %parallel_loop3A_185 = arith.constant 0 : i32
        %parallel_loop3A_186 = arith.index_cast %parallel_loop3A_185 : i32 to index
        %parallel_loop3A_187 = arith.constant 0 : index
        %parallel_loop3A_188 = tpu.vector_load %arg9[%parallel_loop3A_186, %parallel_loop3A_187] {strides = array<i32>} : memref<9x16xf32, #tpu.memory_space<vmem>>, vector<1x16xf32>,
        %parallel_loop3A_189 = vector.shape_cast %parallel_loop3A_188 : vector<1x16xf32> to vector<16xf32>
        %parallel_loop3A_190 = arith.constant 1 : i32
        %parallel_loop3A_191 = arith.index_cast %parallel_loop3A_190 : i32 to index
        %parallel_loop3A_192 = arith.constant 0 : index
        %parallel_loop3A_193 = tpu.vector_load %arg9[%parallel_loop3A_191, %parallel_loop3A_192] {strides = array<i32>} : memref<9x16xf32, #tpu.memory_space<vmem>>, vector<1x16xf32>,
        %parallel_loop3A_194 = vector.shape_cast %parallel_loop3A_193 : vector<1x16xf32> to vector<16xf32>
        %parallel_loop3A_195 = arith.constant 2 : i32
        %parallel_loop3A_196 = arith.index_cast %parallel_loop3A_195 : i32 to index
        %parallel_loop3A_197 = arith.constant 0 : index
        %parallel_loop3A_198 = tpu.vector_load %arg9[%parallel_loop3A_196, %parallel_loop3A_197] {strides = array<i32>} : memref<9x16xf32, #tpu.memory_space<vmem>>, vector<1x16xf32>,
        %parallel_loop3A_199 = vector.shape_cast %parallel_loop3A_198 : vector<1x16xf32> to vector<16xf32>
        %parallel_loop3A_200 = arith.constant 3 : i32
        %parallel_loop3A_201 = arith.index_cast %parallel_loop3A_200 : i32 to index
        %parallel_loop3A_202 = arith.constant 0 : index
        %parallel_loop3A_203 = tpu.vector_load %arg9[%parallel_loop3A_201, %parallel_loop3A_202] {strides = array<i32>} : memref<9x16xf32, #tpu.memory_space<vmem>>, vector<1x16xf32>,
        %parallel_loop3A_204 = vector.shape_cast %parallel_loop3A_203 : vector<1x16xf32> to vector<16xf32>
        %parallel_loop3A_205 = arith.constant 4 : i32
        %parallel_loop3A_206 = arith.index_cast %parallel_loop3A_205 : i32 to index
        %parallel_loop3A_207 = arith.constant 0 : index
        %parallel_loop3A_208 = tpu.vector_load %arg9[%parallel_loop3A_206, %parallel_loop3A_207] {strides = array<i32>} : memref<9x16xf32, #tpu.memory_space<vmem>>, vector<1x16xf32>,
        %parallel_loop3A_209 = vector.shape_cast %parallel_loop3A_208 : vector<1x16xf32> to vector<16xf32>
        %parallel_loop3A_210 = arith.constant 5 : i32
        %parallel_loop3A_211 = arith.index_cast %parallel_loop3A_210 : i32 to index
        %parallel_loop3A_212 = arith.constant 0 : index
        %parallel_loop3A_213 = tpu.vector_load %arg9[%parallel_loop3A_211, %parallel_loop3A_212] {strides = array<i32>} : memref<9x16xf32, #tpu.memory_space<vmem>>, vector<1x16xf32>,
        %parallel_loop3A_214 = vector.shape_cast %parallel_loop3A_213 : vector<1x16xf32> to vector<16xf32>
        %parallel_loop3A_215 = arith.constant 6 : i32
        %parallel_loop3A_216 = arith.index_cast %parallel_loop3A_215 : i32 to index
        %parallel_loop3A_217 = arith.constant 0 : index
        %parallel_loop3A_218 = tpu.vector_load %arg9[%parallel_loop3A_216, %parallel_loop3A_217] {strides = array<i32>} : memref<9x16xf32, #tpu.memory_space<vmem>>, vector<1x16xf32>,
        %parallel_loop3A_219 = vector.shape_cast %parallel_loop3A_218 : vector<1x16xf32> to vector<16xf32>
        %parallel_loop3A_220 = arith.constant 7 : i32
        %parallel_loop3A_221 = arith.index_cast %parallel_loop3A_220 : i32 to index
        %parallel_loop3A_222 = arith.constant 0 : index
        %parallel_loop3A_223 = tpu.vector_load %arg9[%parallel_loop3A_221, %parallel_loop3A_222] {strides = array<i32>} : memref<9x16xf32, #tpu.memory_space<vmem>>, vector<1x16xf32>,
        %parallel_loop3A_224 = vector.shape_cast %parallel_loop3A_223 : vector<1x16xf32> to vector<16xf32>
        %parallel_loop3A_225 = arith.constant 8 : i32
        %parallel_loop3A_226 = arith.index_cast %parallel_loop3A_225 : i32 to index
        %parallel_loop3A_227 = arith.constant 0 : index
        %parallel_loop3A_228 = tpu.vector_load %arg9[%parallel_loop3A_226, %parallel_loop3A_227] {strides = array<i32>} : memref<9x16xf32, #tpu.memory_space<vmem>>, vector<1x16xf32>,
        %parallel_loop3A_229 = vector.shape_cast %parallel_loop3A_228 : vector<1x16xf32> to vector<16xf32>
        %parallel_loop3A_230 = arith.index_cast %parallel_loop3A_184 : i32 to index
        %parallel_loop3A_231 = tpu.vector_load %arg10[%parallel_loop3A_230] {strides = array<i32>} : memref<2048xf32, #tpu.memory_space<vmem>>, vector<16xf32>,
        %parallel_loop3A_232 = vector.shape_cast %parallel_loop3A_231 : vector<16xf32> to vector<16xf32>
        %parallel_loop3A_233 = arith.index_cast %parallel_loop3A_184 : i32 to index
        %parallel_loop3A_234 = tpu.vector_load %arg11[%parallel_loop3A_233] {strides = array<i32>} : memref<2048xf32, #tpu.memory_space<vmem>>, vector<16xf32>,
        %parallel_loop3A_235 = vector.shape_cast %parallel_loop3A_234 : vector<16xf32> to vector<16xf32>
        %parallel_loop3A_236 = arith.index_cast %parallel_loop3A_184 : i32 to index
        %parallel_loop3A_237 = tpu.vector_load %arg12[%parallel_loop3A_236] {strides = array<i32>} : memref<2048xf32, #tpu.memory_space<vmem>>, vector<16xf32>,
        %parallel_loop3A_238 = vector.shape_cast %parallel_loop3A_237 : vector<16xf32> to vector<16xf32>
        %parallel_loop3A_239 = arith.mulf %parallel_loop3A_189, %parallel_loop3A_232 : vector<16xf32>
        %parallel_loop3A_240 = arith.mulf %parallel_loop3A_194, %parallel_loop3A_235 : vector<16xf32>
        %parallel_loop3A_241 = arith.addf %parallel_loop3A_239, %parallel_loop3A_240 : vector<16xf32>
        %parallel_loop3A_242 = arith.mulf %parallel_loop3A_199, %parallel_loop3A_238 : vector<16xf32>
        %parallel_loop3A_243 = arith.addf %parallel_loop3A_241, %parallel_loop3A_242 : vector<16xf32>
        %parallel_loop3A_244 = arith.constant 3.350000e+01 : f32
        %parallel_loop3A_245 = vector.broadcast %parallel_loop3A_244 : f32 to vector<16xf32>
        %parallel_loop3A_246 = arith.addf %parallel_loop3A_243, %parallel_loop3A_245 : vector<16xf32>
        %parallel_loop3A_247 = arith.mulf %parallel_loop3A_204, %parallel_loop3A_232 : vector<16xf32>
        %parallel_loop3A_248 = arith.mulf %parallel_loop3A_209, %parallel_loop3A_235 : vector<16xf32>
        %parallel_loop3A_249 = arith.addf %parallel_loop3A_247, %parallel_loop3A_248 : vector<16xf32>
        %parallel_loop3A_250 = arith.mulf %parallel_loop3A_214, %parallel_loop3A_238 : vector<16xf32>
        %parallel_loop3A_251 = arith.addf %parallel_loop3A_249, %parallel_loop3A_250 : vector<16xf32>
        %parallel_loop3A_252 = arith.constant 3.350000e+01 : f32
        %parallel_loop3A_253 = vector.broadcast %parallel_loop3A_252 : f32 to vector<16xf32>
        %parallel_loop3A_254 = arith.addf %parallel_loop3A_251, %parallel_loop3A_253 : vector<16xf32>
        %parallel_loop3A_255 = arith.mulf %parallel_loop3A_219, %parallel_loop3A_232 : vector<16xf32>
        %parallel_loop3A_256 = arith.mulf %parallel_loop3A_224, %parallel_loop3A_235 : vector<16xf32>
        %parallel_loop3A_257 = arith.addf %parallel_loop3A_255, %parallel_loop3A_256 : vector<16xf32>
        %parallel_loop3A_258 = arith.mulf %parallel_loop3A_229, %parallel_loop3A_238 : vector<16xf32>
        %parallel_loop3A_259 = arith.addf %parallel_loop3A_257, %parallel_loop3A_258 : vector<16xf32>
        %parallel_loop3A_260 = arith.constant 3.350000e+01 : f32
        %parallel_loop3A_261 = vector.broadcast %parallel_loop3A_260 : f32 to vector<16xf32>
        %parallel_loop3A_262 = arith.addf %parallel_loop3A_259, %parallel_loop3A_261 : vector<16xf32>
        %parallel_loop3A_263 = arith.constant 0.000000e+00 : f32
        %parallel_loop3A_264 = vector.broadcast %parallel_loop3A_263 : f32 to vector<16xf32>
        %parallel_loop3A_265 = math.absf %parallel_loop3A_246 : vector<16xf32>
        %parallel_loop3A_266 = arith.constant 3.40282347E+38 : f32
        %parallel_loop3A_267 = vector.broadcast %parallel_loop3A_266 : f32 to vector<16xf32>
        %parallel_loop3A_268 = arith.cmpf ole, %parallel_loop3A_265, %parallel_loop3A_267 : vector<16xf32>
        %parallel_loop3A_269 = math.absf %parallel_loop3A_254 : vector<16xf32>
        %parallel_loop3A_270 = arith.constant 3.40282347E+38 : f32
        %parallel_loop3A_271 = vector.broadcast %parallel_loop3A_270 : f32 to vector<16xf32>
        %parallel_loop3A_272 = arith.cmpf ole, %parallel_loop3A_269, %parallel_loop3A_271 : vector<16xf32>
        %parallel_loop3A_273 = math.absf %parallel_loop3A_262 : vector<16xf32>
        %parallel_loop3A_274 = arith.constant 3.40282347E+38 : f32
        %parallel_loop3A_275 = vector.broadcast %parallel_loop3A_274 : f32 to vector<16xf32>
        %parallel_loop3A_276 = arith.cmpf ole, %parallel_loop3A_273, %parallel_loop3A_275 : vector<16xf32>
        %parallel_loop3A_277 = arith.constant 3.350000e+01 : f32
        %parallel_loop3A_278 = vector.broadcast %parallel_loop3A_277 : f32 to vector<16xf32>
        %parallel_loop3A_279 = arith.select %parallel_loop3A_268, %parallel_loop3A_246, %parallel_loop3A_278 : vector<16xi1>, vector<16xf32>
        %parallel_loop3A_280 = arith.select %parallel_loop3A_272, %parallel_loop3A_254, %parallel_loop3A_278 : vector<16xi1>, vector<16xf32>
        %parallel_loop3A_281 = arith.select %parallel_loop3A_276, %parallel_loop3A_262, %parallel_loop3A_278 : vector<16xi1>, vector<16xf32>
        %parallel_loop3A_282 = arith.constant 0.000000e+00 : f32
        %parallel_loop3A_283 = arith.constant 6.800000e+01 : f32
        %parallel_loop3A_284 = vector.broadcast %parallel_loop3A_282 : f32 to vector<16xf32>
        %parallel_loop3A_285 = arith.maximumf %parallel_loop3A_284, %parallel_loop3A_279 : vector<16xf32>
        %parallel_loop3A_286 = vector.broadcast %parallel_loop3A_283 : f32 to vector<16xf32>
        %parallel_loop3A_287 = arith.minimumf %parallel_loop3A_286, %parallel_loop3A_285 : vector<16xf32>
        %parallel_loop3A_288 = arith.fptosi %parallel_loop3A_287 : vector<16xf32> to vector<16xi32>
        %parallel_loop3A_289 = arith.sitofp %parallel_loop3A_288 : vector<16xi32> to vector<16xf32>
        %parallel_loop3A_290 = arith.subf %parallel_loop3A_287, %parallel_loop3A_289 : vector<16xf32>
        %parallel_loop3A_291 = arith.constant 2.000000e+00 : f32
        %parallel_loop3A_292 = vector.broadcast %parallel_loop3A_291 : f32 to vector<16xf32>
        %parallel_loop3A_293 = arith.cmpf oge, %parallel_loop3A_289, %parallel_loop3A_292 : vector<16xf32>
        %parallel_loop3A_294 = arith.constant 1.000000e+00 : f32
        %parallel_loop3A_295 = vector.broadcast %parallel_loop3A_294 : f32 to vector<16xf32>
        %parallel_loop3A_296 = arith.subf %parallel_loop3A_295, %parallel_loop3A_290 : vector<16xf32>
        %parallel_loop3A_297 = arith.select %parallel_loop3A_293, %parallel_loop3A_296, %parallel_loop3A_264 : vector<16xi1>, vector<16xf32>
        %parallel_loop3A_298 = arith.constant 6.500000e+01 : f32
        %parallel_loop3A_299 = vector.broadcast %parallel_loop3A_298 : f32 to vector<16xf32>
        %parallel_loop3A_300 = arith.cmpf ole, %parallel_loop3A_289, %parallel_loop3A_299 : vector<16xf32>
        %parallel_loop3A_301 = arith.select %parallel_loop3A_300, %parallel_loop3A_297, %parallel_loop3A_264 : vector<16xi1>, vector<16xf32>
        %parallel_loop3A_302 = arith.constant 1.000000e+00 : f32
        %parallel_loop3A_303 = vector.broadcast %parallel_loop3A_302 : f32 to vector<16xf32>
        %parallel_loop3A_304 = arith.cmpf oge, %parallel_loop3A_289, %parallel_loop3A_303 : vector<16xf32>
        %parallel_loop3A_305 = arith.select %parallel_loop3A_304, %parallel_loop3A_290, %parallel_loop3A_264 : vector<16xi1>, vector<16xf32>
        %parallel_loop3A_306 = arith.constant 6.400000e+01 : f32
        %parallel_loop3A_307 = vector.broadcast %parallel_loop3A_306 : f32 to vector<16xf32>
        %parallel_loop3A_308 = arith.cmpf ole, %parallel_loop3A_289, %parallel_loop3A_307 : vector<16xf32>
        %parallel_loop3A_309 = arith.select %parallel_loop3A_308, %parallel_loop3A_305, %parallel_loop3A_264 : vector<16xi1>, vector<16xf32>
        %parallel_loop3A_310 = arith.constant 0.000000e+00 : f32
        %parallel_loop3A_311 = arith.constant 6.800000e+01 : f32
        %parallel_loop3A_312 = vector.broadcast %parallel_loop3A_310 : f32 to vector<16xf32>
        %parallel_loop3A_313 = arith.maximumf %parallel_loop3A_312, %parallel_loop3A_280 : vector<16xf32>
        %parallel_loop3A_314 = vector.broadcast %parallel_loop3A_311 : f32 to vector<16xf32>
        %parallel_loop3A_315 = arith.minimumf %parallel_loop3A_314, %parallel_loop3A_313 : vector<16xf32>
        %parallel_loop3A_316 = arith.fptosi %parallel_loop3A_315 : vector<16xf32> to vector<16xi32>
        %parallel_loop3A_317 = arith.sitofp %parallel_loop3A_316 : vector<16xi32> to vector<16xf32>
        %parallel_loop3A_318 = arith.subf %parallel_loop3A_315, %parallel_loop3A_317 : vector<16xf32>
        %parallel_loop3A_319 = arith.constant 2.000000e+00 : f32
        %parallel_loop3A_320 = vector.broadcast %parallel_loop3A_319 : f32 to vector<16xf32>
        %parallel_loop3A_321 = arith.cmpf oge, %parallel_loop3A_317, %parallel_loop3A_320 : vector<16xf32>
        %parallel_loop3A_322 = arith.constant 1.000000e+00 : f32
        %parallel_loop3A_323 = vector.broadcast %parallel_loop3A_322 : f32 to vector<16xf32>
        %parallel_loop3A_324 = arith.subf %parallel_loop3A_323, %parallel_loop3A_318 : vector<16xf32>
        %parallel_loop3A_325 = arith.select %parallel_loop3A_321, %parallel_loop3A_324, %parallel_loop3A_264 : vector<16xi1>, vector<16xf32>
        %parallel_loop3A_326 = arith.constant 6.500000e+01 : f32
        %parallel_loop3A_327 = vector.broadcast %parallel_loop3A_326 : f32 to vector<16xf32>
        %parallel_loop3A_328 = arith.cmpf ole, %parallel_loop3A_317, %parallel_loop3A_327 : vector<16xf32>
        %parallel_loop3A_329 = arith.select %parallel_loop3A_328, %parallel_loop3A_325, %parallel_loop3A_264 : vector<16xi1>, vector<16xf32>
        %parallel_loop3A_330 = arith.constant 1.000000e+00 : f32
        %parallel_loop3A_331 = vector.broadcast %parallel_loop3A_330 : f32 to vector<16xf32>
        %parallel_loop3A_332 = arith.cmpf oge, %parallel_loop3A_317, %parallel_loop3A_331 : vector<16xf32>
        %parallel_loop3A_333 = arith.select %parallel_loop3A_332, %parallel_loop3A_318, %parallel_loop3A_264 : vector<16xi1>, vector<16xf32>
        %parallel_loop3A_334 = arith.constant 6.400000e+01 : f32
        %parallel_loop3A_335 = vector.broadcast %parallel_loop3A_334 : f32 to vector<16xf32>
        %parallel_loop3A_336 = arith.cmpf ole, %parallel_loop3A_317, %parallel_loop3A_335 : vector<16xf32>
        %parallel_loop3A_337 = arith.select %parallel_loop3A_336, %parallel_loop3A_333, %parallel_loop3A_264 : vector<16xi1>, vector<16xf32>
        %parallel_loop3A_338 = arith.constant 0.000000e+00 : f32
        %parallel_loop3A_339 = arith.constant 6.800000e+01 : f32
        %parallel_loop3A_340 = vector.broadcast %parallel_loop3A_338 : f32 to vector<16xf32>
        %parallel_loop3A_341 = arith.maximumf %parallel_loop3A_340, %parallel_loop3A_281 : vector<16xf32>
        %parallel_loop3A_342 = vector.broadcast %parallel_loop3A_339 : f32 to vector<16xf32>
        %parallel_loop3A_343 = arith.minimumf %parallel_loop3A_342, %parallel_loop3A_341 : vector<16xf32>
        %parallel_loop3A_344 = arith.fptosi %parallel_loop3A_343 : vector<16xf32> to vector<16xi32>
        %parallel_loop3A_345 = arith.sitofp %parallel_loop3A_344 : vector<16xi32> to vector<16xf32>
        %parallel_loop3A_346 = arith.subf %parallel_loop3A_343, %parallel_loop3A_345 : vector<16xf32>
        %parallel_loop3A_347 = arith.constant 2.000000e+00 : f32
        %parallel_loop3A_348 = vector.broadcast %parallel_loop3A_347 : f32 to vector<16xf32>
        %parallel_loop3A_349 = arith.cmpf oge, %parallel_loop3A_345, %parallel_loop3A_348 : vector<16xf32>
        %parallel_loop3A_350 = arith.constant 1.000000e+00 : f32
        %parallel_loop3A_351 = vector.broadcast %parallel_loop3A_350 : f32 to vector<16xf32>
        %parallel_loop3A_352 = arith.subf %parallel_loop3A_351, %parallel_loop3A_346 : vector<16xf32>
        %parallel_loop3A_353 = arith.select %parallel_loop3A_349, %parallel_loop3A_352, %parallel_loop3A_264 : vector<16xi1>, vector<16xf32>
        %parallel_loop3A_354 = arith.constant 6.500000e+01 : f32
        %parallel_loop3A_355 = vector.broadcast %parallel_loop3A_354 : f32 to vector<16xf32>
        %parallel_loop3A_356 = arith.cmpf ole, %parallel_loop3A_345, %parallel_loop3A_355 : vector<16xf32>
        %parallel_loop3A_357 = arith.select %parallel_loop3A_356, %parallel_loop3A_353, %parallel_loop3A_264 : vector<16xi1>, vector<16xf32>
        %parallel_loop3A_358 = arith.constant 1.000000e+00 : f32
        %parallel_loop3A_359 = vector.broadcast %parallel_loop3A_358 : f32 to vector<16xf32>
        %parallel_loop3A_360 = arith.cmpf oge, %parallel_loop3A_345, %parallel_loop3A_359 : vector<16xf32>
        %parallel_loop3A_361 = arith.select %parallel_loop3A_360, %parallel_loop3A_346, %parallel_loop3A_264 : vector<16xi1>, vector<16xf32>
        %parallel_loop3A_362 = arith.constant 6.400000e+01 : f32
        %parallel_loop3A_363 = vector.broadcast %parallel_loop3A_362 : f32 to vector<16xf32>
        %parallel_loop3A_364 = arith.cmpf ole, %parallel_loop3A_345, %parallel_loop3A_363 : vector<16xf32>
        %parallel_loop3A_365 = arith.select %parallel_loop3A_364, %parallel_loop3A_361, %parallel_loop3A_264 : vector<16xi1>, vector<16xf32>
        %parallel_loop3A_366 = arith.constant 2.000000e+00 : f32
        %parallel_loop3A_367 = arith.constant 6.500000e+01 : f32
        %parallel_loop3A_368 = vector.broadcast %parallel_loop3A_366 : f32 to vector<16xf32>
        %parallel_loop3A_369 = arith.maximumf %parallel_loop3A_368, %parallel_loop3A_289 : vector<16xf32>
        %parallel_loop3A_370 = vector.broadcast %parallel_loop3A_367 : f32 to vector<16xf32>
        %parallel_loop3A_371 = arith.minimumf %parallel_loop3A_370, %parallel_loop3A_369 : vector<16xf32>
        %parallel_loop3A_372 = arith.constant 1.000000e+00 : f32
        %parallel_loop3A_373 = vector.broadcast %parallel_loop3A_372 : f32 to vector<16xf32>
        %parallel_loop3A_374 = arith.addf %parallel_loop3A_289, %parallel_loop3A_373 : vector<16xf32>
        %parallel_loop3A_375 = arith.constant 2.000000e+00 : f32
        %parallel_loop3A_376 = arith.constant 6.500000e+01 : f32
        %parallel_loop3A_377 = vector.broadcast %parallel_loop3A_375 : f32 to vector<16xf32>
        %parallel_loop3A_378 = arith.maximumf %parallel_loop3A_377, %parallel_loop3A_374 : vector<16xf32>
        %parallel_loop3A_379 = vector.broadcast %parallel_loop3A_376 : f32 to vector<16xf32>
        %parallel_loop3A_380 = arith.minimumf %parallel_loop3A_379, %parallel_loop3A_378 : vector<16xf32>
        %parallel_loop3A_381 = arith.constant 2.000000e+00 : f32
        %parallel_loop3A_382 = arith.constant 6.500000e+01 : f32
        %parallel_loop3A_383 = vector.broadcast %parallel_loop3A_381 : f32 to vector<16xf32>
        %parallel_loop3A_384 = arith.maximumf %parallel_loop3A_383, %parallel_loop3A_317 : vector<16xf32>
        %parallel_loop3A_385 = vector.broadcast %parallel_loop3A_382 : f32 to vector<16xf32>
        %parallel_loop3A_386 = arith.minimumf %parallel_loop3A_385, %parallel_loop3A_384 : vector<16xf32>
        %parallel_loop3A_387 = arith.constant 1.000000e+00 : f32
        %parallel_loop3A_388 = vector.broadcast %parallel_loop3A_387 : f32 to vector<16xf32>
        %parallel_loop3A_389 = arith.addf %parallel_loop3A_317, %parallel_loop3A_388 : vector<16xf32>
        %parallel_loop3A_390 = arith.constant 2.000000e+00 : f32
        %parallel_loop3A_391 = arith.constant 6.500000e+01 : f32
        %parallel_loop3A_392 = vector.broadcast %parallel_loop3A_390 : f32 to vector<16xf32>
        %parallel_loop3A_393 = arith.maximumf %parallel_loop3A_392, %parallel_loop3A_389 : vector<16xf32>
        %parallel_loop3A_394 = vector.broadcast %parallel_loop3A_391 : f32 to vector<16xf32>
        %parallel_loop3A_395 = arith.minimumf %parallel_loop3A_394, %parallel_loop3A_393 : vector<16xf32>
        %parallel_loop3A_396 = arith.constant 2.000000e+00 : f32
        %parallel_loop3A_397 = arith.constant 6.400000e+01 : f32
        %parallel_loop3A_398 = vector.broadcast %parallel_loop3A_396 : f32 to vector<16xf32>
        %parallel_loop3A_399 = arith.maximumf %parallel_loop3A_398, %parallel_loop3A_345 : vector<16xf32>
        %parallel_loop3A_400 = vector.broadcast %parallel_loop3A_397 : f32 to vector<16xf32>
        %parallel_loop3A_401 = arith.minimumf %parallel_loop3A_400, %parallel_loop3A_399 : vector<16xf32>
        %parallel_loop3A_402 = arith.constant 1.000000e+00 : f32
        %parallel_loop3A_403 = vector.broadcast %parallel_loop3A_402 : f32 to vector<16xf32>
        %parallel_loop3A_404 = arith.cmpf oeq, %parallel_loop3A_345, %parallel_loop3A_403 : vector<16xf32>
        %parallel_loop3A_405 = arith.constant 6.400000e+01 : f32
        %parallel_loop3A_406 = vector.broadcast %parallel_loop3A_405 : f32 to vector<16xf32>
        %parallel_loop3A_407 = arith.cmpf ole, %parallel_loop3A_345, %parallel_loop3A_406 : vector<16xf32>
        %parallel_loop3A_408 = arith.select %parallel_loop3A_407, %parallel_loop3A_357, %parallel_loop3A_264 : vector<16xi1>, vector<16xf32>
        %parallel_loop3A_409 = arith.select %parallel_loop3A_404, %parallel_loop3A_365, %parallel_loop3A_408 : vector<16xi1>, vector<16xf32>
        %parallel_loop3A_410 = arith.constant 1.000000e+00 : f32
        %parallel_loop3A_411 = vector.broadcast %parallel_loop3A_410 : f32 to vector<16xf32>
        %parallel_loop3A_412 = arith.cmpf oeq, %parallel_loop3A_345, %parallel_loop3A_411 : vector<16xf32>
        %parallel_loop3A_413 = arith.constant 6.500000e+01 : f32
        %parallel_loop3A_414 = vector.broadcast %parallel_loop3A_413 : f32 to vector<16xf32>
        %parallel_loop3A_415 = arith.cmpf oeq, %parallel_loop3A_345, %parallel_loop3A_414 : vector<16xf32>
        %parallel_loop3A_416 = arith.select %parallel_loop3A_415, %parallel_loop3A_357, %parallel_loop3A_365 : vector<16xi1>, vector<16xf32>
        %parallel_loop3A_417 = arith.select %parallel_loop3A_412, %parallel_loop3A_264, %parallel_loop3A_416 : vector<16xi1>, vector<16xf32>
        %parallel_loop3A_418 = arith.select %parallel_loop3A_268, %parallel_loop3A_301, %parallel_loop3A_264 : vector<16xi1>, vector<16xf32>
        %parallel_loop3A_419 = arith.select %parallel_loop3A_268, %parallel_loop3A_309, %parallel_loop3A_264 : vector<16xi1>, vector<16xf32>
        %parallel_loop3A_420 = arith.constant 4.096000e+03 : f32
        %parallel_loop3A_421 = vector.broadcast %parallel_loop3A_420 : f32 to vector<16xf32>
        %parallel_loop3A_422 = arith.mulf %parallel_loop3A_371, %parallel_loop3A_421 : vector<16xf32>
        %parallel_loop3A_423 = arith.constant -8.322000e+03 : f32
        %parallel_loop3A_424 = vector.broadcast %parallel_loop3A_423 : f32 to vector<16xf32>
        %parallel_loop3A_425 = arith.addf %parallel_loop3A_422, %parallel_loop3A_424 : vector<16xf32>
        %parallel_loop3A_426 = arith.constant 4.096000e+03 : f32
        %parallel_loop3A_427 = vector.broadcast %parallel_loop3A_426 : f32 to vector<16xf32>
        %parallel_loop3A_428 = arith.mulf %parallel_loop3A_380, %parallel_loop3A_427 : vector<16xf32>
        %parallel_loop3A_429 = arith.constant -8.322000e+03 : f32
        %parallel_loop3A_430 = vector.broadcast %parallel_loop3A_429 : f32 to vector<16xf32>
        %parallel_loop3A_431 = arith.addf %parallel_loop3A_428, %parallel_loop3A_430 : vector<16xf32>
        %parallel_loop3A_432 = arith.constant 6.400000e+01 : f32
        %parallel_loop3A_433 = vector.broadcast %parallel_loop3A_432 : f32 to vector<16xf32>
        %parallel_loop3A_434 = arith.mulf %parallel_loop3A_386, %parallel_loop3A_433 : vector<16xf32>
        %parallel_loop3A_435 = arith.constant 6.400000e+01 : f32
        %parallel_loop3A_436 = vector.broadcast %parallel_loop3A_435 : f32 to vector<16xf32>
        %parallel_loop3A_437 = arith.mulf %parallel_loop3A_395, %parallel_loop3A_436 : vector<16xf32>
        %parallel_loop3A_438 = arith.constant 16 : i32
        %parallel_loop3A_439 = arith.muli %parallel_loop3A_180, %parallel_loop3A_438 : i32
        %parallel_loop3A_440 = arith.addf %parallel_loop3A_425, %parallel_loop3A_434 : vector<16xf32>
        %parallel_loop3A_441 = arith.addf %parallel_loop3A_440, %parallel_loop3A_401 : vector<16xf32>
        %parallel_loop3A_442 = arith.fptosi %parallel_loop3A_441 : vector<16xf32> to vector<16xi32>
        %parallel_loop3A_443 = arith.index_cast %parallel_loop3A_439 : i32 to index
        %parallel_loop3A_444 = tpu.vector_load %arg15[%parallel_loop3A_443] {strides = array<i32>} : memref<1024xi32, #tpu.memory_space<vmem>>, vector<16xi32>,
        %parallel_loop3A_445 = vector.shape_cast %parallel_loop3A_444 : vector<16xi32> to vector<16xi32>
        %parallel_loop3A_446 = vector.shape_cast %parallel_loop3A_442 : vector<16xi32> to vector<16xi32>
        tpu.vector_store %arg15[%parallel_loop3A_443], %parallel_loop3A_446 {strides = array<i32>} : memref<1024xi32, #tpu.memory_space<vmem>>, vector<16xi32>,
        %parallel_loop3A_447 = arith.addf %parallel_loop3A_425, %parallel_loop3A_437 : vector<16xf32>
        %parallel_loop3A_448 = arith.addf %parallel_loop3A_447, %parallel_loop3A_401 : vector<16xf32>
        %parallel_loop3A_449 = arith.fptosi %parallel_loop3A_448 : vector<16xf32> to vector<16xi32>
        %parallel_loop3A_450 = arith.index_cast %parallel_loop3A_439 : i32 to index
        %parallel_loop3A_451 = tpu.vector_load %arg16[%parallel_loop3A_450] {strides = array<i32>} : memref<1024xi32, #tpu.memory_space<vmem>>, vector<16xi32>,
        %parallel_loop3A_452 = vector.shape_cast %parallel_loop3A_451 : vector<16xi32> to vector<16xi32>
        %parallel_loop3A_453 = vector.shape_cast %parallel_loop3A_449 : vector<16xi32> to vector<16xi32>
        tpu.vector_store %arg16[%parallel_loop3A_450], %parallel_loop3A_453 {strides = array<i32>} : memref<1024xi32, #tpu.memory_space<vmem>>, vector<16xi32>,
        %parallel_loop3A_454 = arith.addf %parallel_loop3A_431, %parallel_loop3A_434 : vector<16xf32>
        %parallel_loop3A_455 = arith.addf %parallel_loop3A_454, %parallel_loop3A_401 : vector<16xf32>
        %parallel_loop3A_456 = arith.fptosi %parallel_loop3A_455 : vector<16xf32> to vector<16xi32>
        %parallel_loop3A_457 = arith.index_cast %parallel_loop3A_439 : i32 to index
        %parallel_loop3A_458 = tpu.vector_load %arg17[%parallel_loop3A_457] {strides = array<i32>} : memref<1024xi32, #tpu.memory_space<vmem>>, vector<16xi32>,
        %parallel_loop3A_459 = vector.shape_cast %parallel_loop3A_458 : vector<16xi32> to vector<16xi32>
        %parallel_loop3A_460 = vector.shape_cast %parallel_loop3A_456 : vector<16xi32> to vector<16xi32>
        tpu.vector_store %arg17[%parallel_loop3A_457], %parallel_loop3A_460 {strides = array<i32>} : memref<1024xi32, #tpu.memory_space<vmem>>, vector<16xi32>,
        %parallel_loop3A_461 = arith.addf %parallel_loop3A_431, %parallel_loop3A_437 : vector<16xf32>
        %parallel_loop3A_462 = arith.addf %parallel_loop3A_461, %parallel_loop3A_401 : vector<16xf32>
        %parallel_loop3A_463 = arith.fptosi %parallel_loop3A_462 : vector<16xf32> to vector<16xi32>
        %parallel_loop3A_464 = arith.index_cast %parallel_loop3A_439 : i32 to index
        %parallel_loop3A_465 = tpu.vector_load %arg18[%parallel_loop3A_464] {strides = array<i32>} : memref<1024xi32, #tpu.memory_space<vmem>>, vector<16xi32>,
        %parallel_loop3A_466 = vector.shape_cast %parallel_loop3A_465 : vector<16xi32> to vector<16xi32>
        %parallel_loop3A_467 = vector.shape_cast %parallel_loop3A_463 : vector<16xi32> to vector<16xi32>
        tpu.vector_store %arg18[%parallel_loop3A_464], %parallel_loop3A_467 {strides = array<i32>} : memref<1024xi32, #tpu.memory_space<vmem>>, vector<16xi32>,
        %parallel_loop3A_468 = arith.mulf %parallel_loop3A_418, %parallel_loop3A_329 : vector<16xf32>
        %parallel_loop3A_469 = arith.constant 0 : i32
        %parallel_loop3A_470 = arith.index_cast %parallel_loop3A_469 : i32 to index
        %parallel_loop3A_471 = arith.index_cast %parallel_loop3A_184 : i32 to index
        %parallel_loop3A_472 = tpu.vector_load %arg13[%parallel_loop3A_470, %parallel_loop3A_471] {strides = array<i32>} : memref<6x2048xf32, #tpu.memory_space<vmem>>, vector<1x16xf32>,
        %parallel_loop3A_473 = vector.shape_cast %parallel_loop3A_472 : vector<1x16xf32> to vector<16xf32>
        %parallel_loop3A_474 = vector.shape_cast %parallel_loop3A_468 : vector<16xf32> to vector<1x16xf32>
        tpu.vector_store %arg13[%parallel_loop3A_470, %parallel_loop3A_471], %parallel_loop3A_474 {strides = array<i32>} : memref<6x2048xf32, #tpu.memory_space<vmem>>, vector<1x16xf32>,
        %parallel_loop3A_475 = arith.mulf %parallel_loop3A_418, %parallel_loop3A_337 : vector<16xf32>
        %parallel_loop3A_476 = arith.constant 1 : i32
        %parallel_loop3A_477 = arith.index_cast %parallel_loop3A_476 : i32 to index
        %parallel_loop3A_478 = arith.index_cast %parallel_loop3A_184 : i32 to index
        %parallel_loop3A_479 = tpu.vector_load %arg13[%parallel_loop3A_477, %parallel_loop3A_478] {strides = array<i32>} : memref<6x2048xf32, #tpu.memory_space<vmem>>, vector<1x16xf32>,
        %parallel_loop3A_480 = vector.shape_cast %parallel_loop3A_479 : vector<1x16xf32> to vector<16xf32>
        %parallel_loop3A_481 = vector.shape_cast %parallel_loop3A_475 : vector<16xf32> to vector<1x16xf32>
        tpu.vector_store %arg13[%parallel_loop3A_477, %parallel_loop3A_478], %parallel_loop3A_481 {strides = array<i32>} : memref<6x2048xf32, #tpu.memory_space<vmem>>, vector<1x16xf32>,
        %parallel_loop3A_482 = arith.mulf %parallel_loop3A_419, %parallel_loop3A_329 : vector<16xf32>
        %parallel_loop3A_483 = arith.constant 2 : i32
        %parallel_loop3A_484 = arith.index_cast %parallel_loop3A_483 : i32 to index
        %parallel_loop3A_485 = arith.index_cast %parallel_loop3A_184 : i32 to index
        %parallel_loop3A_486 = tpu.vector_load %arg13[%parallel_loop3A_484, %parallel_loop3A_485] {strides = array<i32>} : memref<6x2048xf32, #tpu.memory_space<vmem>>, vector<1x16xf32>,
        %parallel_loop3A_487 = vector.shape_cast %parallel_loop3A_486 : vector<1x16xf32> to vector<16xf32>
        %parallel_loop3A_488 = vector.shape_cast %parallel_loop3A_482 : vector<16xf32> to vector<1x16xf32>
        tpu.vector_store %arg13[%parallel_loop3A_484, %parallel_loop3A_485], %parallel_loop3A_488 {strides = array<i32>} : memref<6x2048xf32, #tpu.memory_space<vmem>>, vector<1x16xf32>,
        %parallel_loop3A_489 = arith.mulf %parallel_loop3A_419, %parallel_loop3A_337 : vector<16xf32>
        %parallel_loop3A_490 = arith.constant 3 : i32
        %parallel_loop3A_491 = arith.index_cast %parallel_loop3A_490 : i32 to index
        %parallel_loop3A_492 = arith.index_cast %parallel_loop3A_184 : i32 to index
        %parallel_loop3A_493 = tpu.vector_load %arg13[%parallel_loop3A_491, %parallel_loop3A_492] {strides = array<i32>} : memref<6x2048xf32, #tpu.memory_space<vmem>>, vector<1x16xf32>,
        %parallel_loop3A_494 = vector.shape_cast %parallel_loop3A_493 : vector<1x16xf32> to vector<16xf32>
        %parallel_loop3A_495 = vector.shape_cast %parallel_loop3A_489 : vector<16xf32> to vector<1x16xf32>
        tpu.vector_store %arg13[%parallel_loop3A_491, %parallel_loop3A_492], %parallel_loop3A_495 {strides = array<i32>} : memref<6x2048xf32, #tpu.memory_space<vmem>>, vector<1x16xf32>,
        %parallel_loop3A_496 = arith.constant 4 : i32
        %parallel_loop3A_497 = arith.index_cast %parallel_loop3A_496 : i32 to index
        %parallel_loop3A_498 = arith.index_cast %parallel_loop3A_184 : i32 to index
        %parallel_loop3A_499 = tpu.vector_load %arg13[%parallel_loop3A_497, %parallel_loop3A_498] {strides = array<i32>} : memref<6x2048xf32, #tpu.memory_space<vmem>>, vector<1x16xf32>,
        %parallel_loop3A_500 = vector.shape_cast %parallel_loop3A_499 : vector<1x16xf32> to vector<16xf32>
        %parallel_loop3A_501 = vector.shape_cast %parallel_loop3A_409 : vector<16xf32> to vector<1x16xf32>
        tpu.vector_store %arg13[%parallel_loop3A_497, %parallel_loop3A_498], %parallel_loop3A_501 {strides = array<i32>} : memref<6x2048xf32, #tpu.memory_space<vmem>>, vector<1x16xf32>,
        %parallel_loop3A_502 = arith.constant 5 : i32
        %parallel_loop3A_503 = arith.index_cast %parallel_loop3A_502 : i32 to index
        %parallel_loop3A_504 = arith.index_cast %parallel_loop3A_184 : i32 to index
        %parallel_loop3A_505 = tpu.vector_load %arg13[%parallel_loop3A_503, %parallel_loop3A_504] {strides = array<i32>} : memref<6x2048xf32, #tpu.memory_space<vmem>>, vector<1x16xf32>,
        %parallel_loop3A_506 = vector.shape_cast %parallel_loop3A_505 : vector<1x16xf32> to vector<16xf32>
        %parallel_loop3A_507 = vector.shape_cast %parallel_loop3A_417 : vector<16xf32> to vector<1x16xf32>
        tpu.vector_store %arg13[%parallel_loop3A_503, %parallel_loop3A_504], %parallel_loop3A_507 {strides = array<i32>} : memref<6x2048xf32, #tpu.memory_space<vmem>>, vector<1x16xf32>,
      } {sc.loop_unroll_factor = 4 : i64, sc.parallel_access}
      %dma_start3A_106 = arith.constant 0 : i32
      %dma_start3A_107 = tpu.memref_slice %arg8[%dma_start3A_106] : memref<262144xi32, #tpu.memory_space<vmem_shared>> -> memref<262144xi32, #tpu.memory_space<vmem_shared>>
      tpu.enqueue_indirect_dma source(%dma_start3A_107 : memref<262144xi32, #tpu.memory_space<vmem_shared>>) target(%arg23 : memref<1024xi32, #tpu.memory_space<vmem>>) offsets(%arg15 : memref<1024xi32, #tpu.memory_space<vmem>>) semaphore(%arg32 : memref<!tpu.dma_semaphore, #tpu.memory_space<semaphore_mem>>)
      %dma_start3A_108 = arith.constant 0 : i32
      %dma_start3A_109 = tpu.memref_slice %arg8[%dma_start3A_108] : memref<262144xi32, #tpu.memory_space<vmem_shared>> -> memref<262144xi32, #tpu.memory_space<vmem_shared>>
      tpu.enqueue_indirect_dma source(%dma_start3A_109 : memref<262144xi32, #tpu.memory_space<vmem_shared>>) target(%arg24 : memref<1024xi32, #tpu.memory_space<vmem>>) offsets(%arg16 : memref<1024xi32, #tpu.memory_space<vmem>>) semaphore(%arg32 : memref<!tpu.dma_semaphore, #tpu.memory_space<semaphore_mem>>)
      %dma_start3A_110 = arith.constant 0 : i32
      %dma_start3A_111 = tpu.memref_slice %arg8[%dma_start3A_110] : memref<262144xi32, #tpu.memory_space<vmem_shared>> -> memref<262144xi32, #tpu.memory_space<vmem_shared>>
      tpu.enqueue_indirect_dma source(%dma_start3A_111 : memref<262144xi32, #tpu.memory_space<vmem_shared>>) target(%arg25 : memref<1024xi32, #tpu.memory_space<vmem>>) offsets(%arg17 : memref<1024xi32, #tpu.memory_space<vmem>>) semaphore(%arg32 : memref<!tpu.dma_semaphore, #tpu.memory_space<semaphore_mem>>)
      %dma_start3A_112 = arith.constant 0 : i32
      %dma_start3A_113 = tpu.memref_slice %arg8[%dma_start3A_112] : memref<262144xi32, #tpu.memory_space<vmem_shared>> -> memref<262144xi32, #tpu.memory_space<vmem_shared>>
      tpu.enqueue_indirect_dma source(%dma_start3A_113 : memref<262144xi32, #tpu.memory_space<vmem_shared>>) target(%arg26 : memref<1024xi32, #tpu.memory_space<vmem>>) offsets(%arg18 : memref<1024xi32, #tpu.memory_space<vmem>>) semaphore(%arg32 : memref<!tpu.dma_semaphore, #tpu.memory_space<semaphore_mem>>)
      %gt3A = arith.constant 0 : i32
      %gt3A_114 = arith.cmpi sgt, %scan3A_59, %gt3A : i32
      %convert_element_type3A_115 = arith.extui %gt3A_114 : i1 to i32
      %cond3A_116 = arith.constant 0 : i32
      %cond3A_117 = arith.cmpi ne, %convert_element_type3A_115, %cond3A_116 : i32
      scf.if %cond3A_117 {
        %dma_wait3A_180 = arith.constant 0 : i32
        %dma_wait3A_181 = tpu.memref_slice %arg8[%dma_wait3A_180] : memref<262144xi32, #tpu.memory_space<vmem_shared>> -> memref<262144xi32, #tpu.memory_space<vmem_shared>>
        tpu.wait_indirect_dma semaphore(%arg33 : memref<!tpu.dma_semaphore, #tpu.memory_space<semaphore_mem>>) src(%dma_wait3A_181 : memref<262144xi32, #tpu.memory_space<vmem_shared>>) dst(%arg27 : memref<1024xi32, #tpu.memory_space<vmem>>)
        %dma_wait3A_182 = arith.constant 0 : i32
        %dma_wait3A_183 = tpu.memref_slice %arg8[%dma_wait3A_182] : memref<262144xi32, #tpu.memory_space<vmem_shared>> -> memref<262144xi32, #tpu.memory_space<vmem_shared>>
        tpu.wait_indirect_dma semaphore(%arg33 : memref<!tpu.dma_semaphore, #tpu.memory_space<semaphore_mem>>) src(%dma_wait3A_183 : memref<262144xi32, #tpu.memory_space<vmem_shared>>) dst(%arg28 : memref<1024xi32, #tpu.memory_space<vmem>>)
        %dma_wait3A_184 = arith.constant 0 : i32
        %dma_wait3A_185 = tpu.memref_slice %arg8[%dma_wait3A_184] : memref<262144xi32, #tpu.memory_space<vmem_shared>> -> memref<262144xi32, #tpu.memory_space<vmem_shared>>
        tpu.wait_indirect_dma semaphore(%arg33 : memref<!tpu.dma_semaphore, #tpu.memory_space<semaphore_mem>>) src(%dma_wait3A_185 : memref<262144xi32, #tpu.memory_space<vmem_shared>>) dst(%arg29 : memref<1024xi32, #tpu.memory_space<vmem>>)
        %dma_wait3A_186 = arith.constant 0 : i32
        %dma_wait3A_187 = tpu.memref_slice %arg8[%dma_wait3A_186] : memref<262144xi32, #tpu.memory_space<vmem_shared>> -> memref<262144xi32, #tpu.memory_space<vmem_shared>>
        tpu.wait_indirect_dma semaphore(%arg33 : memref<!tpu.dma_semaphore, #tpu.memory_space<semaphore_mem>>) src(%dma_wait3A_187 : memref<262144xi32, #tpu.memory_space<vmem_shared>>) dst(%arg30 : memref<1024xi32, #tpu.memory_space<vmem>>)
        %parallel_loop3A_188 = arith.constant 0 : i32
        %parallel_loop3A_189 = arith.constant 64 : i32
        %parallel_loop3A_190 = arith.constant 1 : i32
        scf.for %parallel_loop3A_193 = %parallel_loop3A_188 to %parallel_loop3A_189 step %parallel_loop3A_190  : i32 {
          %parallel_loop3A_194 = arith.constant 16 : i32
          %parallel_loop3A_195 = arith.muli %parallel_loop3A_193, %parallel_loop3A_194 : i32
          %parallel_loop3A_196 = arith.constant 1024 : i32
          %parallel_loop3A_197 = arith.addi %parallel_loop3A_196, %parallel_loop3A_195 : i32
          %parallel_loop3A_198 = arith.constant 16 : i32
          %parallel_loop3A_199 = arith.muli %parallel_loop3A_193, %parallel_loop3A_198 : i32
          %parallel_loop3A_200 = arith.constant 0 : i32
          %parallel_loop3A_201 = arith.index_cast %parallel_loop3A_200 : i32 to index
          %parallel_loop3A_202 = arith.index_cast %parallel_loop3A_197 : i32 to index
          %parallel_loop3A_203 = tpu.vector_load %arg13[%parallel_loop3A_201, %parallel_loop3A_202] {strides = array<i32>} : memref<6x2048xf32, #tpu.memory_space<vmem>>, vector<1x16xf32>,
          %parallel_loop3A_204 = vector.shape_cast %parallel_loop3A_203 : vector<1x16xf32> to vector<16xf32>
          %parallel_loop3A_205 = arith.constant 1 : i32
          %parallel_loop3A_206 = arith.index_cast %parallel_loop3A_205 : i32 to index
          %parallel_loop3A_207 = arith.index_cast %parallel_loop3A_197 : i32 to index
          %parallel_loop3A_208 = tpu.vector_load %arg13[%parallel_loop3A_206, %parallel_loop3A_207] {strides = array<i32>} : memref<6x2048xf32, #tpu.memory_space<vmem>>, vector<1x16xf32>,
          %parallel_loop3A_209 = vector.shape_cast %parallel_loop3A_208 : vector<1x16xf32> to vector<16xf32>
          %parallel_loop3A_210 = arith.constant 2 : i32
          %parallel_loop3A_211 = arith.index_cast %parallel_loop3A_210 : i32 to index
          %parallel_loop3A_212 = arith.index_cast %parallel_loop3A_197 : i32 to index
          %parallel_loop3A_213 = tpu.vector_load %arg13[%parallel_loop3A_211, %parallel_loop3A_212] {strides = array<i32>} : memref<6x2048xf32, #tpu.memory_space<vmem>>, vector<1x16xf32>,
          %parallel_loop3A_214 = vector.shape_cast %parallel_loop3A_213 : vector<1x16xf32> to vector<16xf32>
          %parallel_loop3A_215 = arith.constant 3 : i32
          %parallel_loop3A_216 = arith.index_cast %parallel_loop3A_215 : i32 to index
          %parallel_loop3A_217 = arith.index_cast %parallel_loop3A_197 : i32 to index
          %parallel_loop3A_218 = tpu.vector_load %arg13[%parallel_loop3A_216, %parallel_loop3A_217] {strides = array<i32>} : memref<6x2048xf32, #tpu.memory_space<vmem>>, vector<1x16xf32>,
          %parallel_loop3A_219 = vector.shape_cast %parallel_loop3A_218 : vector<1x16xf32> to vector<16xf32>
          %parallel_loop3A_220 = arith.constant 4 : i32
          %parallel_loop3A_221 = arith.index_cast %parallel_loop3A_220 : i32 to index
          %parallel_loop3A_222 = arith.index_cast %parallel_loop3A_197 : i32 to index
          %parallel_loop3A_223 = tpu.vector_load %arg13[%parallel_loop3A_221, %parallel_loop3A_222] {strides = array<i32>} : memref<6x2048xf32, #tpu.memory_space<vmem>>, vector<1x16xf32>,
          %parallel_loop3A_224 = vector.shape_cast %parallel_loop3A_223 : vector<1x16xf32> to vector<16xf32>
          %parallel_loop3A_225 = arith.constant 5 : i32
          %parallel_loop3A_226 = arith.index_cast %parallel_loop3A_225 : i32 to index
          %parallel_loop3A_227 = arith.index_cast %parallel_loop3A_197 : i32 to index
          %parallel_loop3A_228 = tpu.vector_load %arg13[%parallel_loop3A_226, %parallel_loop3A_227] {strides = array<i32>} : memref<6x2048xf32, #tpu.memory_space<vmem>>, vector<1x16xf32>,
          %parallel_loop3A_229 = vector.shape_cast %parallel_loop3A_228 : vector<1x16xf32> to vector<16xf32>
          %parallel_loop3A_230 = arith.constant -65536 : i32
          %parallel_loop3A_231 = vector.broadcast %parallel_loop3A_230 : i32 to vector<16xi32>
          %parallel_loop3A_232 = arith.index_cast %parallel_loop3A_199 : i32 to index
          %parallel_loop3A_233 = tpu.vector_load %arg27[%parallel_loop3A_232] {strides = array<i32>} : memref<1024xi32, #tpu.memory_space<vmem>>, vector<16xi32>,
          %parallel_loop3A_234 = vector.shape_cast %parallel_loop3A_233 : vector<16xi32> to vector<16xi32>
          %parallel_loop3A_235 = arith.constant 16 : i32
          %parallel_loop3A_236 = vector.broadcast %parallel_loop3A_235 : i32 to vector<16xi32>
          %parallel_loop3A_237 = arith.shli %parallel_loop3A_234, %parallel_loop3A_236 : vector<16xi32>
          %parallel_loop3A_238 = tpu.bitcast %parallel_loop3A_237 : vector<16xi32> -> vector<16xf32>
          %parallel_loop3A_239 = arith.andi %parallel_loop3A_234, %parallel_loop3A_231 : vector<16xi32>
          %parallel_loop3A_240 = tpu.bitcast %parallel_loop3A_239 : vector<16xi32> -> vector<16xf32>
          %parallel_loop3A_241 = arith.index_cast %parallel_loop3A_199 : i32 to index
          %parallel_loop3A_242 = tpu.vector_load %arg28[%parallel_loop3A_241] {strides = array<i32>} : memref<1024xi32, #tpu.memory_space<vmem>>, vector<16xi32>,
          %parallel_loop3A_243 = vector.shape_cast %parallel_loop3A_242 : vector<16xi32> to vector<16xi32>
          %parallel_loop3A_244 = arith.constant 16 : i32
          %parallel_loop3A_245 = vector.broadcast %parallel_loop3A_244 : i32 to vector<16xi32>
          %parallel_loop3A_246 = arith.shli %parallel_loop3A_243, %parallel_loop3A_245 : vector<16xi32>
          %parallel_loop3A_247 = tpu.bitcast %parallel_loop3A_246 : vector<16xi32> -> vector<16xf32>
          %parallel_loop3A_248 = arith.andi %parallel_loop3A_243, %parallel_loop3A_231 : vector<16xi32>
          %parallel_loop3A_249 = tpu.bitcast %parallel_loop3A_248 : vector<16xi32> -> vector<16xf32>
          %parallel_loop3A_250 = arith.index_cast %parallel_loop3A_199 : i32 to index
          %parallel_loop3A_251 = tpu.vector_load %arg29[%parallel_loop3A_250] {strides = array<i32>} : memref<1024xi32, #tpu.memory_space<vmem>>, vector<16xi32>,
          %parallel_loop3A_252 = vector.shape_cast %parallel_loop3A_251 : vector<16xi32> to vector<16xi32>
          %parallel_loop3A_253 = arith.constant 16 : i32
          %parallel_loop3A_254 = vector.broadcast %parallel_loop3A_253 : i32 to vector<16xi32>
          %parallel_loop3A_255 = arith.shli %parallel_loop3A_252, %parallel_loop3A_254 : vector<16xi32>
          %parallel_loop3A_256 = tpu.bitcast %parallel_loop3A_255 : vector<16xi32> -> vector<16xf32>
          %parallel_loop3A_257 = arith.andi %parallel_loop3A_252, %parallel_loop3A_231 : vector<16xi32>
          %parallel_loop3A_258 = tpu.bitcast %parallel_loop3A_257 : vector<16xi32> -> vector<16xf32>
          %parallel_loop3A_259 = arith.index_cast %parallel_loop3A_199 : i32 to index
          %parallel_loop3A_260 = tpu.vector_load %arg30[%parallel_loop3A_259] {strides = array<i32>} : memref<1024xi32, #tpu.memory_space<vmem>>, vector<16xi32>,
          %parallel_loop3A_261 = vector.shape_cast %parallel_loop3A_260 : vector<16xi32> to vector<16xi32>
          %parallel_loop3A_262 = arith.constant 16 : i32
          %parallel_loop3A_263 = vector.broadcast %parallel_loop3A_262 : i32 to vector<16xi32>
          %parallel_loop3A_264 = arith.shli %parallel_loop3A_261, %parallel_loop3A_263 : vector<16xi32>
          %parallel_loop3A_265 = tpu.bitcast %parallel_loop3A_264 : vector<16xi32> -> vector<16xf32>
          %parallel_loop3A_266 = arith.andi %parallel_loop3A_261, %parallel_loop3A_231 : vector<16xi32>
          %parallel_loop3A_267 = tpu.bitcast %parallel_loop3A_266 : vector<16xi32> -> vector<16xf32>
          %parallel_loop3A_268 = arith.mulf %parallel_loop3A_224, %parallel_loop3A_238 : vector<16xf32>
          %parallel_loop3A_269 = arith.mulf %parallel_loop3A_229, %parallel_loop3A_240 : vector<16xf32>
          %parallel_loop3A_270 = arith.addf %parallel_loop3A_268, %parallel_loop3A_269 : vector<16xf32>
          %parallel_loop3A_271 = arith.mulf %parallel_loop3A_204, %parallel_loop3A_270 : vector<16xf32>
          %parallel_loop3A_272 = arith.mulf %parallel_loop3A_224, %parallel_loop3A_247 : vector<16xf32>
          %parallel_loop3A_273 = arith.mulf %parallel_loop3A_229, %parallel_loop3A_249 : vector<16xf32>
          %parallel_loop3A_274 = arith.addf %parallel_loop3A_272, %parallel_loop3A_273 : vector<16xf32>
          %parallel_loop3A_275 = arith.mulf %parallel_loop3A_209, %parallel_loop3A_274 : vector<16xf32>
          %parallel_loop3A_276 = arith.addf %parallel_loop3A_271, %parallel_loop3A_275 : vector<16xf32>
          %parallel_loop3A_277 = arith.mulf %parallel_loop3A_224, %parallel_loop3A_256 : vector<16xf32>
          %parallel_loop3A_278 = arith.mulf %parallel_loop3A_229, %parallel_loop3A_258 : vector<16xf32>
          %parallel_loop3A_279 = arith.addf %parallel_loop3A_277, %parallel_loop3A_278 : vector<16xf32>
          %parallel_loop3A_280 = arith.mulf %parallel_loop3A_214, %parallel_loop3A_279 : vector<16xf32>
          %parallel_loop3A_281 = arith.addf %parallel_loop3A_276, %parallel_loop3A_280 : vector<16xf32>
          %parallel_loop3A_282 = arith.mulf %parallel_loop3A_224, %parallel_loop3A_265 : vector<16xf32>
          %parallel_loop3A_283 = arith.mulf %parallel_loop3A_229, %parallel_loop3A_267 : vector<16xf32>
          %parallel_loop3A_284 = arith.addf %parallel_loop3A_282, %parallel_loop3A_283 : vector<16xf32>
          %parallel_loop3A_285 = arith.mulf %parallel_loop3A_219, %parallel_loop3A_284 : vector<16xf32>
          %parallel_loop3A_286 = arith.addf %parallel_loop3A_281, %parallel_loop3A_285 : vector<16xf32>
          %parallel_loop3A_287 = arith.index_cast %parallel_loop3A_197 : i32 to index
          %parallel_loop3A_288 = tpu.vector_load %arg14[%parallel_loop3A_287] {strides = array<i32>} : memref<2048xf32, #tpu.memory_space<vmem>>, vector<16xf32>,
          %parallel_loop3A_289 = vector.shape_cast %parallel_loop3A_288 : vector<16xf32> to vector<16xf32>
          %parallel_loop3A_290 = vector.shape_cast %parallel_loop3A_286 : vector<16xf32> to vector<16xf32>
          tpu.vector_store %arg14[%parallel_loop3A_287], %parallel_loop3A_290 {strides = array<i32>} : memref<2048xf32, #tpu.memory_space<vmem>>, vector<16xf32>,
        } {sc.loop_unroll_factor = 4 : i64, sc.parallel_access}
        %sub3A_191 = arith.constant 1024 : i32
        %sub3A_192 = arith.subi %add3A_64, %sub3A_191 : i32
        "tpu.region"() ({
          %run_scoped3A = tpu.sem_alloc : memref<!tpu.dma_semaphore, #tpu.memory_space<semaphore_mem>>
          %dma_start3A_193 = arith.constant 1024 : i32
          %dma_start3A_194 = tpu.memref_slice %arg14[%dma_start3A_193] : memref<2048xf32, #tpu.memory_space<vmem>> -> memref<1024xf32, #tpu.memory_space<vmem>>
          %dma_start3A_195 = tpu.memref_slice %arg7[%sub3A_192] : memref<4194304xf32, #tpu.memory_space<hbm>> -> memref<1024xf32, #tpu.memory_space<hbm>>
          %dma_start3A_196 = tpu.memref_slice %arg7[%sub3A_192] : memref<4194304xf32, #tpu.memory_space<hbm>> -> memref<1024xf32, #tpu.memory_space<hbm>>
          %dma_start3A_197 = arith.constant 1024 : i32
          %dma_start3A_198 = tpu.memref_slice %arg14[%dma_start3A_197] : memref<2048xf32, #tpu.memory_space<vmem>> -> memref<1024xf32, #tpu.memory_space<vmem>>
          tpu.enqueue_dma source(%dma_start3A_198 : memref<1024xf32, #tpu.memory_space<vmem>>) target(%dma_start3A_196 : memref<1024xf32, #tpu.memory_space<hbm>>) target_semaphore(%run_scoped3A : memref<!tpu.dma_semaphore, #tpu.memory_space<semaphore_mem>>)
          %dma_wait3A_199 = arith.constant 1024 : i32
          %dma_wait3A_200 = tpu.memref_slice %arg14[%dma_wait3A_199] : memref<2048xf32, #tpu.memory_space<vmem>> -> memref<1024xf32, #tpu.memory_space<vmem>>
          %dma_wait3A_201 = tpu.memref_slice %arg7[%sub3A_192] : memref<4194304xf32, #tpu.memory_space<hbm>> -> memref<1024xf32, #tpu.memory_space<hbm>>
          %dma_wait3A_202 = tpu.memref_slice %arg7[%sub3A_192] : memref<4194304xf32, #tpu.memory_space<hbm>> -> memref<1024xf32, #tpu.memory_space<hbm>>
          %dma_wait3A_203 = arith.constant 1024 : i32
          %dma_wait3A_204 = tpu.memref_slice %arg14[%dma_wait3A_203] : memref<2048xf32, #tpu.memory_space<vmem>> -> memref<1024xf32, #tpu.memory_space<vmem>>
          tpu.wait_dma2 semaphore(%run_scoped3A : memref<!tpu.dma_semaphore, #tpu.memory_space<semaphore_mem>>) src(%dma_wait3A_204 : memref<1024xf32, #tpu.memory_space<vmem>>) dst(%dma_wait3A_202 : memref<1024xf32, #tpu.memory_space<hbm>>)
          tpu.yield
        }) : () -> ()
      } else {
      }
      %dma_wait3A_118 = arith.constant 1024 : i32
      %dma_wait3A_119 = tpu.memref_slice %arg10[%dma_wait3A_118] : memref<2048xf32, #tpu.memory_space<vmem>> -> memref<1024xf32, #tpu.memory_space<vmem>>
      %dma_wait3A_120 = tpu.memref_slice %arg2[%add3A_66] : memref<4194304xf32, #tpu.memory_space<hbm>> -> memref<1024xf32, #tpu.memory_space<hbm>>
      %dma_wait3A_121 = arith.constant 1024 : i32
      %dma_wait3A_122 = tpu.memref_slice %arg10[%dma_wait3A_121] : memref<2048xf32, #tpu.memory_space<vmem>> -> memref<1024xf32, #tpu.memory_space<vmem>>
      %dma_wait3A_123 = tpu.memref_slice %arg2[%add3A_66] : memref<4194304xf32, #tpu.memory_space<hbm>> -> memref<1024xf32, #tpu.memory_space<hbm>>
      tpu.wait_dma2 semaphore(%arg31 : memref<!tpu.dma_semaphore, #tpu.memory_space<semaphore_mem>>) src(%dma_wait3A_123 : memref<1024xf32, #tpu.memory_space<hbm>>) dst(%dma_wait3A_122 : memref<1024xf32, #tpu.memory_space<vmem>>)
      %dma_wait3A_124 = arith.constant 1024 : i32
      %dma_wait3A_125 = tpu.memref_slice %arg11[%dma_wait3A_124] : memref<2048xf32, #tpu.memory_space<vmem>> -> memref<1024xf32, #tpu.memory_space<vmem>>
      %dma_wait3A_126 = tpu.memref_slice %arg3[%add3A_66] : memref<4194304xf32, #tpu.memory_space<hbm>> -> memref<1024xf32, #tpu.memory_space<hbm>>
      %dma_wait3A_127 = arith.constant 1024 : i32
      %dma_wait3A_128 = tpu.memref_slice %arg11[%dma_wait3A_127] : memref<2048xf32, #tpu.memory_space<vmem>> -> memref<1024xf32, #tpu.memory_space<vmem>>
      %dma_wait3A_129 = tpu.memref_slice %arg3[%add3A_66] : memref<4194304xf32, #tpu.memory_space<hbm>> -> memref<1024xf32, #tpu.memory_space<hbm>>
      tpu.wait_dma2 semaphore(%arg31 : memref<!tpu.dma_semaphore, #tpu.memory_space<semaphore_mem>>) src(%dma_wait3A_129 : memref<1024xf32, #tpu.memory_space<hbm>>) dst(%dma_wait3A_128 : memref<1024xf32, #tpu.memory_space<vmem>>)
      %dma_wait3A_130 = arith.constant 1024 : i32
      %dma_wait3A_131 = tpu.memref_slice %arg12[%dma_wait3A_130] : memref<2048xf32, #tpu.memory_space<vmem>> -> memref<1024xf32, #tpu.memory_space<vmem>>
      %dma_wait3A_132 = tpu.memref_slice %arg4[%add3A_66] : memref<4194304xf32, #tpu.memory_space<hbm>> -> memref<1024xf32, #tpu.memory_space<hbm>>
      %dma_wait3A_133 = arith.constant 1024 : i32
      %dma_wait3A_134 = tpu.memref_slice %arg12[%dma_wait3A_133] : memref<2048xf32, #tpu.memory_space<vmem>> -> memref<1024xf32, #tpu.memory_space<vmem>>
      %dma_wait3A_135 = tpu.memref_slice %arg4[%add3A_66] : memref<4194304xf32, #tpu.memory_space<hbm>> -> memref<1024xf32, #tpu.memory_space<hbm>>
      tpu.wait_dma2 semaphore(%arg31 : memref<!tpu.dma_semaphore, #tpu.memory_space<semaphore_mem>>) src(%dma_wait3A_135 : memref<1024xf32, #tpu.memory_space<hbm>>) dst(%dma_wait3A_134 : memref<1024xf32, #tpu.memory_space<vmem>>)
      %add3A_136 = arith.constant 1024 : i32
      %add3A_137 = arith.addi %add3A_66, %add3A_136 : i32
      %min3A_138 = arith.constant 4193280 : i32
      %min3A_139 = arith.minsi %add3A_137, %min3A_138 : i32
      %dma_start3A_140 = arith.constant 0 : i32
      %dma_start3A_141 = tpu.memref_slice %arg10[%dma_start3A_140] : memref<2048xf32, #tpu.memory_space<vmem>> -> memref<1024xf32, #tpu.memory_space<vmem>>
      %dma_start3A_142 = tpu.memref_slice %arg2[%min3A_139] : memref<4194304xf32, #tpu.memory_space<hbm>> -> memref<1024xf32, #tpu.memory_space<hbm>>
      %dma_start3A_143 = arith.constant 0 : i32
      %dma_start3A_144 = tpu.memref_slice %arg10[%dma_start3A_143] : memref<2048xf32, #tpu.memory_space<vmem>> -> memref<1024xf32, #tpu.memory_space<vmem>>
      %dma_start3A_145 = tpu.memref_slice %arg2[%min3A_139] : memref<4194304xf32, #tpu.memory_space<hbm>> -> memref<1024xf32, #tpu.memory_space<hbm>>
      tpu.enqueue_dma source(%dma_start3A_145 : memref<1024xf32, #tpu.memory_space<hbm>>) target(%dma_start3A_144 : memref<1024xf32, #tpu.memory_space<vmem>>) target_semaphore(%arg31 : memref<!tpu.dma_semaphore, #tpu.memory_space<semaphore_mem>>)
      %dma_start3A_146 = arith.constant 0 : i32
      %dma_start3A_147 = tpu.memref_slice %arg11[%dma_start3A_146] : memref<2048xf32, #tpu.memory_space<vmem>> -> memref<1024xf32, #tpu.memory_space<vmem>>
      %dma_start3A_148 = tpu.memref_slice %arg3[%min3A_139] : memref<4194304xf32, #tpu.memory_space<hbm>> -> memref<1024xf32, #tpu.memory_space<hbm>>
      %dma_start3A_149 = arith.constant 0 : i32
      %dma_start3A_150 = tpu.memref_slice %arg11[%dma_start3A_149] : memref<2048xf32, #tpu.memory_space<vmem>> -> memref<1024xf32, #tpu.memory_space<vmem>>
      %dma_start3A_151 = tpu.memref_slice %arg3[%min3A_139] : memref<4194304xf32, #tpu.memory_space<hbm>> -> memref<1024xf32, #tpu.memory_space<hbm>>
      tpu.enqueue_dma source(%dma_start3A_151 : memref<1024xf32, #tpu.memory_space<hbm>>) target(%dma_start3A_150 : memref<1024xf32, #tpu.memory_space<vmem>>) target_semaphore(%arg31 : memref<!tpu.dma_semaphore, #tpu.memory_space<semaphore_mem>>)
      %dma_start3A_152 = arith.constant 0 : i32
      %dma_start3A_153 = tpu.memref_slice %arg12[%dma_start3A_152] : memref<2048xf32, #tpu.memory_space<vmem>> -> memref<1024xf32, #tpu.memory_space<vmem>>
      %dma_start3A_154 = tpu.memref_slice %arg4[%min3A_139] : memref<4194304xf32, #tpu.memory_space<hbm>> -> memref<1024xf32, #tpu.memory_space<hbm>>
      %dma_start3A_155 = arith.constant 0 : i32
      %dma_start3A_156 = tpu.memref_slice %arg12[%dma_start3A_155] : memref<2048xf32, #tpu.memory_space<vmem>> -> memref<1024xf32, #tpu.memory_space<vmem>>
      %dma_start3A_157 = tpu.memref_slice %arg4[%min3A_139] : memref<4194304xf32, #tpu.memory_space<hbm>> -> memref<1024xf32, #tpu.memory_space<hbm>>
      tpu.enqueue_dma source(%dma_start3A_157 : memref<1024xf32, #tpu.memory_space<hbm>>) target(%dma_start3A_156 : memref<1024xf32, #tpu.memory_space<vmem>>) target_semaphore(%arg31 : memref<!tpu.dma_semaphore, #tpu.memory_space<semaphore_mem>>)
      %parallel_loop3A_158 = arith.constant 0 : i32
      %parallel_loop3A_159 = arith.constant 64 : i32
      %parallel_loop3A_160 = arith.constant 1 : i32
      scf.for %parallel_loop3A_180 = %parallel_loop3A_158 to %parallel_loop3A_159 step %parallel_loop3A_160  : i32 {
        %parallel_loop3A_181 = arith.constant 16 : i32
        %parallel_loop3A_182 = arith.muli %parallel_loop3A_180, %parallel_loop3A_181 : i32
        %parallel_loop3A_183 = arith.constant 1024 : i32
        %parallel_loop3A_184 = arith.addi %parallel_loop3A_183, %parallel_loop3A_182 : i32
        %parallel_loop3A_185 = arith.constant 0 : i32
        %parallel_loop3A_186 = arith.index_cast %parallel_loop3A_185 : i32 to index
        %parallel_loop3A_187 = arith.constant 0 : index
        %parallel_loop3A_188 = tpu.vector_load %arg9[%parallel_loop3A_186, %parallel_loop3A_187] {strides = array<i32>} : memref<9x16xf32, #tpu.memory_space<vmem>>, vector<1x16xf32>,
        %parallel_loop3A_189 = vector.shape_cast %parallel_loop3A_188 : vector<1x16xf32> to vector<16xf32>
        %parallel_loop3A_190 = arith.constant 1 : i32
        %parallel_loop3A_191 = arith.index_cast %parallel_loop3A_190 : i32 to index
        %parallel_loop3A_192 = arith.constant 0 : index
        %parallel_loop3A_193 = tpu.vector_load %arg9[%parallel_loop3A_191, %parallel_loop3A_192] {strides = array<i32>} : memref<9x16xf32, #tpu.memory_space<vmem>>, vector<1x16xf32>,
        %parallel_loop3A_194 = vector.shape_cast %parallel_loop3A_193 : vector<1x16xf32> to vector<16xf32>
        %parallel_loop3A_195 = arith.constant 2 : i32
        %parallel_loop3A_196 = arith.index_cast %parallel_loop3A_195 : i32 to index
        %parallel_loop3A_197 = arith.constant 0 : index
        %parallel_loop3A_198 = tpu.vector_load %arg9[%parallel_loop3A_196, %parallel_loop3A_197] {strides = array<i32>} : memref<9x16xf32, #tpu.memory_space<vmem>>, vector<1x16xf32>,
        %parallel_loop3A_199 = vector.shape_cast %parallel_loop3A_198 : vector<1x16xf32> to vector<16xf32>
        %parallel_loop3A_200 = arith.constant 3 : i32
        %parallel_loop3A_201 = arith.index_cast %parallel_loop3A_200 : i32 to index
        %parallel_loop3A_202 = arith.constant 0 : index
        %parallel_loop3A_203 = tpu.vector_load %arg9[%parallel_loop3A_201, %parallel_loop3A_202] {strides = array<i32>} : memref<9x16xf32, #tpu.memory_space<vmem>>, vector<1x16xf32>,
        %parallel_loop3A_204 = vector.shape_cast %parallel_loop3A_203 : vector<1x16xf32> to vector<16xf32>
        %parallel_loop3A_205 = arith.constant 4 : i32
        %parallel_loop3A_206 = arith.index_cast %parallel_loop3A_205 : i32 to index
        %parallel_loop3A_207 = arith.constant 0 : index
        %parallel_loop3A_208 = tpu.vector_load %arg9[%parallel_loop3A_206, %parallel_loop3A_207] {strides = array<i32>} : memref<9x16xf32, #tpu.memory_space<vmem>>, vector<1x16xf32>,
        %parallel_loop3A_209 = vector.shape_cast %parallel_loop3A_208 : vector<1x16xf32> to vector<16xf32>
        %parallel_loop3A_210 = arith.constant 5 : i32
        %parallel_loop3A_211 = arith.index_cast %parallel_loop3A_210 : i32 to index
        %parallel_loop3A_212 = arith.constant 0 : index
        %parallel_loop3A_213 = tpu.vector_load %arg9[%parallel_loop3A_211, %parallel_loop3A_212] {strides = array<i32>} : memref<9x16xf32, #tpu.memory_space<vmem>>, vector<1x16xf32>,
        %parallel_loop3A_214 = vector.shape_cast %parallel_loop3A_213 : vector<1x16xf32> to vector<16xf32>
        %parallel_loop3A_215 = arith.constant 6 : i32
        %parallel_loop3A_216 = arith.index_cast %parallel_loop3A_215 : i32 to index
        %parallel_loop3A_217 = arith.constant 0 : index
        %parallel_loop3A_218 = tpu.vector_load %arg9[%parallel_loop3A_216, %parallel_loop3A_217] {strides = array<i32>} : memref<9x16xf32, #tpu.memory_space<vmem>>, vector<1x16xf32>,
        %parallel_loop3A_219 = vector.shape_cast %parallel_loop3A_218 : vector<1x16xf32> to vector<16xf32>
        %parallel_loop3A_220 = arith.constant 7 : i32
        %parallel_loop3A_221 = arith.index_cast %parallel_loop3A_220 : i32 to index
        %parallel_loop3A_222 = arith.constant 0 : index
        %parallel_loop3A_223 = tpu.vector_load %arg9[%parallel_loop3A_221, %parallel_loop3A_222] {strides = array<i32>} : memref<9x16xf32, #tpu.memory_space<vmem>>, vector<1x16xf32>,
        %parallel_loop3A_224 = vector.shape_cast %parallel_loop3A_223 : vector<1x16xf32> to vector<16xf32>
        %parallel_loop3A_225 = arith.constant 8 : i32
        %parallel_loop3A_226 = arith.index_cast %parallel_loop3A_225 : i32 to index
        %parallel_loop3A_227 = arith.constant 0 : index
        %parallel_loop3A_228 = tpu.vector_load %arg9[%parallel_loop3A_226, %parallel_loop3A_227] {strides = array<i32>} : memref<9x16xf32, #tpu.memory_space<vmem>>, vector<1x16xf32>,
        %parallel_loop3A_229 = vector.shape_cast %parallel_loop3A_228 : vector<1x16xf32> to vector<16xf32>
        %parallel_loop3A_230 = arith.index_cast %parallel_loop3A_184 : i32 to index
        %parallel_loop3A_231 = tpu.vector_load %arg10[%parallel_loop3A_230] {strides = array<i32>} : memref<2048xf32, #tpu.memory_space<vmem>>, vector<16xf32>,
        %parallel_loop3A_232 = vector.shape_cast %parallel_loop3A_231 : vector<16xf32> to vector<16xf32>
        %parallel_loop3A_233 = arith.index_cast %parallel_loop3A_184 : i32 to index
        %parallel_loop3A_234 = tpu.vector_load %arg11[%parallel_loop3A_233] {strides = array<i32>} : memref<2048xf32, #tpu.memory_space<vmem>>, vector<16xf32>,
        %parallel_loop3A_235 = vector.shape_cast %parallel_loop3A_234 : vector<16xf32> to vector<16xf32>
        %parallel_loop3A_236 = arith.index_cast %parallel_loop3A_184 : i32 to index
        %parallel_loop3A_237 = tpu.vector_load %arg12[%parallel_loop3A_236] {strides = array<i32>} : memref<2048xf32, #tpu.memory_space<vmem>>, vector<16xf32>,
        %parallel_loop3A_238 = vector.shape_cast %parallel_loop3A_237 : vector<16xf32> to vector<16xf32>
        %parallel_loop3A_239 = arith.mulf %parallel_loop3A_189, %parallel_loop3A_232 : vector<16xf32>
        %parallel_loop3A_240 = arith.mulf %parallel_loop3A_194, %parallel_loop3A_235 : vector<16xf32>
        %parallel_loop3A_241 = arith.addf %parallel_loop3A_239, %parallel_loop3A_240 : vector<16xf32>
        %parallel_loop3A_242 = arith.mulf %parallel_loop3A_199, %parallel_loop3A_238 : vector<16xf32>
        %parallel_loop3A_243 = arith.addf %parallel_loop3A_241, %parallel_loop3A_242 : vector<16xf32>
        %parallel_loop3A_244 = arith.constant 3.350000e+01 : f32
        %parallel_loop3A_245 = vector.broadcast %parallel_loop3A_244 : f32 to vector<16xf32>
        %parallel_loop3A_246 = arith.addf %parallel_loop3A_243, %parallel_loop3A_245 : vector<16xf32>
        %parallel_loop3A_247 = arith.mulf %parallel_loop3A_204, %parallel_loop3A_232 : vector<16xf32>
        %parallel_loop3A_248 = arith.mulf %parallel_loop3A_209, %parallel_loop3A_235 : vector<16xf32>
        %parallel_loop3A_249 = arith.addf %parallel_loop3A_247, %parallel_loop3A_248 : vector<16xf32>
        %parallel_loop3A_250 = arith.mulf %parallel_loop3A_214, %parallel_loop3A_238 : vector<16xf32>
        %parallel_loop3A_251 = arith.addf %parallel_loop3A_249, %parallel_loop3A_250 : vector<16xf32>
        %parallel_loop3A_252 = arith.constant 3.350000e+01 : f32
        %parallel_loop3A_253 = vector.broadcast %parallel_loop3A_252 : f32 to vector<16xf32>
        %parallel_loop3A_254 = arith.addf %parallel_loop3A_251, %parallel_loop3A_253 : vector<16xf32>
        %parallel_loop3A_255 = arith.mulf %parallel_loop3A_219, %parallel_loop3A_232 : vector<16xf32>
        %parallel_loop3A_256 = arith.mulf %parallel_loop3A_224, %parallel_loop3A_235 : vector<16xf32>
        %parallel_loop3A_257 = arith.addf %parallel_loop3A_255, %parallel_loop3A_256 : vector<16xf32>
        %parallel_loop3A_258 = arith.mulf %parallel_loop3A_229, %parallel_loop3A_238 : vector<16xf32>
        %parallel_loop3A_259 = arith.addf %parallel_loop3A_257, %parallel_loop3A_258 : vector<16xf32>
        %parallel_loop3A_260 = arith.constant 3.350000e+01 : f32
        %parallel_loop3A_261 = vector.broadcast %parallel_loop3A_260 : f32 to vector<16xf32>
        %parallel_loop3A_262 = arith.addf %parallel_loop3A_259, %parallel_loop3A_261 : vector<16xf32>
        %parallel_loop3A_263 = arith.constant 0.000000e+00 : f32
        %parallel_loop3A_264 = vector.broadcast %parallel_loop3A_263 : f32 to vector<16xf32>
        %parallel_loop3A_265 = math.absf %parallel_loop3A_246 : vector<16xf32>
        %parallel_loop3A_266 = arith.constant 3.40282347E+38 : f32
        %parallel_loop3A_267 = vector.broadcast %parallel_loop3A_266 : f32 to vector<16xf32>
        %parallel_loop3A_268 = arith.cmpf ole, %parallel_loop3A_265, %parallel_loop3A_267 : vector<16xf32>
        %parallel_loop3A_269 = math.absf %parallel_loop3A_254 : vector<16xf32>
        %parallel_loop3A_270 = arith.constant 3.40282347E+38 : f32
        %parallel_loop3A_271 = vector.broadcast %parallel_loop3A_270 : f32 to vector<16xf32>
        %parallel_loop3A_272 = arith.cmpf ole, %parallel_loop3A_269, %parallel_loop3A_271 : vector<16xf32>
        %parallel_loop3A_273 = math.absf %parallel_loop3A_262 : vector<16xf32>
        %parallel_loop3A_274 = arith.constant 3.40282347E+38 : f32
        %parallel_loop3A_275 = vector.broadcast %parallel_loop3A_274 : f32 to vector<16xf32>
        %parallel_loop3A_276 = arith.cmpf ole, %parallel_loop3A_273, %parallel_loop3A_275 : vector<16xf32>
        %parallel_loop3A_277 = arith.constant 3.350000e+01 : f32
        %parallel_loop3A_278 = vector.broadcast %parallel_loop3A_277 : f32 to vector<16xf32>
        %parallel_loop3A_279 = arith.select %parallel_loop3A_268, %parallel_loop3A_246, %parallel_loop3A_278 : vector<16xi1>, vector<16xf32>
        %parallel_loop3A_280 = arith.select %parallel_loop3A_272, %parallel_loop3A_254, %parallel_loop3A_278 : vector<16xi1>, vector<16xf32>
        %parallel_loop3A_281 = arith.select %parallel_loop3A_276, %parallel_loop3A_262, %parallel_loop3A_278 : vector<16xi1>, vector<16xf32>
        %parallel_loop3A_282 = arith.constant 0.000000e+00 : f32
        %parallel_loop3A_283 = arith.constant 6.800000e+01 : f32
        %parallel_loop3A_284 = vector.broadcast %parallel_loop3A_282 : f32 to vector<16xf32>
        %parallel_loop3A_285 = arith.maximumf %parallel_loop3A_284, %parallel_loop3A_279 : vector<16xf32>
        %parallel_loop3A_286 = vector.broadcast %parallel_loop3A_283 : f32 to vector<16xf32>
        %parallel_loop3A_287 = arith.minimumf %parallel_loop3A_286, %parallel_loop3A_285 : vector<16xf32>
        %parallel_loop3A_288 = arith.fptosi %parallel_loop3A_287 : vector<16xf32> to vector<16xi32>
        %parallel_loop3A_289 = arith.sitofp %parallel_loop3A_288 : vector<16xi32> to vector<16xf32>
        %parallel_loop3A_290 = arith.subf %parallel_loop3A_287, %parallel_loop3A_289 : vector<16xf32>
        %parallel_loop3A_291 = arith.constant 2.000000e+00 : f32
        %parallel_loop3A_292 = vector.broadcast %parallel_loop3A_291 : f32 to vector<16xf32>
        %parallel_loop3A_293 = arith.cmpf oge, %parallel_loop3A_289, %parallel_loop3A_292 : vector<16xf32>
        %parallel_loop3A_294 = arith.constant 1.000000e+00 : f32
        %parallel_loop3A_295 = vector.broadcast %parallel_loop3A_294 : f32 to vector<16xf32>
        %parallel_loop3A_296 = arith.subf %parallel_loop3A_295, %parallel_loop3A_290 : vector<16xf32>
        %parallel_loop3A_297 = arith.select %parallel_loop3A_293, %parallel_loop3A_296, %parallel_loop3A_264 : vector<16xi1>, vector<16xf32>
        %parallel_loop3A_298 = arith.constant 6.500000e+01 : f32
        %parallel_loop3A_299 = vector.broadcast %parallel_loop3A_298 : f32 to vector<16xf32>
        %parallel_loop3A_300 = arith.cmpf ole, %parallel_loop3A_289, %parallel_loop3A_299 : vector<16xf32>
        %parallel_loop3A_301 = arith.select %parallel_loop3A_300, %parallel_loop3A_297, %parallel_loop3A_264 : vector<16xi1>, vector<16xf32>
        %parallel_loop3A_302 = arith.constant 1.000000e+00 : f32
        %parallel_loop3A_303 = vector.broadcast %parallel_loop3A_302 : f32 to vector<16xf32>
        %parallel_loop3A_304 = arith.cmpf oge, %parallel_loop3A_289, %parallel_loop3A_303 : vector<16xf32>
        %parallel_loop3A_305 = arith.select %parallel_loop3A_304, %parallel_loop3A_290, %parallel_loop3A_264 : vector<16xi1>, vector<16xf32>
        %parallel_loop3A_306 = arith.constant 6.400000e+01 : f32
        %parallel_loop3A_307 = vector.broadcast %parallel_loop3A_306 : f32 to vector<16xf32>
        %parallel_loop3A_308 = arith.cmpf ole, %parallel_loop3A_289, %parallel_loop3A_307 : vector<16xf32>
        %parallel_loop3A_309 = arith.select %parallel_loop3A_308, %parallel_loop3A_305, %parallel_loop3A_264 : vector<16xi1>, vector<16xf32>
        %parallel_loop3A_310 = arith.constant 0.000000e+00 : f32
        %parallel_loop3A_311 = arith.constant 6.800000e+01 : f32
        %parallel_loop3A_312 = vector.broadcast %parallel_loop3A_310 : f32 to vector<16xf32>
        %parallel_loop3A_313 = arith.maximumf %parallel_loop3A_312, %parallel_loop3A_280 : vector<16xf32>
        %parallel_loop3A_314 = vector.broadcast %parallel_loop3A_311 : f32 to vector<16xf32>
        %parallel_loop3A_315 = arith.minimumf %parallel_loop3A_314, %parallel_loop3A_313 : vector<16xf32>
        %parallel_loop3A_316 = arith.fptosi %parallel_loop3A_315 : vector<16xf32> to vector<16xi32>
        %parallel_loop3A_317 = arith.sitofp %parallel_loop3A_316 : vector<16xi32> to vector<16xf32>
        %parallel_loop3A_318 = arith.subf %parallel_loop3A_315, %parallel_loop3A_317 : vector<16xf32>
        %parallel_loop3A_319 = arith.constant 2.000000e+00 : f32
        %parallel_loop3A_320 = vector.broadcast %parallel_loop3A_319 : f32 to vector<16xf32>
        %parallel_loop3A_321 = arith.cmpf oge, %parallel_loop3A_317, %parallel_loop3A_320 : vector<16xf32>
        %parallel_loop3A_322 = arith.constant 1.000000e+00 : f32
        %parallel_loop3A_323 = vector.broadcast %parallel_loop3A_322 : f32 to vector<16xf32>
        %parallel_loop3A_324 = arith.subf %parallel_loop3A_323, %parallel_loop3A_318 : vector<16xf32>
        %parallel_loop3A_325 = arith.select %parallel_loop3A_321, %parallel_loop3A_324, %parallel_loop3A_264 : vector<16xi1>, vector<16xf32>
        %parallel_loop3A_326 = arith.constant 6.500000e+01 : f32
        %parallel_loop3A_327 = vector.broadcast %parallel_loop3A_326 : f32 to vector<16xf32>
        %parallel_loop3A_328 = arith.cmpf ole, %parallel_loop3A_317, %parallel_loop3A_327 : vector<16xf32>
        %parallel_loop3A_329 = arith.select %parallel_loop3A_328, %parallel_loop3A_325, %parallel_loop3A_264 : vector<16xi1>, vector<16xf32>
        %parallel_loop3A_330 = arith.constant 1.000000e+00 : f32
        %parallel_loop3A_331 = vector.broadcast %parallel_loop3A_330 : f32 to vector<16xf32>
        %parallel_loop3A_332 = arith.cmpf oge, %parallel_loop3A_317, %parallel_loop3A_331 : vector<16xf32>
        %parallel_loop3A_333 = arith.select %parallel_loop3A_332, %parallel_loop3A_318, %parallel_loop3A_264 : vector<16xi1>, vector<16xf32>
        %parallel_loop3A_334 = arith.constant 6.400000e+01 : f32
        %parallel_loop3A_335 = vector.broadcast %parallel_loop3A_334 : f32 to vector<16xf32>
        %parallel_loop3A_336 = arith.cmpf ole, %parallel_loop3A_317, %parallel_loop3A_335 : vector<16xf32>
        %parallel_loop3A_337 = arith.select %parallel_loop3A_336, %parallel_loop3A_333, %parallel_loop3A_264 : vector<16xi1>, vector<16xf32>
        %parallel_loop3A_338 = arith.constant 0.000000e+00 : f32
        %parallel_loop3A_339 = arith.constant 6.800000e+01 : f32
        %parallel_loop3A_340 = vector.broadcast %parallel_loop3A_338 : f32 to vector<16xf32>
        %parallel_loop3A_341 = arith.maximumf %parallel_loop3A_340, %parallel_loop3A_281 : vector<16xf32>
        %parallel_loop3A_342 = vector.broadcast %parallel_loop3A_339 : f32 to vector<16xf32>
        %parallel_loop3A_343 = arith.minimumf %parallel_loop3A_342, %parallel_loop3A_341 : vector<16xf32>
        %parallel_loop3A_344 = arith.fptosi %parallel_loop3A_343 : vector<16xf32> to vector<16xi32>
        %parallel_loop3A_345 = arith.sitofp %parallel_loop3A_344 : vector<16xi32> to vector<16xf32>
        %parallel_loop3A_346 = arith.subf %parallel_loop3A_343, %parallel_loop3A_345 : vector<16xf32>
        %parallel_loop3A_347 = arith.constant 2.000000e+00 : f32
        %parallel_loop3A_348 = vector.broadcast %parallel_loop3A_347 : f32 to vector<16xf32>
        %parallel_loop3A_349 = arith.cmpf oge, %parallel_loop3A_345, %parallel_loop3A_348 : vector<16xf32>
        %parallel_loop3A_350 = arith.constant 1.000000e+00 : f32
        %parallel_loop3A_351 = vector.broadcast %parallel_loop3A_350 : f32 to vector<16xf32>
        %parallel_loop3A_352 = arith.subf %parallel_loop3A_351, %parallel_loop3A_346 : vector<16xf32>
        %parallel_loop3A_353 = arith.select %parallel_loop3A_349, %parallel_loop3A_352, %parallel_loop3A_264 : vector<16xi1>, vector<16xf32>
        %parallel_loop3A_354 = arith.constant 6.500000e+01 : f32
        %parallel_loop3A_355 = vector.broadcast %parallel_loop3A_354 : f32 to vector<16xf32>
        %parallel_loop3A_356 = arith.cmpf ole, %parallel_loop3A_345, %parallel_loop3A_355 : vector<16xf32>
        %parallel_loop3A_357 = arith.select %parallel_loop3A_356, %parallel_loop3A_353, %parallel_loop3A_264 : vector<16xi1>, vector<16xf32>
        %parallel_loop3A_358 = arith.constant 1.000000e+00 : f32
        %parallel_loop3A_359 = vector.broadcast %parallel_loop3A_358 : f32 to vector<16xf32>
        %parallel_loop3A_360 = arith.cmpf oge, %parallel_loop3A_345, %parallel_loop3A_359 : vector<16xf32>
        %parallel_loop3A_361 = arith.select %parallel_loop3A_360, %parallel_loop3A_346, %parallel_loop3A_264 : vector<16xi1>, vector<16xf32>
        %parallel_loop3A_362 = arith.constant 6.400000e+01 : f32
        %parallel_loop3A_363 = vector.broadcast %parallel_loop3A_362 : f32 to vector<16xf32>
        %parallel_loop3A_364 = arith.cmpf ole, %parallel_loop3A_345, %parallel_loop3A_363 : vector<16xf32>
        %parallel_loop3A_365 = arith.select %parallel_loop3A_364, %parallel_loop3A_361, %parallel_loop3A_264 : vector<16xi1>, vector<16xf32>
        %parallel_loop3A_366 = arith.constant 2.000000e+00 : f32
        %parallel_loop3A_367 = arith.constant 6.500000e+01 : f32
        %parallel_loop3A_368 = vector.broadcast %parallel_loop3A_366 : f32 to vector<16xf32>
        %parallel_loop3A_369 = arith.maximumf %parallel_loop3A_368, %parallel_loop3A_289 : vector<16xf32>
        %parallel_loop3A_370 = vector.broadcast %parallel_loop3A_367 : f32 to vector<16xf32>
        %parallel_loop3A_371 = arith.minimumf %parallel_loop3A_370, %parallel_loop3A_369 : vector<16xf32>
        %parallel_loop3A_372 = arith.constant 1.000000e+00 : f32
        %parallel_loop3A_373 = vector.broadcast %parallel_loop3A_372 : f32 to vector<16xf32>
        %parallel_loop3A_374 = arith.addf %parallel_loop3A_289, %parallel_loop3A_373 : vector<16xf32>
        %parallel_loop3A_375 = arith.constant 2.000000e+00 : f32
        %parallel_loop3A_376 = arith.constant 6.500000e+01 : f32
        %parallel_loop3A_377 = vector.broadcast %parallel_loop3A_375 : f32 to vector<16xf32>
        %parallel_loop3A_378 = arith.maximumf %parallel_loop3A_377, %parallel_loop3A_374 : vector<16xf32>
        %parallel_loop3A_379 = vector.broadcast %parallel_loop3A_376 : f32 to vector<16xf32>
        %parallel_loop3A_380 = arith.minimumf %parallel_loop3A_379, %parallel_loop3A_378 : vector<16xf32>
        %parallel_loop3A_381 = arith.constant 2.000000e+00 : f32
        %parallel_loop3A_382 = arith.constant 6.500000e+01 : f32
        %parallel_loop3A_383 = vector.broadcast %parallel_loop3A_381 : f32 to vector<16xf32>
        %parallel_loop3A_384 = arith.maximumf %parallel_loop3A_383, %parallel_loop3A_317 : vector<16xf32>
        %parallel_loop3A_385 = vector.broadcast %parallel_loop3A_382 : f32 to vector<16xf32>
        %parallel_loop3A_386 = arith.minimumf %parallel_loop3A_385, %parallel_loop3A_384 : vector<16xf32>
        %parallel_loop3A_387 = arith.constant 1.000000e+00 : f32
        %parallel_loop3A_388 = vector.broadcast %parallel_loop3A_387 : f32 to vector<16xf32>
        %parallel_loop3A_389 = arith.addf %parallel_loop3A_317, %parallel_loop3A_388 : vector<16xf32>
        %parallel_loop3A_390 = arith.constant 2.000000e+00 : f32
        %parallel_loop3A_391 = arith.constant 6.500000e+01 : f32
        %parallel_loop3A_392 = vector.broadcast %parallel_loop3A_390 : f32 to vector<16xf32>
        %parallel_loop3A_393 = arith.maximumf %parallel_loop3A_392, %parallel_loop3A_389 : vector<16xf32>
        %parallel_loop3A_394 = vector.broadcast %parallel_loop3A_391 : f32 to vector<16xf32>
        %parallel_loop3A_395 = arith.minimumf %parallel_loop3A_394, %parallel_loop3A_393 : vector<16xf32>
        %parallel_loop3A_396 = arith.constant 2.000000e+00 : f32
        %parallel_loop3A_397 = arith.constant 6.400000e+01 : f32
        %parallel_loop3A_398 = vector.broadcast %parallel_loop3A_396 : f32 to vector<16xf32>
        %parallel_loop3A_399 = arith.maximumf %parallel_loop3A_398, %parallel_loop3A_345 : vector<16xf32>
        %parallel_loop3A_400 = vector.broadcast %parallel_loop3A_397 : f32 to vector<16xf32>
        %parallel_loop3A_401 = arith.minimumf %parallel_loop3A_400, %parallel_loop3A_399 : vector<16xf32>
        %parallel_loop3A_402 = arith.constant 1.000000e+00 : f32
        %parallel_loop3A_403 = vector.broadcast %parallel_loop3A_402 : f32 to vector<16xf32>
        %parallel_loop3A_404 = arith.cmpf oeq, %parallel_loop3A_345, %parallel_loop3A_403 : vector<16xf32>
        %parallel_loop3A_405 = arith.constant 6.400000e+01 : f32
        %parallel_loop3A_406 = vector.broadcast %parallel_loop3A_405 : f32 to vector<16xf32>
        %parallel_loop3A_407 = arith.cmpf ole, %parallel_loop3A_345, %parallel_loop3A_406 : vector<16xf32>
        %parallel_loop3A_408 = arith.select %parallel_loop3A_407, %parallel_loop3A_357, %parallel_loop3A_264 : vector<16xi1>, vector<16xf32>
        %parallel_loop3A_409 = arith.select %parallel_loop3A_404, %parallel_loop3A_365, %parallel_loop3A_408 : vector<16xi1>, vector<16xf32>
        %parallel_loop3A_410 = arith.constant 1.000000e+00 : f32
        %parallel_loop3A_411 = vector.broadcast %parallel_loop3A_410 : f32 to vector<16xf32>
        %parallel_loop3A_412 = arith.cmpf oeq, %parallel_loop3A_345, %parallel_loop3A_411 : vector<16xf32>
        %parallel_loop3A_413 = arith.constant 6.500000e+01 : f32
        %parallel_loop3A_414 = vector.broadcast %parallel_loop3A_413 : f32 to vector<16xf32>
        %parallel_loop3A_415 = arith.cmpf oeq, %parallel_loop3A_345, %parallel_loop3A_414 : vector<16xf32>
        %parallel_loop3A_416 = arith.select %parallel_loop3A_415, %parallel_loop3A_357, %parallel_loop3A_365 : vector<16xi1>, vector<16xf32>
        %parallel_loop3A_417 = arith.select %parallel_loop3A_412, %parallel_loop3A_264, %parallel_loop3A_416 : vector<16xi1>, vector<16xf32>
        %parallel_loop3A_418 = arith.select %parallel_loop3A_268, %parallel_loop3A_301, %parallel_loop3A_264 : vector<16xi1>, vector<16xf32>
        %parallel_loop3A_419 = arith.select %parallel_loop3A_268, %parallel_loop3A_309, %parallel_loop3A_264 : vector<16xi1>, vector<16xf32>
        %parallel_loop3A_420 = arith.constant 4.096000e+03 : f32
        %parallel_loop3A_421 = vector.broadcast %parallel_loop3A_420 : f32 to vector<16xf32>
        %parallel_loop3A_422 = arith.mulf %parallel_loop3A_371, %parallel_loop3A_421 : vector<16xf32>
        %parallel_loop3A_423 = arith.constant -8.322000e+03 : f32
        %parallel_loop3A_424 = vector.broadcast %parallel_loop3A_423 : f32 to vector<16xf32>
        %parallel_loop3A_425 = arith.addf %parallel_loop3A_422, %parallel_loop3A_424 : vector<16xf32>
        %parallel_loop3A_426 = arith.constant 4.096000e+03 : f32
        %parallel_loop3A_427 = vector.broadcast %parallel_loop3A_426 : f32 to vector<16xf32>
        %parallel_loop3A_428 = arith.mulf %parallel_loop3A_380, %parallel_loop3A_427 : vector<16xf32>
        %parallel_loop3A_429 = arith.constant -8.322000e+03 : f32
        %parallel_loop3A_430 = vector.broadcast %parallel_loop3A_429 : f32 to vector<16xf32>
        %parallel_loop3A_431 = arith.addf %parallel_loop3A_428, %parallel_loop3A_430 : vector<16xf32>
        %parallel_loop3A_432 = arith.constant 6.400000e+01 : f32
        %parallel_loop3A_433 = vector.broadcast %parallel_loop3A_432 : f32 to vector<16xf32>
        %parallel_loop3A_434 = arith.mulf %parallel_loop3A_386, %parallel_loop3A_433 : vector<16xf32>
        %parallel_loop3A_435 = arith.constant 6.400000e+01 : f32
        %parallel_loop3A_436 = vector.broadcast %parallel_loop3A_435 : f32 to vector<16xf32>
        %parallel_loop3A_437 = arith.mulf %parallel_loop3A_395, %parallel_loop3A_436 : vector<16xf32>
        %parallel_loop3A_438 = arith.constant 16 : i32
        %parallel_loop3A_439 = arith.muli %parallel_loop3A_180, %parallel_loop3A_438 : i32
        %parallel_loop3A_440 = arith.addf %parallel_loop3A_425, %parallel_loop3A_434 : vector<16xf32>
        %parallel_loop3A_441 = arith.addf %parallel_loop3A_440, %parallel_loop3A_401 : vector<16xf32>
        %parallel_loop3A_442 = arith.fptosi %parallel_loop3A_441 : vector<16xf32> to vector<16xi32>
        %parallel_loop3A_443 = arith.index_cast %parallel_loop3A_439 : i32 to index
        %parallel_loop3A_444 = tpu.vector_load %arg19[%parallel_loop3A_443] {strides = array<i32>} : memref<1024xi32, #tpu.memory_space<vmem>>, vector<16xi32>,
        %parallel_loop3A_445 = vector.shape_cast %parallel_loop3A_444 : vector<16xi32> to vector<16xi32>
        %parallel_loop3A_446 = vector.shape_cast %parallel_loop3A_442 : vector<16xi32> to vector<16xi32>
        tpu.vector_store %arg19[%parallel_loop3A_443], %parallel_loop3A_446 {strides = array<i32>} : memref<1024xi32, #tpu.memory_space<vmem>>, vector<16xi32>,
        %parallel_loop3A_447 = arith.addf %parallel_loop3A_425, %parallel_loop3A_437 : vector<16xf32>
        %parallel_loop3A_448 = arith.addf %parallel_loop3A_447, %parallel_loop3A_401 : vector<16xf32>
        %parallel_loop3A_449 = arith.fptosi %parallel_loop3A_448 : vector<16xf32> to vector<16xi32>
        %parallel_loop3A_450 = arith.index_cast %parallel_loop3A_439 : i32 to index
        %parallel_loop3A_451 = tpu.vector_load %arg20[%parallel_loop3A_450] {strides = array<i32>} : memref<1024xi32, #tpu.memory_space<vmem>>, vector<16xi32>,
        %parallel_loop3A_452 = vector.shape_cast %parallel_loop3A_451 : vector<16xi32> to vector<16xi32>
        %parallel_loop3A_453 = vector.shape_cast %parallel_loop3A_449 : vector<16xi32> to vector<16xi32>
        tpu.vector_store %arg20[%parallel_loop3A_450], %parallel_loop3A_453 {strides = array<i32>} : memref<1024xi32, #tpu.memory_space<vmem>>, vector<16xi32>,
        %parallel_loop3A_454 = arith.addf %parallel_loop3A_431, %parallel_loop3A_434 : vector<16xf32>
        %parallel_loop3A_455 = arith.addf %parallel_loop3A_454, %parallel_loop3A_401 : vector<16xf32>
        %parallel_loop3A_456 = arith.fptosi %parallel_loop3A_455 : vector<16xf32> to vector<16xi32>
        %parallel_loop3A_457 = arith.index_cast %parallel_loop3A_439 : i32 to index
        %parallel_loop3A_458 = tpu.vector_load %arg21[%parallel_loop3A_457] {strides = array<i32>} : memref<1024xi32, #tpu.memory_space<vmem>>, vector<16xi32>,
        %parallel_loop3A_459 = vector.shape_cast %parallel_loop3A_458 : vector<16xi32> to vector<16xi32>
        %parallel_loop3A_460 = vector.shape_cast %parallel_loop3A_456 : vector<16xi32> to vector<16xi32>
        tpu.vector_store %arg21[%parallel_loop3A_457], %parallel_loop3A_460 {strides = array<i32>} : memref<1024xi32, #tpu.memory_space<vmem>>, vector<16xi32>,
        %parallel_loop3A_461 = arith.addf %parallel_loop3A_431, %parallel_loop3A_437 : vector<16xf32>
        %parallel_loop3A_462 = arith.addf %parallel_loop3A_461, %parallel_loop3A_401 : vector<16xf32>
        %parallel_loop3A_463 = arith.fptosi %parallel_loop3A_462 : vector<16xf32> to vector<16xi32>
        %parallel_loop3A_464 = arith.index_cast %parallel_loop3A_439 : i32 to index
        %parallel_loop3A_465 = tpu.vector_load %arg22[%parallel_loop3A_464] {strides = array<i32>} : memref<1024xi32, #tpu.memory_space<vmem>>, vector<16xi32>,
        %parallel_loop3A_466 = vector.shape_cast %parallel_loop3A_465 : vector<16xi32> to vector<16xi32>
        %parallel_loop3A_467 = vector.shape_cast %parallel_loop3A_463 : vector<16xi32> to vector<16xi32>
        tpu.vector_store %arg22[%parallel_loop3A_464], %parallel_loop3A_467 {strides = array<i32>} : memref<1024xi32, #tpu.memory_space<vmem>>, vector<16xi32>,
        %parallel_loop3A_468 = arith.mulf %parallel_loop3A_418, %parallel_loop3A_329 : vector<16xf32>
        %parallel_loop3A_469 = arith.constant 0 : i32
        %parallel_loop3A_470 = arith.index_cast %parallel_loop3A_469 : i32 to index
        %parallel_loop3A_471 = arith.index_cast %parallel_loop3A_184 : i32 to index
        %parallel_loop3A_472 = tpu.vector_load %arg13[%parallel_loop3A_470, %parallel_loop3A_471] {strides = array<i32>} : memref<6x2048xf32, #tpu.memory_space<vmem>>, vector<1x16xf32>,
        %parallel_loop3A_473 = vector.shape_cast %parallel_loop3A_472 : vector<1x16xf32> to vector<16xf32>
        %parallel_loop3A_474 = vector.shape_cast %parallel_loop3A_468 : vector<16xf32> to vector<1x16xf32>
        tpu.vector_store %arg13[%parallel_loop3A_470, %parallel_loop3A_471], %parallel_loop3A_474 {strides = array<i32>} : memref<6x2048xf32, #tpu.memory_space<vmem>>, vector<1x16xf32>,
        %parallel_loop3A_475 = arith.mulf %parallel_loop3A_418, %parallel_loop3A_337 : vector<16xf32>
        %parallel_loop3A_476 = arith.constant 1 : i32
        %parallel_loop3A_477 = arith.index_cast %parallel_loop3A_476 : i32 to index
        %parallel_loop3A_478 = arith.index_cast %parallel_loop3A_184 : i32 to index
        %parallel_loop3A_479 = tpu.vector_load %arg13[%parallel_loop3A_477, %parallel_loop3A_478] {strides = array<i32>} : memref<6x2048xf32, #tpu.memory_space<vmem>>, vector<1x16xf32>,
        %parallel_loop3A_480 = vector.shape_cast %parallel_loop3A_479 : vector<1x16xf32> to vector<16xf32>
        %parallel_loop3A_481 = vector.shape_cast %parallel_loop3A_475 : vector<16xf32> to vector<1x16xf32>
        tpu.vector_store %arg13[%parallel_loop3A_477, %parallel_loop3A_478], %parallel_loop3A_481 {strides = array<i32>} : memref<6x2048xf32, #tpu.memory_space<vmem>>, vector<1x16xf32>,
        %parallel_loop3A_482 = arith.mulf %parallel_loop3A_419, %parallel_loop3A_329 : vector<16xf32>
        %parallel_loop3A_483 = arith.constant 2 : i32
        %parallel_loop3A_484 = arith.index_cast %parallel_loop3A_483 : i32 to index
        %parallel_loop3A_485 = arith.index_cast %parallel_loop3A_184 : i32 to index
        %parallel_loop3A_486 = tpu.vector_load %arg13[%parallel_loop3A_484, %parallel_loop3A_485] {strides = array<i32>} : memref<6x2048xf32, #tpu.memory_space<vmem>>, vector<1x16xf32>,
        %parallel_loop3A_487 = vector.shape_cast %parallel_loop3A_486 : vector<1x16xf32> to vector<16xf32>
        %parallel_loop3A_488 = vector.shape_cast %parallel_loop3A_482 : vector<16xf32> to vector<1x16xf32>
        tpu.vector_store %arg13[%parallel_loop3A_484, %parallel_loop3A_485], %parallel_loop3A_488 {strides = array<i32>} : memref<6x2048xf32, #tpu.memory_space<vmem>>, vector<1x16xf32>,
        %parallel_loop3A_489 = arith.mulf %parallel_loop3A_419, %parallel_loop3A_337 : vector<16xf32>
        %parallel_loop3A_490 = arith.constant 3 : i32
        %parallel_loop3A_491 = arith.index_cast %parallel_loop3A_490 : i32 to index
        %parallel_loop3A_492 = arith.index_cast %parallel_loop3A_184 : i32 to index
        %parallel_loop3A_493 = tpu.vector_load %arg13[%parallel_loop3A_491, %parallel_loop3A_492] {strides = array<i32>} : memref<6x2048xf32, #tpu.memory_space<vmem>>, vector<1x16xf32>,
        %parallel_loop3A_494 = vector.shape_cast %parallel_loop3A_493 : vector<1x16xf32> to vector<16xf32>
        %parallel_loop3A_495 = vector.shape_cast %parallel_loop3A_489 : vector<16xf32> to vector<1x16xf32>
        tpu.vector_store %arg13[%parallel_loop3A_491, %parallel_loop3A_492], %parallel_loop3A_495 {strides = array<i32>} : memref<6x2048xf32, #tpu.memory_space<vmem>>, vector<1x16xf32>,
        %parallel_loop3A_496 = arith.constant 4 : i32
        %parallel_loop3A_497 = arith.index_cast %parallel_loop3A_496 : i32 to index
        %parallel_loop3A_498 = arith.index_cast %parallel_loop3A_184 : i32 to index
        %parallel_loop3A_499 = tpu.vector_load %arg13[%parallel_loop3A_497, %parallel_loop3A_498] {strides = array<i32>} : memref<6x2048xf32, #tpu.memory_space<vmem>>, vector<1x16xf32>,
        %parallel_loop3A_500 = vector.shape_cast %parallel_loop3A_499 : vector<1x16xf32> to vector<16xf32>
        %parallel_loop3A_501 = vector.shape_cast %parallel_loop3A_409 : vector<16xf32> to vector<1x16xf32>
        tpu.vector_store %arg13[%parallel_loop3A_497, %parallel_loop3A_498], %parallel_loop3A_501 {strides = array<i32>} : memref<6x2048xf32, #tpu.memory_space<vmem>>, vector<1x16xf32>,
        %parallel_loop3A_502 = arith.constant 5 : i32
        %parallel_loop3A_503 = arith.index_cast %parallel_loop3A_502 : i32 to index
        %parallel_loop3A_504 = arith.index_cast %parallel_loop3A_184 : i32 to index
        %parallel_loop3A_505 = tpu.vector_load %arg13[%parallel_loop3A_503, %parallel_loop3A_504] {strides = array<i32>} : memref<6x2048xf32, #tpu.memory_space<vmem>>, vector<1x16xf32>,
        %parallel_loop3A_506 = vector.shape_cast %parallel_loop3A_505 : vector<1x16xf32> to vector<16xf32>
        %parallel_loop3A_507 = vector.shape_cast %parallel_loop3A_417 : vector<16xf32> to vector<1x16xf32>
        tpu.vector_store %arg13[%parallel_loop3A_503, %parallel_loop3A_504], %parallel_loop3A_507 {strides = array<i32>} : memref<6x2048xf32, #tpu.memory_space<vmem>>, vector<1x16xf32>,
      } {sc.loop_unroll_factor = 4 : i64, sc.parallel_access}
      %dma_start3A_161 = arith.constant 0 : i32
      %dma_start3A_162 = tpu.memref_slice %arg8[%dma_start3A_161] : memref<262144xi32, #tpu.memory_space<vmem_shared>> -> memref<262144xi32, #tpu.memory_space<vmem_shared>>
      tpu.enqueue_indirect_dma source(%dma_start3A_162 : memref<262144xi32, #tpu.memory_space<vmem_shared>>) target(%arg27 : memref<1024xi32, #tpu.memory_space<vmem>>) offsets(%arg19 : memref<1024xi32, #tpu.memory_space<vmem>>) semaphore(%arg33 : memref<!tpu.dma_semaphore, #tpu.memory_space<semaphore_mem>>)
      %dma_start3A_163 = arith.constant 0 : i32
      %dma_start3A_164 = tpu.memref_slice %arg8[%dma_start3A_163] : memref<262144xi32, #tpu.memory_space<vmem_shared>> -> memref<262144xi32, #tpu.memory_space<vmem_shared>>
      tpu.enqueue_indirect_dma source(%dma_start3A_164 : memref<262144xi32, #tpu.memory_space<vmem_shared>>) target(%arg28 : memref<1024xi32, #tpu.memory_space<vmem>>) offsets(%arg20 : memref<1024xi32, #tpu.memory_space<vmem>>) semaphore(%arg33 : memref<!tpu.dma_semaphore, #tpu.memory_space<semaphore_mem>>)
      %dma_start3A_165 = arith.constant 0 : i32
      %dma_start3A_166 = tpu.memref_slice %arg8[%dma_start3A_165] : memref<262144xi32, #tpu.memory_space<vmem_shared>> -> memref<262144xi32, #tpu.memory_space<vmem_shared>>
      tpu.enqueue_indirect_dma source(%dma_start3A_166 : memref<262144xi32, #tpu.memory_space<vmem_shared>>) target(%arg29 : memref<1024xi32, #tpu.memory_space<vmem>>) offsets(%arg21 : memref<1024xi32, #tpu.memory_space<vmem>>) semaphore(%arg33 : memref<!tpu.dma_semaphore, #tpu.memory_space<semaphore_mem>>)
      %dma_start3A_167 = arith.constant 0 : i32
      %dma_start3A_168 = tpu.memref_slice %arg8[%dma_start3A_167] : memref<262144xi32, #tpu.memory_space<vmem_shared>> -> memref<262144xi32, #tpu.memory_space<vmem_shared>>
      tpu.enqueue_indirect_dma source(%dma_start3A_168 : memref<262144xi32, #tpu.memory_space<vmem_shared>>) target(%arg30 : memref<1024xi32, #tpu.memory_space<vmem>>) offsets(%arg22 : memref<1024xi32, #tpu.memory_space<vmem>>) semaphore(%arg33 : memref<!tpu.dma_semaphore, #tpu.memory_space<semaphore_mem>>)
      %dma_wait3A_169 = arith.constant 0 : i32
      %dma_wait3A_170 = tpu.memref_slice %arg8[%dma_wait3A_169] : memref<262144xi32, #tpu.memory_space<vmem_shared>> -> memref<262144xi32, #tpu.memory_space<vmem_shared>>
      tpu.wait_indirect_dma semaphore(%arg32 : memref<!tpu.dma_semaphore, #tpu.memory_space<semaphore_mem>>) src(%dma_wait3A_170 : memref<262144xi32, #tpu.memory_space<vmem_shared>>) dst(%arg23 : memref<1024xi32, #tpu.memory_space<vmem>>)
      %dma_wait3A_171 = arith.constant 0 : i32
      %dma_wait3A_172 = tpu.memref_slice %arg8[%dma_wait3A_171] : memref<262144xi32, #tpu.memory_space<vmem_shared>> -> memref<262144xi32, #tpu.memory_space<vmem_shared>>
      tpu.wait_indirect_dma semaphore(%arg32 : memref<!tpu.dma_semaphore, #tpu.memory_space<semaphore_mem>>) src(%dma_wait3A_172 : memref<262144xi32, #tpu.memory_space<vmem_shared>>) dst(%arg24 : memref<1024xi32, #tpu.memory_space<vmem>>)
      %dma_wait3A_173 = arith.constant 0 : i32
      %dma_wait3A_174 = tpu.memref_slice %arg8[%dma_wait3A_173] : memref<262144xi32, #tpu.memory_space<vmem_shared>> -> memref<262144xi32, #tpu.memory_space<vmem_shared>>
      tpu.wait_indirect_dma semaphore(%arg32 : memref<!tpu.dma_semaphore, #tpu.memory_space<semaphore_mem>>) src(%dma_wait3A_174 : memref<262144xi32, #tpu.memory_space<vmem_shared>>) dst(%arg25 : memref<1024xi32, #tpu.memory_space<vmem>>)
      %dma_wait3A_175 = arith.constant 0 : i32
      %dma_wait3A_176 = tpu.memref_slice %arg8[%dma_wait3A_175] : memref<262144xi32, #tpu.memory_space<vmem_shared>> -> memref<262144xi32, #tpu.memory_space<vmem_shared>>
      tpu.wait_indirect_dma semaphore(%arg32 : memref<!tpu.dma_semaphore, #tpu.memory_space<semaphore_mem>>) src(%dma_wait3A_176 : memref<262144xi32, #tpu.memory_space<vmem_shared>>) dst(%arg26 : memref<1024xi32, #tpu.memory_space<vmem>>)
      %parallel_loop3A_177 = arith.constant 0 : i32
      %parallel_loop3A_178 = arith.constant 64 : i32
      %parallel_loop3A_179 = arith.constant 1 : i32
      scf.for %parallel_loop3A_180 = %parallel_loop3A_177 to %parallel_loop3A_178 step %parallel_loop3A_179  : i32 {
        %parallel_loop3A_181 = arith.constant 16 : i32
        %parallel_loop3A_182 = arith.muli %parallel_loop3A_180, %parallel_loop3A_181 : i32
        %parallel_loop3A_183 = arith.constant 0 : i32
        %parallel_loop3A_184 = arith.addi %parallel_loop3A_183, %parallel_loop3A_182 : i32
        %parallel_loop3A_185 = arith.constant 16 : i32
        %parallel_loop3A_186 = arith.muli %parallel_loop3A_180, %parallel_loop3A_185 : i32
        %parallel_loop3A_187 = arith.constant 0 : i32
        %parallel_loop3A_188 = arith.index_cast %parallel_loop3A_187 : i32 to index
        %parallel_loop3A_189 = arith.index_cast %parallel_loop3A_184 : i32 to index
        %parallel_loop3A_190 = tpu.vector_load %arg13[%parallel_loop3A_188, %parallel_loop3A_189] {strides = array<i32>} : memref<6x2048xf32, #tpu.memory_space<vmem>>, vector<1x16xf32>,
        %parallel_loop3A_191 = vector.shape_cast %parallel_loop3A_190 : vector<1x16xf32> to vector<16xf32>
        %parallel_loop3A_192 = arith.constant 1 : i32
        %parallel_loop3A_193 = arith.index_cast %parallel_loop3A_192 : i32 to index
        %parallel_loop3A_194 = arith.index_cast %parallel_loop3A_184 : i32 to index
        %parallel_loop3A_195 = tpu.vector_load %arg13[%parallel_loop3A_193, %parallel_loop3A_194] {strides = array<i32>} : memref<6x2048xf32, #tpu.memory_space<vmem>>, vector<1x16xf32>,
        %parallel_loop3A_196 = vector.shape_cast %parallel_loop3A_195 : vector<1x16xf32> to vector<16xf32>
        %parallel_loop3A_197 = arith.constant 2 : i32
        %parallel_loop3A_198 = arith.index_cast %parallel_loop3A_197 : i32 to index
        %parallel_loop3A_199 = arith.index_cast %parallel_loop3A_184 : i32 to index
        %parallel_loop3A_200 = tpu.vector_load %arg13[%parallel_loop3A_198, %parallel_loop3A_199] {strides = array<i32>} : memref<6x2048xf32, #tpu.memory_space<vmem>>, vector<1x16xf32>,
        %parallel_loop3A_201 = vector.shape_cast %parallel_loop3A_200 : vector<1x16xf32> to vector<16xf32>
        %parallel_loop3A_202 = arith.constant 3 : i32
        %parallel_loop3A_203 = arith.index_cast %parallel_loop3A_202 : i32 to index
        %parallel_loop3A_204 = arith.index_cast %parallel_loop3A_184 : i32 to index
        %parallel_loop3A_205 = tpu.vector_load %arg13[%parallel_loop3A_203, %parallel_loop3A_204] {strides = array<i32>} : memref<6x2048xf32, #tpu.memory_space<vmem>>, vector<1x16xf32>,
        %parallel_loop3A_206 = vector.shape_cast %parallel_loop3A_205 : vector<1x16xf32> to vector<16xf32>
        %parallel_loop3A_207 = arith.constant 4 : i32
        %parallel_loop3A_208 = arith.index_cast %parallel_loop3A_207 : i32 to index
        %parallel_loop3A_209 = arith.index_cast %parallel_loop3A_184 : i32 to index
        %parallel_loop3A_210 = tpu.vector_load %arg13[%parallel_loop3A_208, %parallel_loop3A_209] {strides = array<i32>} : memref<6x2048xf32, #tpu.memory_space<vmem>>, vector<1x16xf32>,
        %parallel_loop3A_211 = vector.shape_cast %parallel_loop3A_210 : vector<1x16xf32> to vector<16xf32>
        %parallel_loop3A_212 = arith.constant 5 : i32
        %parallel_loop3A_213 = arith.index_cast %parallel_loop3A_212 : i32 to index
        %parallel_loop3A_214 = arith.index_cast %parallel_loop3A_184 : i32 to index
        %parallel_loop3A_215 = tpu.vector_load %arg13[%parallel_loop3A_213, %parallel_loop3A_214] {strides = array<i32>} : memref<6x2048xf32, #tpu.memory_space<vmem>>, vector<1x16xf32>,
        %parallel_loop3A_216 = vector.shape_cast %parallel_loop3A_215 : vector<1x16xf32> to vector<16xf32>
        %parallel_loop3A_217 = arith.constant -65536 : i32
        %parallel_loop3A_218 = vector.broadcast %parallel_loop3A_217 : i32 to vector<16xi32>
        %parallel_loop3A_219 = arith.index_cast %parallel_loop3A_186 : i32 to index
        %parallel_loop3A_220 = tpu.vector_load %arg23[%parallel_loop3A_219] {strides = array<i32>} : memref<1024xi32, #tpu.memory_space<vmem>>, vector<16xi32>,
        %parallel_loop3A_221 = vector.shape_cast %parallel_loop3A_220 : vector<16xi32> to vector<16xi32>
        %parallel_loop3A_222 = arith.constant 16 : i32
        %parallel_loop3A_223 = vector.broadcast %parallel_loop3A_222 : i32 to vector<16xi32>
        %parallel_loop3A_224 = arith.shli %parallel_loop3A_221, %parallel_loop3A_223 : vector<16xi32>
        %parallel_loop3A_225 = tpu.bitcast %parallel_loop3A_224 : vector<16xi32> -> vector<16xf32>
        %parallel_loop3A_226 = arith.andi %parallel_loop3A_221, %parallel_loop3A_218 : vector<16xi32>
        %parallel_loop3A_227 = tpu.bitcast %parallel_loop3A_226 : vector<16xi32> -> vector<16xf32>
        %parallel_loop3A_228 = arith.index_cast %parallel_loop3A_186 : i32 to index
        %parallel_loop3A_229 = tpu.vector_load %arg24[%parallel_loop3A_228] {strides = array<i32>} : memref<1024xi32, #tpu.memory_space<vmem>>, vector<16xi32>,
        %parallel_loop3A_230 = vector.shape_cast %parallel_loop3A_229 : vector<16xi32> to vector<16xi32>
        %parallel_loop3A_231 = arith.constant 16 : i32
        %parallel_loop3A_232 = vector.broadcast %parallel_loop3A_231 : i32 to vector<16xi32>
        %parallel_loop3A_233 = arith.shli %parallel_loop3A_230, %parallel_loop3A_232 : vector<16xi32>
        %parallel_loop3A_234 = tpu.bitcast %parallel_loop3A_233 : vector<16xi32> -> vector<16xf32>
        %parallel_loop3A_235 = arith.andi %parallel_loop3A_230, %parallel_loop3A_218 : vector<16xi32>
        %parallel_loop3A_236 = tpu.bitcast %parallel_loop3A_235 : vector<16xi32> -> vector<16xf32>
        %parallel_loop3A_237 = arith.index_cast %parallel_loop3A_186 : i32 to index
        %parallel_loop3A_238 = tpu.vector_load %arg25[%parallel_loop3A_237] {strides = array<i32>} : memref<1024xi32, #tpu.memory_space<vmem>>, vector<16xi32>,
        %parallel_loop3A_239 = vector.shape_cast %parallel_loop3A_238 : vector<16xi32> to vector<16xi32>
        %parallel_loop3A_240 = arith.constant 16 : i32
        %parallel_loop3A_241 = vector.broadcast %parallel_loop3A_240 : i32 to vector<16xi32>
        %parallel_loop3A_242 = arith.shli %parallel_loop3A_239, %parallel_loop3A_241 : vector<16xi32>
        %parallel_loop3A_243 = tpu.bitcast %parallel_loop3A_242 : vector<16xi32> -> vector<16xf32>
        %parallel_loop3A_244 = arith.andi %parallel_loop3A_239, %parallel_loop3A_218 : vector<16xi32>
        %parallel_loop3A_245 = tpu.bitcast %parallel_loop3A_244 : vector<16xi32> -> vector<16xf32>
        %parallel_loop3A_246 = arith.index_cast %parallel_loop3A_186 : i32 to index
        %parallel_loop3A_247 = tpu.vector_load %arg26[%parallel_loop3A_246] {strides = array<i32>} : memref<1024xi32, #tpu.memory_space<vmem>>, vector<16xi32>,
        %parallel_loop3A_248 = vector.shape_cast %parallel_loop3A_247 : vector<16xi32> to vector<16xi32>
        %parallel_loop3A_249 = arith.constant 16 : i32
        %parallel_loop3A_250 = vector.broadcast %parallel_loop3A_249 : i32 to vector<16xi32>
        %parallel_loop3A_251 = arith.shli %parallel_loop3A_248, %parallel_loop3A_250 : vector<16xi32>
        %parallel_loop3A_252 = tpu.bitcast %parallel_loop3A_251 : vector<16xi32> -> vector<16xf32>
        %parallel_loop3A_253 = arith.andi %parallel_loop3A_248, %parallel_loop3A_218 : vector<16xi32>
        %parallel_loop3A_254 = tpu.bitcast %parallel_loop3A_253 : vector<16xi32> -> vector<16xf32>
        %parallel_loop3A_255 = arith.mulf %parallel_loop3A_211, %parallel_loop3A_225 : vector<16xf32>
        %parallel_loop3A_256 = arith.mulf %parallel_loop3A_216, %parallel_loop3A_227 : vector<16xf32>
        %parallel_loop3A_257 = arith.addf %parallel_loop3A_255, %parallel_loop3A_256 : vector<16xf32>
        %parallel_loop3A_258 = arith.mulf %parallel_loop3A_191, %parallel_loop3A_257 : vector<16xf32>
        %parallel_loop3A_259 = arith.mulf %parallel_loop3A_211, %parallel_loop3A_234 : vector<16xf32>
        %parallel_loop3A_260 = arith.mulf %parallel_loop3A_216, %parallel_loop3A_236 : vector<16xf32>
        %parallel_loop3A_261 = arith.addf %parallel_loop3A_259, %parallel_loop3A_260 : vector<16xf32>
        %parallel_loop3A_262 = arith.mulf %parallel_loop3A_196, %parallel_loop3A_261 : vector<16xf32>
        %parallel_loop3A_263 = arith.addf %parallel_loop3A_258, %parallel_loop3A_262 : vector<16xf32>
        %parallel_loop3A_264 = arith.mulf %parallel_loop3A_211, %parallel_loop3A_243 : vector<16xf32>
        %parallel_loop3A_265 = arith.mulf %parallel_loop3A_216, %parallel_loop3A_245 : vector<16xf32>
        %parallel_loop3A_266 = arith.addf %parallel_loop3A_264, %parallel_loop3A_265 : vector<16xf32>
        %parallel_loop3A_267 = arith.mulf %parallel_loop3A_201, %parallel_loop3A_266 : vector<16xf32>
        %parallel_loop3A_268 = arith.addf %parallel_loop3A_263, %parallel_loop3A_267 : vector<16xf32>
        %parallel_loop3A_269 = arith.mulf %parallel_loop3A_211, %parallel_loop3A_252 : vector<16xf32>
        %parallel_loop3A_270 = arith.mulf %parallel_loop3A_216, %parallel_loop3A_254 : vector<16xf32>
        %parallel_loop3A_271 = arith.addf %parallel_loop3A_269, %parallel_loop3A_270 : vector<16xf32>
        %parallel_loop3A_272 = arith.mulf %parallel_loop3A_206, %parallel_loop3A_271 : vector<16xf32>
        %parallel_loop3A_273 = arith.addf %parallel_loop3A_268, %parallel_loop3A_272 : vector<16xf32>
        %parallel_loop3A_274 = arith.index_cast %parallel_loop3A_184 : i32 to index
        %parallel_loop3A_275 = tpu.vector_load %arg14[%parallel_loop3A_274] {strides = array<i32>} : memref<2048xf32, #tpu.memory_space<vmem>>, vector<16xf32>,
        %parallel_loop3A_276 = vector.shape_cast %parallel_loop3A_275 : vector<16xf32> to vector<16xf32>
        %parallel_loop3A_277 = vector.shape_cast %parallel_loop3A_273 : vector<16xf32> to vector<16xf32>
        tpu.vector_store %arg14[%parallel_loop3A_274], %parallel_loop3A_277 {strides = array<i32>} : memref<2048xf32, #tpu.memory_space<vmem>>, vector<16xf32>,
      } {sc.loop_unroll_factor = 4 : i64, sc.parallel_access}
      "tpu.region"() ({
        %run_scoped3A = tpu.sem_alloc : memref<!tpu.dma_semaphore, #tpu.memory_space<semaphore_mem>>
        %dma_start3A_180 = arith.constant 0 : i32
        %dma_start3A_181 = tpu.memref_slice %arg14[%dma_start3A_180] : memref<2048xf32, #tpu.memory_space<vmem>> -> memref<1024xf32, #tpu.memory_space<vmem>>
        %dma_start3A_182 = tpu.memref_slice %arg7[%add3A_64] : memref<4194304xf32, #tpu.memory_space<hbm>> -> memref<1024xf32, #tpu.memory_space<hbm>>
        %dma_start3A_183 = tpu.memref_slice %arg7[%add3A_64] : memref<4194304xf32, #tpu.memory_space<hbm>> -> memref<1024xf32, #tpu.memory_space<hbm>>
        %dma_start3A_184 = arith.constant 0 : i32
        %dma_start3A_185 = tpu.memref_slice %arg14[%dma_start3A_184] : memref<2048xf32, #tpu.memory_space<vmem>> -> memref<1024xf32, #tpu.memory_space<vmem>>
        tpu.enqueue_dma source(%dma_start3A_185 : memref<1024xf32, #tpu.memory_space<vmem>>) target(%dma_start3A_183 : memref<1024xf32, #tpu.memory_space<hbm>>) target_semaphore(%run_scoped3A : memref<!tpu.dma_semaphore, #tpu.memory_space<semaphore_mem>>)
        %dma_wait3A_186 = arith.constant 0 : i32
        %dma_wait3A_187 = tpu.memref_slice %arg14[%dma_wait3A_186] : memref<2048xf32, #tpu.memory_space<vmem>> -> memref<1024xf32, #tpu.memory_space<vmem>>
        %dma_wait3A_188 = tpu.memref_slice %arg7[%add3A_64] : memref<4194304xf32, #tpu.memory_space<hbm>> -> memref<1024xf32, #tpu.memory_space<hbm>>
        %dma_wait3A_189 = tpu.memref_slice %arg7[%add3A_64] : memref<4194304xf32, #tpu.memory_space<hbm>> -> memref<1024xf32, #tpu.memory_space<hbm>>
        %dma_wait3A_190 = arith.constant 0 : i32
        %dma_wait3A_191 = tpu.memref_slice %arg14[%dma_wait3A_190] : memref<2048xf32, #tpu.memory_space<vmem>> -> memref<1024xf32, #tpu.memory_space<vmem>>
        tpu.wait_dma2 semaphore(%run_scoped3A : memref<!tpu.dma_semaphore, #tpu.memory_space<semaphore_mem>>) src(%dma_wait3A_191 : memref<1024xf32, #tpu.memory_space<vmem>>) dst(%dma_wait3A_189 : memref<1024xf32, #tpu.memory_space<hbm>>)
        tpu.yield
      }) : () -> ()
    }
    %scan3A_25 = arith.constant 64 : i32
    %dma_wait3A = arith.constant 0 : i32
    %dma_wait3A_26 = tpu.memref_slice %arg8[%dma_wait3A] : memref<262144xi32, #tpu.memory_space<vmem_shared>> -> memref<262144xi32, #tpu.memory_space<vmem_shared>>
    tpu.wait_indirect_dma semaphore(%arg33 : memref<!tpu.dma_semaphore, #tpu.memory_space<semaphore_mem>>) src(%dma_wait3A_26 : memref<262144xi32, #tpu.memory_space<vmem_shared>>) dst(%arg27 : memref<1024xi32, #tpu.memory_space<vmem>>)
    %dma_wait3A_27 = arith.constant 0 : i32
    %dma_wait3A_28 = tpu.memref_slice %arg8[%dma_wait3A_27] : memref<262144xi32, #tpu.memory_space<vmem_shared>> -> memref<262144xi32, #tpu.memory_space<vmem_shared>>
    tpu.wait_indirect_dma semaphore(%arg33 : memref<!tpu.dma_semaphore, #tpu.memory_space<semaphore_mem>>) src(%dma_wait3A_28 : memref<262144xi32, #tpu.memory_space<vmem_shared>>) dst(%arg28 : memref<1024xi32, #tpu.memory_space<vmem>>)
    %dma_wait3A_29 = arith.constant 0 : i32
    %dma_wait3A_30 = tpu.memref_slice %arg8[%dma_wait3A_29] : memref<262144xi32, #tpu.memory_space<vmem_shared>> -> memref<262144xi32, #tpu.memory_space<vmem_shared>>
    tpu.wait_indirect_dma semaphore(%arg33 : memref<!tpu.dma_semaphore, #tpu.memory_space<semaphore_mem>>) src(%dma_wait3A_30 : memref<262144xi32, #tpu.memory_space<vmem_shared>>) dst(%arg29 : memref<1024xi32, #tpu.memory_space<vmem>>)
    %dma_wait3A_31 = arith.constant 0 : i32
    %dma_wait3A_32 = tpu.memref_slice %arg8[%dma_wait3A_31] : memref<262144xi32, #tpu.memory_space<vmem_shared>> -> memref<262144xi32, #tpu.memory_space<vmem_shared>>
    tpu.wait_indirect_dma semaphore(%arg33 : memref<!tpu.dma_semaphore, #tpu.memory_space<semaphore_mem>>) src(%dma_wait3A_32 : memref<262144xi32, #tpu.memory_space<vmem_shared>>) dst(%arg30 : memref<1024xi32, #tpu.memory_space<vmem>>)
    %parallel_loop3A = arith.constant 0 : i32
    %parallel_loop3A_33 = arith.constant 64 : i32
    %parallel_loop3A_34 = arith.constant 1 : i32
    scf.for %parallel_loop3A_59 = %parallel_loop3A to %parallel_loop3A_33 step %parallel_loop3A_34  : i32 {
      %parallel_loop3A_60 = arith.constant 16 : i32
      %parallel_loop3A_61 = arith.muli %parallel_loop3A_59, %parallel_loop3A_60 : i32
      %parallel_loop3A_62 = arith.constant 1024 : i32
      %parallel_loop3A_63 = arith.addi %parallel_loop3A_62, %parallel_loop3A_61 : i32
      %parallel_loop3A_64 = arith.constant 16 : i32
      %parallel_loop3A_65 = arith.muli %parallel_loop3A_59, %parallel_loop3A_64 : i32
      %parallel_loop3A_66 = arith.constant 0 : i32
      %parallel_loop3A_67 = arith.index_cast %parallel_loop3A_66 : i32 to index
      %parallel_loop3A_68 = arith.index_cast %parallel_loop3A_63 : i32 to index
      %parallel_loop3A_69 = tpu.vector_load %arg13[%parallel_loop3A_67, %parallel_loop3A_68] {strides = array<i32>} : memref<6x2048xf32, #tpu.memory_space<vmem>>, vector<1x16xf32>,
      %parallel_loop3A_70 = vector.shape_cast %parallel_loop3A_69 : vector<1x16xf32> to vector<16xf32>
      %parallel_loop3A_71 = arith.constant 1 : i32
      %parallel_loop3A_72 = arith.index_cast %parallel_loop3A_71 : i32 to index
      %parallel_loop3A_73 = arith.index_cast %parallel_loop3A_63 : i32 to index
      %parallel_loop3A_74 = tpu.vector_load %arg13[%parallel_loop3A_72, %parallel_loop3A_73] {strides = array<i32>} : memref<6x2048xf32, #tpu.memory_space<vmem>>, vector<1x16xf32>,
      %parallel_loop3A_75 = vector.shape_cast %parallel_loop3A_74 : vector<1x16xf32> to vector<16xf32>
      %parallel_loop3A_76 = arith.constant 2 : i32
      %parallel_loop3A_77 = arith.index_cast %parallel_loop3A_76 : i32 to index
      %parallel_loop3A_78 = arith.index_cast %parallel_loop3A_63 : i32 to index
      %parallel_loop3A_79 = tpu.vector_load %arg13[%parallel_loop3A_77, %parallel_loop3A_78] {strides = array<i32>} : memref<6x2048xf32, #tpu.memory_space<vmem>>, vector<1x16xf32>,
      %parallel_loop3A_80 = vector.shape_cast %parallel_loop3A_79 : vector<1x16xf32> to vector<16xf32>
      %parallel_loop3A_81 = arith.constant 3 : i32
      %parallel_loop3A_82 = arith.index_cast %parallel_loop3A_81 : i32 to index
      %parallel_loop3A_83 = arith.index_cast %parallel_loop3A_63 : i32 to index
      %parallel_loop3A_84 = tpu.vector_load %arg13[%parallel_loop3A_82, %parallel_loop3A_83] {strides = array<i32>} : memref<6x2048xf32, #tpu.memory_space<vmem>>, vector<1x16xf32>,
      %parallel_loop3A_85 = vector.shape_cast %parallel_loop3A_84 : vector<1x16xf32> to vector<16xf32>
      %parallel_loop3A_86 = arith.constant 4 : i32
      %parallel_loop3A_87 = arith.index_cast %parallel_loop3A_86 : i32 to index
      %parallel_loop3A_88 = arith.index_cast %parallel_loop3A_63 : i32 to index
      %parallel_loop3A_89 = tpu.vector_load %arg13[%parallel_loop3A_87, %parallel_loop3A_88] {strides = array<i32>} : memref<6x2048xf32, #tpu.memory_space<vmem>>, vector<1x16xf32>,
      %parallel_loop3A_90 = vector.shape_cast %parallel_loop3A_89 : vector<1x16xf32> to vector<16xf32>
      %parallel_loop3A_91 = arith.constant 5 : i32
      %parallel_loop3A_92 = arith.index_cast %parallel_loop3A_91 : i32 to index
      %parallel_loop3A_93 = arith.index_cast %parallel_loop3A_63 : i32 to index
      %parallel_loop3A_94 = tpu.vector_load %arg13[%parallel_loop3A_92, %parallel_loop3A_93] {strides = array<i32>} : memref<6x2048xf32, #tpu.memory_space<vmem>>, vector<1x16xf32>,
      %parallel_loop3A_95 = vector.shape_cast %parallel_loop3A_94 : vector<1x16xf32> to vector<16xf32>
      %parallel_loop3A_96 = arith.constant -65536 : i32
      %parallel_loop3A_97 = vector.broadcast %parallel_loop3A_96 : i32 to vector<16xi32>
      %parallel_loop3A_98 = arith.index_cast %parallel_loop3A_65 : i32 to index
      %parallel_loop3A_99 = tpu.vector_load %arg27[%parallel_loop3A_98] {strides = array<i32>} : memref<1024xi32, #tpu.memory_space<vmem>>, vector<16xi32>,
      %parallel_loop3A_100 = vector.shape_cast %parallel_loop3A_99 : vector<16xi32> to vector<16xi32>
      %parallel_loop3A_101 = arith.constant 16 : i32
      %parallel_loop3A_102 = vector.broadcast %parallel_loop3A_101 : i32 to vector<16xi32>
      %parallel_loop3A_103 = arith.shli %parallel_loop3A_100, %parallel_loop3A_102 : vector<16xi32>
      %parallel_loop3A_104 = tpu.bitcast %parallel_loop3A_103 : vector<16xi32> -> vector<16xf32>
      %parallel_loop3A_105 = arith.andi %parallel_loop3A_100, %parallel_loop3A_97 : vector<16xi32>
      %parallel_loop3A_106 = tpu.bitcast %parallel_loop3A_105 : vector<16xi32> -> vector<16xf32>
      %parallel_loop3A_107 = arith.index_cast %parallel_loop3A_65 : i32 to index
      %parallel_loop3A_108 = tpu.vector_load %arg28[%parallel_loop3A_107] {strides = array<i32>} : memref<1024xi32, #tpu.memory_space<vmem>>, vector<16xi32>,
      %parallel_loop3A_109 = vector.shape_cast %parallel_loop3A_108 : vector<16xi32> to vector<16xi32>
      %parallel_loop3A_110 = arith.constant 16 : i32
      %parallel_loop3A_111 = vector.broadcast %parallel_loop3A_110 : i32 to vector<16xi32>
      %parallel_loop3A_112 = arith.shli %parallel_loop3A_109, %parallel_loop3A_111 : vector<16xi32>
      %parallel_loop3A_113 = tpu.bitcast %parallel_loop3A_112 : vector<16xi32> -> vector<16xf32>
      %parallel_loop3A_114 = arith.andi %parallel_loop3A_109, %parallel_loop3A_97 : vector<16xi32>
      %parallel_loop3A_115 = tpu.bitcast %parallel_loop3A_114 : vector<16xi32> -> vector<16xf32>
      %parallel_loop3A_116 = arith.index_cast %parallel_loop3A_65 : i32 to index
      %parallel_loop3A_117 = tpu.vector_load %arg29[%parallel_loop3A_116] {strides = array<i32>} : memref<1024xi32, #tpu.memory_space<vmem>>, vector<16xi32>,
      %parallel_loop3A_118 = vector.shape_cast %parallel_loop3A_117 : vector<16xi32> to vector<16xi32>
      %parallel_loop3A_119 = arith.constant 16 : i32
      %parallel_loop3A_120 = vector.broadcast %parallel_loop3A_119 : i32 to vector<16xi32>
      %parallel_loop3A_121 = arith.shli %parallel_loop3A_118, %parallel_loop3A_120 : vector<16xi32>
      %parallel_loop3A_122 = tpu.bitcast %parallel_loop3A_121 : vector<16xi32> -> vector<16xf32>
      %parallel_loop3A_123 = arith.andi %parallel_loop3A_118, %parallel_loop3A_97 : vector<16xi32>
      %parallel_loop3A_124 = tpu.bitcast %parallel_loop3A_123 : vector<16xi32> -> vector<16xf32>
      %parallel_loop3A_125 = arith.index_cast %parallel_loop3A_65 : i32 to index
      %parallel_loop3A_126 = tpu.vector_load %arg30[%parallel_loop3A_125] {strides = array<i32>} : memref<1024xi32, #tpu.memory_space<vmem>>, vector<16xi32>,
      %parallel_loop3A_127 = vector.shape_cast %parallel_loop3A_126 : vector<16xi32> to vector<16xi32>
      %parallel_loop3A_128 = arith.constant 16 : i32
      %parallel_loop3A_129 = vector.broadcast %parallel_loop3A_128 : i32 to vector<16xi32>
      %parallel_loop3A_130 = arith.shli %parallel_loop3A_127, %parallel_loop3A_129 : vector<16xi32>
      %parallel_loop3A_131 = tpu.bitcast %parallel_loop3A_130 : vector<16xi32> -> vector<16xf32>
      %parallel_loop3A_132 = arith.andi %parallel_loop3A_127, %parallel_loop3A_97 : vector<16xi32>
      %parallel_loop3A_133 = tpu.bitcast %parallel_loop3A_132 : vector<16xi32> -> vector<16xf32>
      %parallel_loop3A_134 = arith.mulf %parallel_loop3A_90, %parallel_loop3A_104 : vector<16xf32>
      %parallel_loop3A_135 = arith.mulf %parallel_loop3A_95, %parallel_loop3A_106 : vector<16xf32>
      %parallel_loop3A_136 = arith.addf %parallel_loop3A_134, %parallel_loop3A_135 : vector<16xf32>
      %parallel_loop3A_137 = arith.mulf %parallel_loop3A_70, %parallel_loop3A_136 : vector<16xf32>
      %parallel_loop3A_138 = arith.mulf %parallel_loop3A_90, %parallel_loop3A_113 : vector<16xf32>
      %parallel_loop3A_139 = arith.mulf %parallel_loop3A_95, %parallel_loop3A_115 : vector<16xf32>
      %parallel_loop3A_140 = arith.addf %parallel_loop3A_138, %parallel_loop3A_139 : vector<16xf32>
      %parallel_loop3A_141 = arith.mulf %parallel_loop3A_75, %parallel_loop3A_140 : vector<16xf32>
      %parallel_loop3A_142 = arith.addf %parallel_loop3A_137, %parallel_loop3A_141 : vector<16xf32>
      %parallel_loop3A_143 = arith.mulf %parallel_loop3A_90, %parallel_loop3A_122 : vector<16xf32>
      %parallel_loop3A_144 = arith.mulf %parallel_loop3A_95, %parallel_loop3A_124 : vector<16xf32>
      %parallel_loop3A_145 = arith.addf %parallel_loop3A_143, %parallel_loop3A_144 : vector<16xf32>
      %parallel_loop3A_146 = arith.mulf %parallel_loop3A_80, %parallel_loop3A_145 : vector<16xf32>
      %parallel_loop3A_147 = arith.addf %parallel_loop3A_142, %parallel_loop3A_146 : vector<16xf32>
      %parallel_loop3A_148 = arith.mulf %parallel_loop3A_90, %parallel_loop3A_131 : vector<16xf32>
      %parallel_loop3A_149 = arith.mulf %parallel_loop3A_95, %parallel_loop3A_133 : vector<16xf32>
      %parallel_loop3A_150 = arith.addf %parallel_loop3A_148, %parallel_loop3A_149 : vector<16xf32>
      %parallel_loop3A_151 = arith.mulf %parallel_loop3A_85, %parallel_loop3A_150 : vector<16xf32>
      %parallel_loop3A_152 = arith.addf %parallel_loop3A_147, %parallel_loop3A_151 : vector<16xf32>
      %parallel_loop3A_153 = arith.index_cast %parallel_loop3A_63 : i32 to index
      %parallel_loop3A_154 = tpu.vector_load %arg14[%parallel_loop3A_153] {strides = array<i32>} : memref<2048xf32, #tpu.memory_space<vmem>>, vector<16xf32>,
      %parallel_loop3A_155 = vector.shape_cast %parallel_loop3A_154 : vector<16xf32> to vector<16xf32>
      %parallel_loop3A_156 = vector.shape_cast %parallel_loop3A_152 : vector<16xf32> to vector<16xf32>
      tpu.vector_store %arg14[%parallel_loop3A_153], %parallel_loop3A_156 {strides = array<i32>} : memref<2048xf32, #tpu.memory_space<vmem>>, vector<16xf32>,
    } {sc.loop_unroll_factor = 4 : i64, sc.parallel_access}
    %add3A_35 = arith.constant 131072 : i32
    %add3A_36 = arith.addi %mul3A_4, %add3A_35 : i32
    %sub3A = arith.constant 1024 : i32
    %sub3A_37 = arith.subi %add3A_36, %sub3A : i32
    "tpu.region"() ({
      %run_scoped3A = tpu.sem_alloc : memref<!tpu.dma_semaphore, #tpu.memory_space<semaphore_mem>>
      %dma_start3A_59 = arith.constant 1024 : i32
      %dma_start3A_60 = tpu.memref_slice %arg14[%dma_start3A_59] : memref<2048xf32, #tpu.memory_space<vmem>> -> memref<1024xf32, #tpu.memory_space<vmem>>
      %dma_start3A_61 = tpu.memref_slice %arg7[%sub3A_37] : memref<4194304xf32, #tpu.memory_space<hbm>> -> memref<1024xf32, #tpu.memory_space<hbm>>
      %dma_start3A_62 = tpu.memref_slice %arg7[%sub3A_37] : memref<4194304xf32, #tpu.memory_space<hbm>> -> memref<1024xf32, #tpu.memory_space<hbm>>
      %dma_start3A_63 = arith.constant 1024 : i32
      %dma_start3A_64 = tpu.memref_slice %arg14[%dma_start3A_63] : memref<2048xf32, #tpu.memory_space<vmem>> -> memref<1024xf32, #tpu.memory_space<vmem>>
      tpu.enqueue_dma source(%dma_start3A_64 : memref<1024xf32, #tpu.memory_space<vmem>>) target(%dma_start3A_62 : memref<1024xf32, #tpu.memory_space<hbm>>) target_semaphore(%run_scoped3A : memref<!tpu.dma_semaphore, #tpu.memory_space<semaphore_mem>>)
      %dma_wait3A_65 = arith.constant 1024 : i32
      %dma_wait3A_66 = tpu.memref_slice %arg14[%dma_wait3A_65] : memref<2048xf32, #tpu.memory_space<vmem>> -> memref<1024xf32, #tpu.memory_space<vmem>>
      %dma_wait3A_67 = tpu.memref_slice %arg7[%sub3A_37] : memref<4194304xf32, #tpu.memory_space<hbm>> -> memref<1024xf32, #tpu.memory_space<hbm>>
      %dma_wait3A_68 = tpu.memref_slice %arg7[%sub3A_37] : memref<4194304xf32, #tpu.memory_space<hbm>> -> memref<1024xf32, #tpu.memory_space<hbm>>
      %dma_wait3A_69 = arith.constant 1024 : i32
      %dma_wait3A_70 = tpu.memref_slice %arg14[%dma_wait3A_69] : memref<2048xf32, #tpu.memory_space<vmem>> -> memref<1024xf32, #tpu.memory_space<vmem>>
      tpu.wait_dma2 semaphore(%run_scoped3A : memref<!tpu.dma_semaphore, #tpu.memory_space<semaphore_mem>>) src(%dma_wait3A_70 : memref<1024xf32, #tpu.memory_space<vmem>>) dst(%dma_wait3A_68 : memref<1024xf32, #tpu.memory_space<hbm>>)
      tpu.yield
    }) : () -> ()
    %add3A_38 = arith.constant 131072 : i32
    %add3A_39 = arith.addi %mul3A_4, %add3A_38 : i32
    %min3A = arith.constant 4193280 : i32
    %min3A_40 = arith.minsi %add3A_39, %min3A : i32
    %dma_wait3A_41 = arith.constant 0 : i32
    %dma_wait3A_42 = tpu.memref_slice %arg10[%dma_wait3A_41] : memref<2048xf32, #tpu.memory_space<vmem>> -> memref<1024xf32, #tpu.memory_space<vmem>>
    %dma_wait3A_43 = tpu.memref_slice %arg2[%min3A_40] : memref<4194304xf32, #tpu.memory_space<hbm>> -> memref<1024xf32, #tpu.memory_space<hbm>>
    %dma_wait3A_44 = arith.constant 0 : i32
    %dma_wait3A_45 = tpu.memref_slice %arg10[%dma_wait3A_44] : memref<2048xf32, #tpu.memory_space<vmem>> -> memref<1024xf32, #tpu.memory_space<vmem>>
    %dma_wait3A_46 = tpu.memref_slice %arg2[%min3A_40] : memref<4194304xf32, #tpu.memory_space<hbm>> -> memref<1024xf32, #tpu.memory_space<hbm>>
    tpu.wait_dma2 semaphore(%arg31 : memref<!tpu.dma_semaphore, #tpu.memory_space<semaphore_mem>>) src(%dma_wait3A_46 : memref<1024xf32, #tpu.memory_space<hbm>>) dst(%dma_wait3A_45 : memref<1024xf32, #tpu.memory_space<vmem>>)
    %dma_wait3A_47 = arith.constant 0 : i32
    %dma_wait3A_48 = tpu.memref_slice %arg11[%dma_wait3A_47] : memref<2048xf32, #tpu.memory_space<vmem>> -> memref<1024xf32, #tpu.memory_space<vmem>>
    %dma_wait3A_49 = tpu.memref_slice %arg3[%min3A_40] : memref<4194304xf32, #tpu.memory_space<hbm>> -> memref<1024xf32, #tpu.memory_space<hbm>>
    %dma_wait3A_50 = arith.constant 0 : i32
    %dma_wait3A_51 = tpu.memref_slice %arg11[%dma_wait3A_50] : memref<2048xf32, #tpu.memory_space<vmem>> -> memref<1024xf32, #tpu.memory_space<vmem>>
    %dma_wait3A_52 = tpu.memref_slice %arg3[%min3A_40] : memref<4194304xf32, #tpu.memory_space<hbm>> -> memref<1024xf32, #tpu.memory_space<hbm>>
    tpu.wait_dma2 semaphore(%arg31 : memref<!tpu.dma_semaphore, #tpu.memory_space<semaphore_mem>>) src(%dma_wait3A_52 : memref<1024xf32, #tpu.memory_space<hbm>>) dst(%dma_wait3A_51 : memref<1024xf32, #tpu.memory_space<vmem>>)
    %dma_wait3A_53 = arith.constant 0 : i32
    %dma_wait3A_54 = tpu.memref_slice %arg12[%dma_wait3A_53] : memref<2048xf32, #tpu.memory_space<vmem>> -> memref<1024xf32, #tpu.memory_space<vmem>>
    %dma_wait3A_55 = tpu.memref_slice %arg4[%min3A_40] : memref<4194304xf32, #tpu.memory_space<hbm>> -> memref<1024xf32, #tpu.memory_space<hbm>>
    %dma_wait3A_56 = arith.constant 0 : i32
    %dma_wait3A_57 = tpu.memref_slice %arg12[%dma_wait3A_56] : memref<2048xf32, #tpu.memory_space<vmem>> -> memref<1024xf32, #tpu.memory_space<vmem>>
    %dma_wait3A_58 = tpu.memref_slice %arg4[%min3A_40] : memref<4194304xf32, #tpu.memory_space<hbm>> -> memref<1024xf32, #tpu.memory_space<hbm>>
    tpu.wait_dma2 semaphore(%arg31 : memref<!tpu.dma_semaphore, #tpu.memory_space<semaphore_mem>>) src(%dma_wait3A_58 : memref<1024xf32, #tpu.memory_space<hbm>>) dst(%dma_wait3A_57 : memref<1024xf32, #tpu.memory_space<vmem>>)
    return
  }
}

</mosaic_0001>

<sc_bundles>
// kernel: trilinear_grid_sample_sc.3.cloned.1.call-start
scs
__scs_entry_jumppad:
0x0: {  	(pc) =	sbr.rel $0x88, $3  }
0x1: {  	(tag) =	ssettag $0x0;
	lr =	simm.s32 $0x1  }
0x2: {  	[smem:$0x3F9C] =	sst lr;
	_ =	strace $0xD0000000  }
0x3: {  	_ = 	snop  }
0x4: {  	_ = 	snop  }
0x5: {  	_ = 	snop  }
0x6: {  	_ = 	snop  }
0x7: {  	_ = 	snop  }
__scs_overlays_trampoline_lowered:
0x8: {  	[smem:$0x3FAB] =	sst s0  }
0x9: {  	[smem:$0x3FAC] =	sst s1  }
0xa: {  	[smem:$0x3FAD] =	sst s2  }
0xb: {  	[smem:$0x3FAE] =	sst s3  }
0xc: {  	[smem:$0x3FAF] =	sst s4  }
0xd: {  	[smem:$0x3FB0] =	sst s5  }
0xe: {  	[smem:$0x3FB1] =	sst s6  }
0xf: {  	[smem:$0x3FB2] =	sst s7  }
0x10: {  	[smem:$0x3FB3] =	sst s8  }
0x11: {  	[smem:$0x3FB4] =	sst s9;
	s0 =	simm.s32 @!p0 $0x0  }
0x12: {  	s1 =	sld [smem:$0x3F9A];
	s0 =	simm.s32 @p0 $0x1  }
0x13: {  	[smem:$0x3FB5] =	sst s0;
	s0 =	simm.s32 @!p1 $0x0  }
0x14: {  	s2 =	sld [smem:$0x3F99];
	s0 =	simm.s32 @p1 $0x1  }
0x15: {  	[smem:$0x3FB6] =	sst s0;
	s0 =	simm.s32 @!p2 $0x0  }
0x16: {  	s3 =	sld [smem:$0x3FDB];
	s0 =	simm.s32 @p2 $0x1  }
0x17: {  	s4 =	simm.s32 $0x1BF5;
	[smem:$0x3FB8] =	sst s0  }
0x18: {  	s0 =	sld [smem:$0x3F9B];
	_ =	swait.ge [sflag:s4], $0x0  }
0x19: {  	s7 =	sld [smem:$0x3F9C]  }
0x1a: {  	s8 =	sadd.s32 $0xFFFFE003, lr  }
0x1b: {  	s9 =	sadd.s32 $0xFFFFFEF7, lr;
	s5 =	simm.s32 $0xFFFFFFFF;
	p2 =	slt.u32 s8, $0xFFFFF086  }
0x1c: {  	p1 =	slt.u32 s9, $0xF7A;
	s5 =	simm.s32 @!p2 $0x0  }
0x1d: {  	s5 =	simm.s32 @p1 $0x1;
	p0 =	seq.s32 s7, s2  }
0x1e: {  	s7 =	smul.u32 @!p0 $0xF7A, s2;
	p2 =	seq.s32 @!p0 s5, $0x0  }
0x1f: {  	s9 =	smul.u32 $0xF7A, s1;
	s8 =	simm.s32 @!p0 $0x1BF5;
	p2 =	por !p2, p0  }
0x20: {  	[sflag:s8] =	ssyncset.s32 @!p0 $0xFFFFF086;
	s6 =	sadd.s32 @!p0 s3, s7;
	s7 =	simm.s32 @!p0 $0x108  }
0x21: {  	s3 =	sadd.s32 s3, s9;
	s6 =	sadd.s32 @!p0 $0x88, s6;
	s7 =	simm.s32 @p2 $0x1082  }
0x22: {  	[simem:s7], [sflag:s8] =	dma.local @!p0 [hbm:s6], $0xF7A  }
0x23: {  	s9 =	sor.u32 $0xD0000000, s2;
	s6 =	simm.s32 $0x108;
	_ =	swait.ge @!p0 [sflag:s8], $0x0  }
0x24: {  	s3 =	sadd.s32 $0x88, s3;
	s6 =	simm.s32 @!p1 $0x1082;
	[sflag:s4] =	ssyncset.s32 $0xFFFFF086  }
0x25: {  	[simem:s6], [sflag:s4] =	dma.local [hbm:s3], $0xF7A  }
0x26: {  	[smem:$0x3F9C] =	sst s1;
	(tag) =	ssettag s2;
	_ =	strace s9  }
0x27: {  	s1 =	sld [smem:$0x3FAC]  }
0x28: {  	s2 =	sld [smem:$0x3FAD]  }
0x29: {  	s4 =	sld [smem:$0x3FAF]  }
0x2a: {  	p0 =	seq.s32 s5, $0x0;
	s5 =	sld [smem:$0x3FB0]  }
0x2b: {  	s6 =	sld [smem:$0x3FB1]  }
0x2c: {  	s7 =	sld [smem:$0x3FB2]  }
0x2d: {  	s3 =	simm.s32 $0x108;
	s8 =	sld [smem:$0x3FB3]  }
0x2e: {  	s3 =	simm.s32 @!p0 $0x1082;
	s9 =	sld [smem:$0x3FB4]  }
0x2f: {  	lr =	sadd.s32 s0, s3;
	s0 =	sld [smem:$0x3FAB]  }
0x30: {  	s3 =	sld [smem:$0x3FAE]  }
0x31: {  	[smem:$0x3FB7] =	sst s10  }
0x32: {  	s10 =	sld [smem:$0x3FB5];
	_ =	sdelay $0x3  }
0x33: {  	p0 =	seq.s32 s10, $0x1;
	s10 =	sld [smem:$0x3FB7];
	_ =	sdelay $0x3  }
0x34: {  	[smem:$0x3FB7] =	sst s10  }
0x35: {  	s10 =	sld [smem:$0x3FB6];
	_ =	sdelay $0x3  }
0x36: {  	p1 =	seq.s32 s10, $0x1;
	s10 =	sld [smem:$0x3FB7];
	_ =	sdelay $0x3  }
0x37: {  	[smem:$0x3FB7] =	sst s10  }
0x38: {  	s10 =	sld [smem:$0x3FB8]  }
0x39: {  	_ = 	snop;
	(pc) =	sbr.ind lr, $3  }
0x3a: {  	_ = 	snop  }
0x3b: {  	_ = 	snop  }
0x3c: {  	p2 =	seq.s32 s10, $0x1;
	s10 =	sld [smem:$0x3FB7]  }
0x3d: {  	_ =	shalt  }
0x3e: {  	_ =	shalt  }
0x3f: {  	_ =	shalt  }
0x40: {  	_ =	shalt  }
0x41: {  	_ =	shalt  }
0x42: {  	_ =	shalt  }
0x43: {  	_ =	shalt  }
0x44: {  	_ =	shalt  }
0x45: {  	_ =	shalt  }
0x46: {  	_ =	shalt  }
0x47: {  	_ =	shalt  }
0x48: {  	_ =	shalt  }
0x49: {  	_ =	shalt  }
0x4a: {  	_ =	shalt  }
0x4b: {  	_ =	shalt  }
0x4c: {  	_ =	shalt  }
0x4d: {  	_ =	shalt  }
0x4e: {  	_ =	shalt  }
0x4f: {  	_ =	shalt  }
0x50: {  	_ =	shalt  }
0x51: {  	_ =	shalt  }
0x52: {  	_ =	shalt  }
0x53: {  	_ =	shalt  }
0x54: {  	_ =	shalt  }
0x55: {  	_ =	shalt  }
0x56: {  	_ =	shalt  }
0x57: {  	_ =	shalt  }
0x58: {  	_ =	shalt  }
0x59: {  	_ =	shalt  }
0x5a: {  	_ =	shalt  }
0x5b: {  	_ =	shalt  }
0x5c: {  	_ =	shalt  }
0x5d: {  	_ =	shalt  }
0x5e: {  	_ =	shalt  }
0x5f: {  	_ =	shalt  }
0x60: {  	_ =	shalt  }
0x61: {  	_ =	shalt  }
0x62: {  	_ =	shalt  }
0x63: {  	_ =	shalt  }
0x64: {  	_ =	shalt  }
0x65: {  	_ =	shalt  }
0x66: {  	_ =	shalt  }
0x67: {  	_ =	shalt  }
0x68: {  	_ =	shalt  }
0x69: {  	_ =	shalt  }
0x6a: {  	_ =	shalt  }
0x6b: {  	_ =	shalt  }
0x6c: {  	_ =	shalt  }
0x6d: {  	_ =	shalt  }
0x6e: {  	_ =	shalt  }
0x6f: {  	_ =	shalt  }
0x70: {  	_ =	shalt  }
0x71: {  	_ =	shalt  }
0x72: {  	_ =	shalt  }
0x73: {  	_ =	shalt  }
0x74: {  	_ =	shalt  }
0x75: {  	_ =	shalt  }
0x76: {  	_ =	shalt  }
0x77: {  	_ =	shalt  }
0x78: {  	_ =	shalt  }
0x79: {  	_ =	shalt  }
0x7a: {  	_ =	shalt  }
0x7b: {  	_ =	shalt  }
0x7c: {  	_ =	shalt  }
0x7d: {  	_ =	shalt  }
0x7e: {  	_ =	shalt  }
0x7f: {  	_ =	shalt  }
0x80: {  	_ =	shalt  }
0x81: {  	_ =	shalt  }
0x82: {  	_ =	shalt  }
0x83: {  	_ =	shalt  }
0x84: {  	_ =	shalt  }
0x85: {  	_ =	shalt  }
0x86: {  	_ =	shalt  }
0x87: {  	_ =	shalt  }
.Lfunc_end0:
.L_simem_size_0:
called_computation_lowered:
.L_overlay_start_0:
0x88: {  	s2 =	sld [smem:$0x3FD9]  }
0x89: {  	s3 =	sld [smem:$0x3FFE];
	_ =	sdelay $0x1  }
0x8a: {  	s1 =	srdreg.scid  }
0x8b: {  	s0 =	sand.u32 $0x1, s1  }
0x8c: {  	s18 =	sshll.u32 s0, $0xA;
	s2 =	sadd.s32 s3, s2  }
0x8d: {  	s2 =	sadd.s32 s2, s18  }
0x8e: {  	[smem:$0x3FC3] =	sst s2  }
0x8f: {  	_ = 	snop  }
0x90: {  	s2 =	sld [smem:$0x3FC9]  }
0x91: {  	s19 =	sld [smem:$0x3FC8]  }
0x92: {  	s4 =	sld [smem:$0x3FC7]  }
0x93: {  	s5 =	sld [smem:$0x3FC6]  }
0x94: {  	s6 =	sld [smem:$0x3FC5]  }
0x95: {  	s7 =	sld [smem:$0x3FD0];
	(tm) =	ssettm $0x1  }
0x96: {  	s8 =	sld [smem:$0x3FFB];
	_ =	sdelay $0x3  }
0x97: {  	_ =	strace s8  }
0x98: {  	s8 =	sld [smem:$0x3FFC];
	_ =	sdelay $0x3  }
0x99: {  	_ =	strace s8  }
0x9a: {  	s8 =	sld [smem:$0x3FFD];
	_ =	sdelay $0x3  }
0x9b: {  	_ =	strace s8  }
0x9c: {  	_ =	strace $0x8FFFFFFF  }
0x9d: {  	s20 =	sld [smem:$0x3FDB];
	_ =	sdelay $0x1  }
0x9e: {  	s9 =	simm.s32 $_scs_section_size  }
0x9f: {  	s10 =	simm.s32 $_size__tile_overlayer_lowered;
	s11 =	simm.s32 $_tile_overlayer_lowered  }
0xa0: {  	s23 =	simm.s32 $0x1BFF;
	s22 =	sshll.u32 s11, $0x1;
	s8 =	sadd.s32 s9, s20  }
0xa1: {  	s12 =	simm.s32 $0x0;
	s21 =	sshll.u32 s10, $0x1;
	s10 =	sadd.s32 s22, s8  }
0xa2: {  	[timem:s12], [sflag:s23] =	dma.local [hbm:s10], s21  }
0xa3: {  	_ =	swait.ge [sflag:s23], s21  }
0xa4: {  	s9 =	ssub.s32 $0x0, s21;
	[sflag:s23] =	ssyncset.done $0x0  }
0xa5: {  	[sflag:s23] =	ssyncadd.s32 s9;
	_ =	sdelay $0x1  }
0xa6: {  	s24 =	simm.s32 $0x1B8B  }
0xa7: {  	_ =	swait.ge [sflag:s24], $0x1  }
0xa8: {  	[sflag:s24] =	ssyncset.done $0x0  }
0xa9: {  	s25 =	simm.s32 $0x1B8E;
	[sflag:s24] =	ssyncadd.s32 $0xFFFFFFFF  }
0xaa: {  	s26 =	simm.s32 $execute0_lowered;
	[smem:$0x3FD2] =	sst s25  }
0xab: {  	s9 =	sshll.u32 s26, $0x1;
	_ =	strace $0x80000046;
	[dreg:$0x1] =	wrdreg $0xFFFFFFFF  }
0xac: {  	s28 =	simm.s32 $_size_execute0_lowered;
	s8 =	sadd.s32 s8, s9;
	[dreg:$0x0] =	wrdreg $0x0  }
0xad: {  	s9 =	sshll.u32 s28, $0x1;
	[dreg:$0x2] =	wrdreg s8  }
0xae: {  	[dreg:$0x3] =	wrdreg s9  }
0xaf: {  	[dreg:$0x4] =	wrdreg $0xC0  }
0xb0: {  	_ =	task [dreg:s12], $0x5FFFF  }
0xb1: {  	[dreg:$0x1] =	wrdreg $0xFFFFFFFF  }
0xb2: {  	[dreg:$0x0] =	wrdreg $0x60  }
0xb3: {  	[dreg:$0x2] =	wrdreg s2  }
0xb4: {  	[dreg:$0x3] =	wrdreg s19  }
0xb5: {  	[dreg:$0x4] =	wrdreg s4  }
0xb6: {  	[dreg:$0x5] =	wrdreg s5  }
0xb7: {  	[dreg:$0x6] =	wrdreg s6  }
0xb8: {  	[dreg:$0x7] =	wrdreg s7  }
0xb9: {  	[dreg:$0x8] =	wrdreg $0x0  }
0xba: {  	[dreg:$0x9] =	wrdreg $0x9  }
0xbb: {  	_ =	task.clear_ibuf [dreg:s12], $0xAFFFF;
	_ =	strace $0x90000046  }
0xbc: {  	s29 =	simm.s32 $0x9;
	_ =	strace $0x80000048  }
0xbd: {  	_ =	swait.ge [sflag:s29], $0x1  }
0xbe: {  	[sflag:s29] =	ssyncadd.s32 $0xFFFFFFFF  }
0xbf: {  	_ =	strace $0x90000048  }
0xc0: {  	_ =	sfence  }
0xc1: {  	s30 =	sld [smem:$0x0];
	_ =	sdelay $0x2  }
0xc2: {  	s31 =	sshll.u32 s1, $0xD;
	s1 =	sshrl.u32 s1, $0x2  }
0xc3: {  	s3 =	sand.u32 $0x4000, s31;
	s1 =	sadd.s32 s1, s30  }
0xc4: {  	s0 =	sor.u32 s3, s0;
	s1 =	sshll.u32 s1, $0x11  }
0xc5: {  	s0 =	sor.u32 s1, s0  }
0xc6: {  	s0 =	sadd.s32 $0x8F2B, s0  }
0xc7: {  	[sflag:s0] =	ssyncadd.remote.s32 $0x1  }
0xc8: {  	_ =	sfence.sel $0xFFFF  }
0xc9: {  	[dreg:$0x0] =	wrdreg $0xFFFFFFFF;
	(pc) =	sbr.abs _section_cstart, $3  }
0xca: {  	[dreg:$0x1] =	wrdreg $0xFFFFFFFF  }
0xcb: {  	_ =	task.clear_ibuf [dreg:s12], $0x2FFFF;
	_ =	strace $0x9FFFFFFF  }
0xcc: {  	(tm) =	ssettm $0x7FFFFFFF  }
0xcd: {  	_ =	shalt  }
tec
execute0_lowered:
.L_overlay_start_1:
0x0: {  	(tag) =	ssettag $0x1  }
0x1: {  	s0 =	rddreg [dreg:$0x0]  }
0x2: {  	s1 =	rddreg [dreg:$0x1]  }
0x3: {  	s3 =	rddreg [dreg:$0x2]  }
0x4: {  	s6 =	rddreg [dreg:$0x5];
	s2 =	srdreg.scid  }
0x5: {  	s7 =	rddreg [dreg:$0x6];
	s4 =	stileid.u32;
	s2 =	sand.u32 $0x1, s2  }
0x6: {  	s9 =	sshll.u32 s4, $0x11;
	s5 =	ssub.s32 $0x2, s2;
	s2 =	sshll.u32 s2, $0x15  }
0x7: {  	s8 =	simm.s32 $0x0;
	s17 =	simm.s32 $0x4;
	s9 =	sor.u32 s9, s2  }
0x8: {  	s21 =	simm.s32 $0x1;
	[smem:$0x7FF] =	sst s8;
	s26 =	sshrl.u32 s9, $0x3  }
0x9: {  	s23 =	simm.s32 $0x2;
	_ =	strace $0x80000047;
	s28 =	sadd.s32 s0, s26  }
0xa: {  	s10 =	sshrl.u32 s5, $0x1;
	s29 =	sadd.s32 s1, s26;
	[dreg:$0x8] =	wrdreg s28  }
0xb: {  	s25 =	ssub.s32 s5, s10;
	s5 =	sadd.s32 s3, s26;
	[dreg:$0x9] =	wrdreg s29  }
0xc: {  	s30 =	sadd.s32 s26, s6;
	s2 =	smax.u32 s25, $0x1;
	[dreg:$0xa] =	wrdreg s5  }
0xd: {  	p0 =	sne.s32 s4, $0x0;
	s31 =	sadd.s32 $0x3F80, s30;
	[dreg:$0xc] =	wrdreg s2  }
0xe: {  	s4 =	simm.s32 $0x0;
	s2 =	sshrl.u32 @!p0 s7, $0x3;
	[dreg:$0xb] =	wrdreg s31  }
0xf: {  	s25 =	simm.s32 $0x400;
	s26 =	simm.s32 $0x3;
	[dreg:$0xd] =	wrdreg s2  }
.LBB2_1:
0x10: {  	[dreg:$0xe] =	wrdreg s4  }
0x11: {  	s4 =	rddreg [dreg:$0x4]  }
0x12: {  	s2 =	simm.s32 @!p0 $0x1C04;
	s5 =	rddreg [dreg:$0xd]  }
0x13: {  	[spmem:s5], [sflag:s2] =	dma.local @!p0 [hbm:s4], $0x8000  }
0x14: {  	s2 =	simm.s32 @!p0 $0x4  }
0x15: {  	_ =	swait.ge @!p0 [sflag:s2], $0x8000  }
0x16: {  	[sflag:s2] =	ssyncset.done @!p0 $0x0  }
0x17: {  	[sflag:s2] =	ssyncadd.s32 @!p0 $0xFFFF8000  }
0x18: {  	s19 =	simm.s32 $0x4000;
	s2 =	rddreg [dreg:$0x3]  }
0x19: {  	[tilespmem:s19], [sflag:$0x4] =	stream.linear.gather [hbm4b:s2+s8], $0x480, $0x38;
	[tilespmem:$0xE800] =	vst v63  }
0x1a: {  	_ =	swait.ge [sflag:s17], $0x480  }
0x1b: {  	[sflag:s17] =	ssyncset.done $0x0  }
0x1c: {  	[sflag:s17] =	ssyncadd.s32 $0xFFFFFB80  }
0x1d: {  	[bflag:$0x0] =	sbarrier.arrive $0xFFFF  }
0x1e: {  	s22 =	simm.s32 $0x4800;
	s20 =	rddreg [dreg:$0x8]  }
0x1f: {  	[tilespmem:s22], [sflag:$0x1] =	stream.linear.gather [hbm4b:s20+s8], $0x400, $0x38;
	[tilespmem:$0xE800] =	vst v63  }
0x20: {  	s29 =	simm.s32 $0x5000;
	s24 =	rddreg [dreg:$0x9]  }
0x21: {  	[tilespmem:s29], [sflag:$0x1] =	stream.linear.gather [hbm4b:s24+s8], $0x400, $0x38;
	[tilespmem:$0xE800] =	vst v63  }
0x22: {  	s31 =	simm.s32 $0x5800;
	s28 =	simm.s32 $0x0;
	s30 =	rddreg [dreg:$0xa]  }
0x23: {  	[tilespmem:s31], [sflag:$0x1] =	stream.linear.gather [hbm4b:s30+s8], $0x400, $0x38;
	[tilespmem:$0xE800] =	vst v63  }
.LBB2_2:
0x24: {  	_ =	swait.ge [sflag:s21], $0x400  }
0x25: {  	[sflag:s21] =	ssyncset.done $0x0  }
0x26: {  	[sflag:s21] =	ssyncadd.s32 $0xFFFFFC00  }
0x27: {  	_ =	swait.ge [sflag:s21], $0x400  }
0x28: {  	s2 =	sshll.u32 s28, $0xB;
	[sflag:s21] =	ssyncset.done $0x0  }
0x29: {  	s30 =	sadd.s32 s9, s2;
	[sflag:s21] =	ssyncadd.s32 $0xFFFFFC00  }
0x2a: {  	s29 =	sshrl.u32 s30, $0x3;
	_ =	swait.ge [sflag:s21], $0x400  }
0x2b: {  	s31 =	simm.s32 $0x0;
	s19 =	sor.u32 $0x80, s29;
	[sflag:s21] =	ssyncset.done $0x0  }
0x2c: {  	s5 =	simm.s32 $0x4C00;
	s4 =	sadd.s32 s0, s19;
	[sflag:s21] =	ssyncadd.s32 $0xFFFFFC00  }
0x2d: {  	[tilespmem:s5], [sflag:$0x1] =	stream.linear.gather [hbm4b:s4+s31], $0x400, $0x38;
	[tilespmem:$0xE800] =	vst v63  }
0x2e: {  	s22 =	simm.s32 $0x5400;
	s20 =	sadd.s32 s1, s19  }
0x2f: {  	[tilespmem:s22], [sflag:$0x1] =	stream.linear.gather [hbm4b:s20+s31], $0x400, $0x38;
	[tilespmem:$0xE800] =	vst v63  }
0x30: {  	s24 =	simm.s32 $0x5C00;
	p1 =	por $0x0, $0x0;
	s2 =	sadd.s32 s3, s19  }
0x31: {  	[tilespmem:s24], [sflag:$0x1] =	stream.linear.gather [hbm4b:s2+s31], $0x400, $0x38;
	[tilespmem:$0xE800] =	vst v63  }
0x32: {  	s4 =	simm.s32 $0x0;
	s5 =	simm.s32 $0x0;
	s2 =	simm.s32 $0xFFFFFFFC  }
.LBB2_3:
0x33: {  	v4 =	vld [tilespmem:$0x4000]  }
0x34: {  	v3 =	vld [tilespmem:$0x4080]  }
0x35: {  	v1 =	vld [tilespmem:$0x4100]  }
0x36: {  	v5 =	vld [tilespmem:$0x4180]  }
0x37: {  	v6 =	vld [tilespmem:$0x4200]  }
0x38: {  	s16 =	sshra.s32 s31, $0x2;
	v2 =	vld [tilespmem:$0x4280]  }
0x39: {  	v9 =	vld [tilespmem:s16+$0x4800]  }
0x3a: {  	v10 =	vld [tilespmem:s16+$0x5000]  }
0x3b: {  	v11 =	vld [tilespmem:s16+$0x5800]  }
0x3c: {  	v8 =	vld [tilespmem:$0x4300];
	s12 =	sand.u32 $0x40, s4  }
0x3d: {  	v7 =	vld [tilespmem:$0x4380];
	s15 =	sand.u32 $0x380, s4;
	s10 =	sor.u32 $0x10, s12  }
0x3e: {  	v0 =	vld [tilespmem:$0x4400];
	s11 =	sor.u32 s15, s10  }
0x3f: {  	v23 =	vld [tilespmem:s11+$0x4800];
	v12 =	vmul.f32 v9, v4  }
0x40: {  	v61 =	vld [tilespmem:s11+$0x5000];
	v13 =	vmul.f32 v10, v3;
	v14 =	vmul.f32 v11, v1  }
0x41: {  	v38 =	vmul.f32 v9, v5;
	v15 =	vmul.f32 v10, v6  }
0x42: {  	v63 =	vld [tilespmem:s11+$0x5800];
	v9 =	vmul.f32 v9, v8;
	v10 =	vmul.f32 v10, v7;
	v12 =	vadd.f32 v13, v12  }
0x43: {  	v39 =	vmul.f32 v11, v2;
	v40 =	vmul.f32 v11, v0;
	v13 =	vadd.f32 v15, v38  }
0x44: {  	v9 =	vadd.f32 v10, v9;
	v37 =	vmul.f32 v23, v4;
	v12 =	vadd.f32 v14, v12  }
0x45: {  	v27 =	vmul.f32 v23, v5;
	v28 =	vmul.f32 v61, v6;
	v13 =	vadd.f32 v39, v13  }
0x46: {  	v38 =	vmul.f32 v61, v3;
	v9 =	vadd.f32 v40, v9;
	v12 =	vadd.f32 $3.350000000e+01, v12  }
0x47: {  	v26 =	vmul.f32 v63, v1;
	v39 =	vadd.f32 v28, v27;
	v41 =	vadd.f32 $3.350000000e+01, v13  }
0x48: {  	v40 =	vmul.f32 v63, v2;
	v9 =	vadd.f32 $3.350000000e+01, v9;
	v42 =	vand.u32 $0x7FFFFFFF, v12  }
0x49: {  	v43 =	vmax.f32 v12, $0.0e+00;
	v44 =	vand.u32 $0x7FFFFFFF, v41;
	v11 =	vmax.f32 v41, $0.0e+00  }
0x4a: {  	v47 =	vand.u32 $0x7FFFFFFF, v9;
	v9 =	vmax.f32 v9, $0.0e+00;
	vm0 =	vle.f32 v42, $3.402823470e+38  }
0x4b: {  	v10 =	vmin.f32 v43, $6.800000000e+01;
	vm1 =	vle.f32 v44, $3.402823470e+38;
	v11 =	vmin.f32 v11, $6.800000000e+01  }
0x4c: {  	vm14 =	vle.f32 v47, $3.402823470e+38;
	v10 =	vnsel vm0, $0x42060000, v10;
	v11 =	vnsel vm1, $0x42060000, v11  }
0x4d: {  	v9 =	vmin.f32 v9, $6.800000000e+01;
	v45 =	vtrunc.f32 v10;
	v46 =	vtrunc.f32 v11  }
0x4e: {  	v9 =	vnsel vm14, $0x42060000, v9;
	v12 =	vcvt.f32.s32 v45;
	v13 =	vcvt.f32.s32 v46  }
0x4f: {  	v23 =	vmul.f32 v23, v8;
	v44 =	vadd.f32 v40, v39;
	v51 =	vtrunc.f32 v9  }
0x50: {  	v48 =	vcvt.s32.f32 v12;
	v49 =	vcvt.s32.f32 v13;
	v18 =	vadd.s32 $0xFFFFFFFE, v12  }
0x51: {  	v19 =	vadd.s32 $0xFFFFFFFE, v13;
	v12 =	vadd.s32 $0xFFFFFFFF, v12;
	v13 =	vadd.s32 $0xFFFFFFFF, v13  }
0x52: {  	vm2 =	vlt.u32 v18, $0x40;
	vm3 =	vlt.u32 v19, $0x40;
	vm15 =	vlt.u32 v12, $0x40  }
0x53: {  	vm7 =	vlt.u32 v13, $0x40;
	v19 =	vmul.f32 v61, v7;
	v16 =	vsub.f32 v10, v48  }
0x54: {  	v50 =	vsub.f32 v11, v49;
	v11 =	vcvt.f32.s32 v51;
	v55 =	vadd.f32 $1.000000000e+00, v48  }
0x55: {  	v15 =	vmax.f32 v48, $2.000000000e+00;
	v20 =	vmax.f32 v49, $2.000000000e+00;
	v14 =	vadd.f32 $1.000000000e+00, v49  }
0x56: {  	vm2 =	vmand vm0, vm2;
	vm0 =	vmand vm0, vm15;
	v15 =	vmin.f32 v15, $6.500000000e+01  }
0x57: {  	v20 =	vmin.f32 v20, $6.500000000e+01;
	v45 =	vadd.f32 v19, v23;
	v17 =	vsub.f32 $1.000000000e+00, v16  }
0x58: {  	v52 =	vsub.f32 $1.000000000e+00, v50;
	v53 =	vcvt.s32.f32 v11;
	v54 =	vadd.s32 $0xFFFFFFFF, v11  }
0x59: {  	v21 =	vnsel vm7, $0x0, v50;
	v10 =	vmax.f32 v55, $2.000000000e+00;
	v58 =	vmax.f32 v14, $2.000000000e+00  }
0x5a: {  	v60 =	vadd.s32 $0xFFFFFFFE, v11;
	vm4 =	veq.s32 v11, $0x1;
	vm10 =	veq.s32 v11, $0x41  }
0x5b: {  	v33 =	vmul.f32 $4.096000000e+03, v15;
	v36 =	vmul.f32 $6.400000000e+01, v20;
	v20 =	vadd.f32 v38, v37  }
0x5c: {  	v42 =	vnsel vm0, $0x0, v16;
	v11 =	vmul.f32 v63, v0;
	vm8 =	vlt.u32 v54, $0x40  }
0x5d: {  	v22 =	vmin.f32 v10, $6.500000000e+01;
	v24 =	vmin.f32 v58, $6.500000000e+01;
	vm9 =	vlt.u32 v60, $0x3F  }
0x5e: {  	v9 =	vsub.f32 v9, v53;
	v34 =	vmul.f32 $4.096000000e+03, v22;
	v13 =	vadd.f32 $-8.322000000e+03, v33  }
0x5f: {  	v24 =	vmul.f32 $6.400000000e+01, v24;
	v20 =	vadd.f32 v26, v20;
	v11 =	vadd.f32 v11, v45  }
0x60: {  	v12 =	vnsel vm3, $0x0, v52;
	v56 =	vsub.f32 $1.000000000e+00, v9;
	v15 =	vadd.f32 $-8.322000000e+03, v34  }
0x61: {  	v59 =	vmax.f32 v53, $2.000000000e+00;
	v25 =	vadd.f32 v13, v36;
	v13 =	vadd.f32 v24, v13  }
0x62: {  	s13 =	sor.u32 $0x20, s12;
	v14 =	vmin.f32 v59, $6.400000000e+01;
	v43 =	vadd.f32 $3.350000000e+01, v20;
	v20 =	vadd.f32 $3.350000000e+01, v44  }
0x63: {  	s14 =	sor.u32 s15, s13;
	v35 =	vnsel vm2, $0x0, v17;
	v11 =	vadd.f32 $3.350000000e+01, v11;
	v17 =	vadd.f32 v25, v14  }
0x64: {  	v45 =	vld [tilespmem:s14+$0x4800];
	v57 =	vnsel vm8, $0x0, v9;
	v41 =	vadd.f32 v15, v36;
	v18 =	vadd.f32 v13, v14  }
0x65: {  	v46 =	vand.u32 $0x7FFFFFFF, v43;
	v47 =	vmax.f32 v43, $0.0e+00;
	v48 =	vand.u32 $0x7FFFFFFF, v20  }
0x66: {  	v20 =	vmax.f32 v20, $0.0e+00;
	v15 =	vadd.f32 v15, v24;
	v54 =	vand.u32 $0x7FFFFFFF, v11  }
0x67: {  	v11 =	vmax.f32 v11, $0.0e+00;
	vm0 =	vle.f32 v46, $3.402823470e+38;
	v13 =	vmin.f32 v47, $6.800000000e+01  }
0x68: {  	v34 =	vld [tilespmem:s14+$0x5000];
	vm11 =	vle.f32 v48, $3.402823470e+38;
	v49 =	vmin.f32 v20, $6.800000000e+01;
	vm12 =	vle.f32 v54, $3.402823470e+38  }
0x69: {  	v11 =	vmin.f32 v11, $6.800000000e+01;
	v36 =	vmul.f32 v45, v5;
	v19 =	vadd.f32 v41, v14  }
0x6a: {  	v13 =	vnsel vm0, $0x42060000, v13;
	v20 =	vadd.f32 v15, v14;
	v14 =	vmul.f32 v12, v35  }
0x6b: {  	v51 =	vnsel vm11, $0x42060000, v49;
	v15 =	vmul.f32 v12, v42;
	v49 =	vmul.f32 v45, v4  }
0x6c: {  	v11 =	vnsel vm12, $0x42060000, v11;
	v50 =	vtrunc.f32 v13;
	v16 =	vtrunc.f32 v51  }
0x6d: {  	v62 =	vnsel vm9, $0x0, v56;
	v59 =	vtrunc.f32 v11;
	v37 =	vmul.f32 v34, v6  }
0x6e: {  	v32 =	vsel vm10, v56, v57;
	v52 =	vcvt.f32.s32 v50;
	v53 =	vcvt.f32.s32 v16  }
0x6f: {  	v10 =	vsel vm4, v9, v62;
	v16 =	vmul.f32 v35, v21;
	v23 =	vcvt.f32.s32 v59  }
0x70: {  	v9 =	vsel vm4, $0x0, v32;
	v47 =	vld [tilespmem:s14+$0x5800];
	v50 =	vmul.f32 v34, v3;
	v34 =	vmul.f32 v34, v7  }
0x71: {  	v36 =	vadd.f32 v37, v36;
	v55 =	vcvt.s32.f32 v52;
	v56 =	vcvt.s32.f32 v53  }
0x72: {  	v61 =	vadd.s32 $0xFFFFFFFE, v52;
	v30 =	vadd.s32 $0xFFFFFFFE, v53;
	v24 =	vadd.s32 $0xFFFFFFFF, v52  }
0x73: {  	v62 =	vcvt.s32.f32 v23;
	v25 =	vadd.s32 $0xFFFFFFFF, v53;
	v40 =	vadd.s32 $0xFFFFFFFF, v23  }
0x74: {  	v32 =	vadd.s32 $0xFFFFFFFE, v23;
	vm11 =	veq.s32 v23, $0x41;
	vm12 =	veq.s32 v23, $0x1  }
0x75: {  	v23 =	vadd.f32 v50, v49;
	v38 =	vmul.f32 v47, v2;
	vm13 =	vlt.u32 v30, $0x40  }
0x76: {  	vm14 =	vlt.u32 v61, $0x40;
	vm15 =	vlt.u32 v24, $0x40;
	vm8 =	vlt.u32 v25, $0x40  }
0x77: {  	vm9 =	vlt.u32 v40, $0x40;
	vm10 =	vlt.u32 v32, $0x3F;
	v32 =	vmul.f32 v45, v8  }
0x78: {  	v57 =	vsub.f32 v13, v55;
	v58 =	vsub.f32 v51, v56;
	v13 =	vmul.f32 v42, v21  }
0x79: {  	v11 =	vsub.f32 v11, v62;
	v41 =	vadd.f32 $1.000000000e+00, v55;
	v26 =	vmax.f32 v55, $2.000000000e+00  }
0x7a: {  	v31 =	vadd.f32 $1.000000000e+00, v56;
	v27 =	vmax.f32 v56, $2.000000000e+00;
	v30 =	vmax.f32 v62, $2.000000000e+00  }
0x7b: {  	vm2 =	vmand vm0, vm14;
	v51 =	vmul.f32 v47, v1;
	v52 =	vadd.f32 v38, v36  }
0x7c: {  	vm0 =	vmand vm0, vm15;
	v26 =	vmin.f32 v26, $6.500000000e+01;
	v27 =	vmin.f32 v27, $6.500000000e+01  }
0x7d: {  	v30 =	vmin.f32 v30, $6.400000000e+01;
	v32 =	vadd.f32 v34, v32;
	v60 =	vsub.f32 $1.000000000e+00, v57  }
0x7e: {  	v29 =	vsub.f32 $1.000000000e+00, v58;
	v42 =	vnsel vm8, $0x0, v58;
	v43 =	vsub.f32 $1.000000000e+00, v11  }
0x7f: {  	v44 =	vnsel vm9, $0x0, v11;
	v25 =	vmax.f32 v41, $2.000000000e+00;
	v31 =	vmax.f32 v31, $2.000000000e+00  }
0x80: {  	v26 =	vmul.f32 $4.096000000e+03, v26;
	v27 =	vmul.f32 $6.400000000e+01, v27;
	v23 =	vadd.f32 v51, v23  }
0x81: {  	v53 =	vnsel vm0, $0x0, v57;
	v25 =	vmin.f32 v25, $6.500000000e+01;
	v31 =	vmin.f32 v31, $6.500000000e+01  }
0x82: {  	v63 =	vnsel vm13, $0x0, v29;
	v33 =	vnsel vm10, $0x0, v43;
	v35 =	vadd.f32 $-8.322000000e+03, v26  }
0x83: {  	v46 =	vsel vm11, v43, v44;
	v25 =	vmul.f32 $4.096000000e+03, v25;
	v31 =	vmul.f32 $6.400000000e+01, v31  }
0x84: {  	v21 =	vnsel vm2, $0x0, v60;
	v29 =	vmul.f32 v47, v0;
	v23 =	vadd.f32 $3.350000000e+01, v23  }
0x85: {  	v12 =	vsel vm12, v11, v33;
	v11 =	vsel vm12, $0x0, v46;
	v33 =	vadd.f32 $3.350000000e+01, v52  }
0x86: {  	v22 =	vmul.f32 v63, v21;
	v48 =	vadd.f32 v35, v27;
	v25 =	vadd.f32 $-8.322000000e+03, v25  }
0x87: {  	v21 =	vmul.f32 v21, v42;
	v35 =	vadd.f32 v31, v35;
	v29 =	vadd.f32 v29, v32  }
0x88: {  	v54 =	vand.u32 $0x7FFFFFFF, v23;
	v23 =	vmax.f32 v23, $0.0e+00;
	v55 =	vand.u32 $0x7FFFFFFF, v33  }
0x89: {  	vm0 =	vle.f32 v54, $3.402823470e+38;
	v56 =	vmax.f32 v33, $0.0e+00;
	v26 =	vadd.f32 v48, v30  }
0x8a: {  	v23 =	vmin.f32 v23, $6.800000000e+01;
	v35 =	vadd.f32 v35, v30;
	v27 =	vadd.f32 v25, v27  }
0x8b: {  	s22 =	sor.u32 $0x30, s12;
	v25 =	vadd.f32 v25, v31;
	v29 =	vadd.f32 $3.350000000e+01, v29;
	vm13 =	vle.f32 v55, $3.402823470e+38  }
0x8c: {  	s15 =	sor.u32 s15, s22;
	v31 =	vmin.f32 v56, $6.800000000e+01;
	v58 =	vnsel vm0, $0x42060000, v23;
	v23 =	vmul.f32 v63, v53  }
0x8d: {  	v54 =	vld [tilespmem:s15+$0x4800];
	v31 =	vnsel vm13, $0x42060000, v31;
	v60 =	vtrunc.f32 v58;
	v57 =	vand.u32 $0x7FFFFFFF, v29  }
0x8e: {  	v59 =	vtrunc.f32 v31;
	v29 =	vmax.f32 v29, $0.0e+00;
	v62 =	vcvt.f32.s32 v60  }
0x8f: {  	v27 =	vadd.f32 v27, v30;
	v30 =	vadd.f32 v25, v30;
	v25 =	vmul.f32 v53, v42  }
0x90: {  	v60 =	vtrunc.f32 v18;
	v43 =	vtrunc.f32 v35;
	vm14 =	vle.f32 v57, $3.402823470e+38  }
0x91: {  	v61 =	vcvt.f32.s32 v59;
	v29 =	vmin.f32 v29, $6.800000000e+01;
	v59 =	vtrunc.f32 v17  }
0x92: {  	v29 =	vnsel vm14, $0x42060000, v29;
	v45 =	vcvt.s32.f32 v62;
	v4 =	vmul.f32 v54, v4  }
0x93: {  	v46 =	vadd.s32 $0xFFFFFFFE, v62;
	v5 =	vmul.f32 v54, v5;
	v8 =	vmul.f32 v54, v8  }
0x94: {  	v24 =	vadd.s32 $0xFFFFFFFF, v62;
	v62 =	vtrunc.f32 v19;
	v19 =	vcvt.f32.s32 v43  }
0x95: {  	v63 =	vcvt.s32.f32 v61;
	v44 =	vtrunc.f32 v29;
	vm15 =	vlt.u32 v46, $0x40  }
0x96: {  	v42 =	vld [tilespmem:s15+$0x5000];
	v39 =	vadd.s32 $0xFFFFFFFE, v61;
	v36 =	vadd.s32 $0xFFFFFFFF, v61;
	v61 =	vcvt.f32.s32 v60  }
0x97: {  	vm9 =	vlt.u32 v24, $0x40;
	v46 =	vtrunc.f32 v30;
	v37 =	vcvt.f32.s32 v44  }
0x98: {  	v32 =	vsub.f32 v58, v45;
	vm8 =	vlt.u32 v39, $0x40;
	vm10 =	vlt.u32 v36, $0x40  }
0x99: {  	v51 =	vadd.f32 $1.000000000e+00, v45;
	v52 =	vmax.f32 v45, $2.000000000e+00;
	v45 =	vtrunc.f32 v27  }
0x9a: {  	vm1 =	vmand vm0, vm15;
	vm0 =	vmand vm0, vm9;
	v31 =	vsub.f32 v31, v63  }
0x9b: {  	v57 =	vld [tilespmem:s15+$0x5800];
	v53 =	vadd.f32 $1.000000000e+00, v63;
	v3 =	vmul.f32 v42, v3;
	v6 =	vmul.f32 v42, v6  }
0x9c: {  	v33 =	vmax.f32 v63, $2.000000000e+00;
	v58 =	vmul.f32 v42, v7;
	v63 =	vcvt.f32.s32 v62  }
0x9d: {  	v36 =	vmin.f32 v52, $6.500000000e+01;
	v42 =	vtrunc.f32 v26;
	v47 =	vcvt.s32.f32 v37  }
0x9e: {  	v50 =	vadd.s32 $0xFFFFFFFF, v37;
	v39 =	vmax.f32 v51, $2.000000000e+00;
	v33 =	vmin.f32 v33, $6.500000000e+01  }
0x9f: {  	v41 =	vadd.s32 $0xFFFFFFFE, v37;
	vm12 =	veq.s32 v37, $0x41;
	v36 =	vmul.f32 $4.096000000e+03, v36  }
0xa0: {  	vm14 =	veq.s32 v37, $0x1;
	v1 =	vmul.f32 v57, v1;
	v2 =	vmul.f32 v57, v2  }
0xa1: {  	v18 =	vcvt.f32.s32 v42;
	v0 =	vmul.f32 v57, v0;
	v44 =	vsub.f32 $1.000000000e+00, v32  }
0xa2: {  	v48 =	vsub.f32 $1.000000000e+00, v31;
	vm11 =	vlt.u32 v50, $0x40;
	v39 =	vmin.f32 v39, $6.500000000e+01  }
0xa3: {  	v38 =	vmax.f32 v53, $2.000000000e+00;
	vm13 =	vlt.u32 v41, $0x3F;
	v33 =	vmul.f32 $6.400000000e+01, v33  }
0xa4: {  	v3 =	vadd.f32 v3, v4;
	v5 =	vadd.f32 v6, v5;
	v6 =	vcvt.f32.s32 v59  }
0xa5: {  	v4 =	vadd.f32 v58, v8;
	v53 =	vnsel vm0, $0x0, v32;
	v29 =	vsub.f32 v29, v47  }
0xa6: {  	v38 =	vmin.f32 v38, $6.500000000e+01;
	v28 =	vmax.f32 v47, $2.000000000e+00;
	v39 =	vmul.f32 $4.096000000e+03, v39  }
0xa7: {  	v36 =	vadd.f32 $-8.322000000e+03, v36;
	v47 =	vnsel vm1, $0x0, v44;
	v34 =	vnsel vm8, $0x0, v48  }
0xa8: {  	v38 =	vmul.f32 $6.400000000e+01, v38;
	v3 =	vadd.f32 v1, v3;
	v2 =	vadd.f32 v2, v5  }
0xa9: {  	v28 =	vmin.f32 v28, $6.400000000e+01;
	v0 =	vadd.f32 v0, v4;
	v49 =	vsub.f32 $1.000000000e+00, v29  }
0xaa: {  	v48 =	vcvt.f32.s32 v45;
	v55 =	vadd.f32 $-8.322000000e+03, v39;
	v56 =	vadd.f32 v36, v33  }
0xab: {  	v40 =	vnsel vm11, $0x0, v29;
	v36 =	vadd.f32 v38, v36;
	v3 =	vadd.f32 $3.350000000e+01, v3  }
0xac: {  	v57 =	vmul.f32 v34, v53;
	v2 =	vadd.f32 $3.350000000e+01, v2;
	v0 =	vadd.f32 $3.350000000e+01, v0  }
0xad: {  	v40 =	vsel vm12, v49, v40;
	v24 =	vnsel vm13, $0x0, v49;
	v33 =	vadd.f32 v55, v33  }
0xae: {  	v37 =	vadd.f32 v55, v38;
	v38 =	vnsel vm10, $0x0, v31;
	v49 =	vcvt.f32.s32 v46  }
0xaf: {  	[tilespmem:s11+$0xAC00] =	vst v19;
	v24 =	vsel vm14, v29, v24;
	v29 =	vadd.f32 v56, v28;
	v36 =	vadd.f32 v36, v28  }
0xb0: {  	[tilespmem:s16+$0xAC00] =	vst v61;
	v55 =	vand.u32 $0x7FFFFFFF, v3;
	v3 =	vmax.f32 v3, $0.0e+00;
	v56 =	vmul.f32 v34, v47  }
0xb1: {  	[tilespmem:s16+$0xA800] =	vst v6;
	v6 =	vmul.f32 v47, v38;
	v8 =	vmul.f32 v53, v38;
	v59 =	vand.u32 $0x7FFFFFFF, v2  }
0xb2: {  	[tilespmem:s16+$0xB000] =	vst v63;
	v60 =	vand.u32 $0x7FFFFFFF, v0;
	v2 =	vmax.f32 v2, $0.0e+00;
	v0 =	vmax.f32 v0, $0.0e+00  }
0xb3: {  	s18 =	sand.u32 $0x1C00, s5;
	[tilespmem:s11+$0xA800] =	vst v18;
	v33 =	vadd.f32 v33, v28;
	v28 =	vadd.f32 v37, v28;
	v37 =	vtrunc.f32 v20  }
0xb4: {  	s24 =	sor.u32 $0x6000, s18;
	[tilespmem:s11+$0xB000] =	vst v48;
	vm15 =	vle.f32 v55, $3.402823470e+38;
	v3 =	vmin.f32 v3, $6.800000000e+01;
	vm6 =	vle.f32 v59, $3.402823470e+38  }
0xb5: {  	s10 =	sor.u32 s10, s24;
	vm7 =	vle.f32 v60, $3.402823470e+38;
	v2 =	vmin.f32 v2, $6.800000000e+01;
	[tilespmem:s11+$0xB400] =	vst v49;
	v41 =	vcvt.f32.s32 v37  }
0xb6: {  	v0 =	vmin.f32 v0, $6.800000000e+01;
	v50 =	vtrunc.f32 v29;
	v51 =	vtrunc.f32 v36;
	[tilespmem:s10+$0x0] =	vst v22  }
0xb7: {  	v3 =	vnsel vm15, $0x42060000, v3;
	[tilespmem:s10+$0x80] =	vst v21;
	v5 =	vcvt.f32.s32 v50;
	v52 =	vcvt.f32.s32 v51  }
0xb8: {  	v2 =	vnsel vm6, $0x42060000, v2;
	[tilespmem:s10+$0x100] =	vst v23;
	v54 =	vtrunc.f32 v33;
	v28 =	vtrunc.f32 v28  }
0xb9: {  	v0 =	vnsel vm7, $0x42060000, v0;
	[tilespmem:s10+$0x180] =	vst v25;
	v58 =	vtrunc.f32 v3;
	v20 =	vtrunc.f32 v2  }
0xba: {  	s18 =	sor.u32 s12, s24;
	v30 =	vtrunc.f32 v0;
	[tilespmem:s16+$0xB400] =	vst v41;
	s16 =	simm.s32 $0x1;
	v62 =	vcvt.f32.s32 v54  }
0xbb: {  	v31 =	vcvt.f32.s32 v30;
	[tilespmem:s18+$0x0] =	vst v14;
	s16 =	simm.s32 @!p1 $0x0;
	v14 =	vcvt.f32.s32 v58  }
0xbc: {  	v1 =	vsel vm14, $0x0, v40;
	v63 =	vcvt.f32.s32 v28;
	[tilespmem:s18+$0x80] =	vst v16;
	v16 =	vcvt.f32.s32 v20;
	s16 =	sshll.u32 s16, $0x6  }
0xbd: {  	[tilespmem:s18+$0x100] =	vst v15;
	v34 =	vcvt.s32.f32 v31;
	v55 =	vadd.s32 $0xFFFFFFFF, v31;
	s12 =	sadd.s32 s16, s5;
	v61 =	vcvt.s32.f32 v14  }
0xbe: {  	[tilespmem:s18+$0x180] =	vst v13;
	v27 =	vadd.s32 $0xFFFFFFFE, v14;
	v14 =	vadd.s32 $0xFFFFFFFF, v14;
	v29 =	vcvt.s32.f32 v16;
	s18 =	sor.u32 $0x200, s12  }
0xbf: {  	v41 =	vadd.s32 $0xFFFFFFFE, v16;
	v47 =	vadd.s32 $0xFFFFFFFF, v16;
	s19 =	sor.u32 $0x280, s12;
	vm8 =	vlt.u32 v27, $0x40;
	[tilespmem:s18+$0x6000] =	vst v10  }
0xc0: {  	s20 =	sadd.s32 $0x10, s12;
	v32 =	vadd.f32 $1.000000000e+00, v61;
	v33 =	vadd.f32 $1.000000000e+00, v29;
	[tilespmem:s19+$0x6000] =	vst v9;
	v9 =	vmax.f32 v61, $2.000000000e+00  }
0xc1: {  	[tilespmem:s14+$0xA800] =	vst v5;
	vm9 =	vlt.u32 v14, $0x40;
	s6 =	sor.u32 $0x200, s20;
	v35 =	vmax.f32 v29, $2.000000000e+00;
	v9 =	vmin.f32 v9, $6.500000000e+01  }
0xc2: {  	s11 =	sor.u32 $0x280, s20;
	[tilespmem:s6+$0x6000] =	vst v12;
	v19 =	vmax.f32 v32, $2.000000000e+00;
	v36 =	vmax.f32 v33, $2.000000000e+00;
	v9 =	vmul.f32 $4.096000000e+03, v9  }
0xc3: {  	[tilespmem:s11+$0x6000] =	vst v11;
	v11 =	vmin.f32 v35, $6.500000000e+01;
	v37 =	vmin.f32 v19, $6.500000000e+01;
	v17 =	vmin.f32 v36, $6.500000000e+01  }
0xc4: {  	[tilespmem:s14+$0xAC00] =	vst v52;
	v39 =	vmul.f32 $6.400000000e+01, v11;
	v5 =	vmul.f32 $4.096000000e+03, v37;
	v38 =	vadd.f32 $-8.322000000e+03, v9  }
0xc5: {  	[tilespmem:s14+$0xB000] =	vst v62;
	v0 =	vsub.f32 v0, v34;
	v3 =	vsub.f32 v3, v61;
	v17 =	vmul.f32 $6.400000000e+01, v17  }
0xc6: {  	s13 =	sor.u32 s13, s24;
	[tilespmem:s14+$0xB400] =	vst v63;
	v42 =	vmax.f32 v34, $2.000000000e+00;
	v5 =	vadd.f32 $-8.322000000e+03, v5;
	v43 =	vadd.f32 v38, v39  }
0xc7: {  	[tilespmem:s13+$0x0] =	vst v56;
	v2 =	vsub.f32 v2, v29;
	v44 =	vmin.f32 v42, $6.400000000e+01;
	v7 =	vadd.f32 v17, v38  }
0xc8: {  	[tilespmem:s13+$0x80] =	vst v6;
	vm10 =	vlt.u32 v41, $0x40;
	v9 =	vadd.f32 v5, v39;
	v46 =	vadd.f32 v43, v44  }
0xc9: {  	[tilespmem:s13+$0x100] =	vst v57;
	s14 =	sadd.s32 $0x20, s12;
	vm11 =	vlt.u32 v47, $0x40;
	v5 =	vadd.f32 v5, v17;
	v7 =	vadd.f32 v7, v44  }
0xca: {  	[tilespmem:s13+$0x180] =	vst v8;
	s16 =	sor.u32 $0x200, s14;
	v28 =	vsub.f32 $1.000000000e+00, v3;
	v9 =	vadd.f32 v9, v44;
	v48 =	vtrunc.f32 v46  }
0xcb: {  	s18 =	sor.u32 $0x280, s14;
	[tilespmem:s16+$0x6000] =	vst v24;
	v4 =	vadd.f32 v5, v44;
	v7 =	vtrunc.f32 v7;
	v8 =	vcvt.f32.s32 v48  }
0xcc: {  	v40 =	vsub.f32 $1.000000000e+00, v2;
	[tilespmem:s18+$0x6000] =	vst v1;
	v49 =	vcvt.f32.s32 v7;
	v50 =	vtrunc.f32 v9  }
0xcd: {  	vm2 =	vmand vm15, vm8;
	v4 =	vtrunc.f32 v4;
	v5 =	vcvt.f32.s32 v50;
	[tilespmem:s15+$0xA800] =	vst v8  }
0xce: {  	v45 =	vnsel vm10, $0x0, v40;
	v51 =	vnsel vm2, $0x0, v28;
	v52 =	vcvt.f32.s32 v4;
	[tilespmem:s15+$0xAC00] =	vst v49  }
0xcf: {  	vm0 =	vmand vm15, vm9;
	v2 =	vnsel vm11, $0x0, v2;
	v54 =	vmul.f32 v45, v51;
	[tilespmem:s15+$0xB000] =	vst v5  }
0xd0: {  	s2 =	sadd.s32 $0x4, s2;
	vm14 =	veq.s32 v31, $0x1;
	s19 =	sor.u32 s22, s24;
	v3 =	vnsel vm0, $0x0, v3;
	v56 =	vmul.f32 v51, v2;
	[tilespmem:s15+$0xB400] =	vst v52  }
0xd1: {  	p2 =	slt.u32 s2, $0x3C;
	v57 =	vadd.s32 $0xFFFFFFFE, v31;
	v53 =	vsub.f32 $1.000000000e+00, v0;
	v58 =	vmul.f32 v45, v3;
	[tilespmem:s19+$0x0] =	vst v54  }
.Ltmp0:
0xd2: {  	vm12 =	vlt.u32 v55, $0x40;
	vm13 =	vlt.u32 v57, $0x3F;
	v60 =	vmul.f32 v3, v2;
	[tilespmem:s19+$0x80] =	vst v56;
	(pc) =	sbr.rel @p2 .LBB2_3-.Ltmp0, $4  }
0xd3: {  	vm15 =	veq.s32 v31, $0x41;
	s20 =	sadd.s32 $0x30, s12;
	v59 =	vnsel vm12, $0x0, v0;
	v61 =	vnsel vm13, $0x0, v53;
	[tilespmem:s19+$0x100] =	vst v58  }
0xd4: {  	s22 =	sor.u32 $0x200, s20;
	v62 =	vsel vm15, v53, v59;
	v0 =	vsel vm14, v0, v61;
	[tilespmem:s19+$0x180] =	vst v60  }
0xd5: {  	s4 =	sadd.s32 $0x40, s4;
	s24 =	sor.u32 $0x280, s20;
	v63 =	vsel vm14, $0x0, v62;
	[tilespmem:s22+$0x6000] =	vst v0  }
0xd6: {  	s31 =	sadd.s32 $0x100, s31;
	p1 =	por !p1, !p1;
	s5 =	sadd.s32 $0x200, s5;
	[tilespmem:s24+$0x6000] =	vst v63  }
0xd7: {  	s2 =	simm.s32 $0xA800;
	s4 =	simm.s32 $0xC800  }
0xd8: {  	[tilespmem:s4], [sflag:$0x2] =	stream.indirect.gather [spmem:s7], $0x1, s2, s25, $0xb8;
	[tilespmem:$0xE800] =	vst v63  }
0xd9: {  	s18 =	simm.s32 $0xAC00;
	s19 =	simm.s32 $0xCC00;
	p1 =	seq.s32 s28, $0x0  }
0xda: {  	[tilespmem:s19], [sflag:$0x2] =	stream.indirect.gather [spmem:s7], $0x1, s18, s25, $0xb8;
	[tilespmem:$0xE800] =	vst v63  }
.Ltmp1:
0xdb: {  	_ = 	snop;
	(pc) =	sbr.rel @p1 .LBB2_8-.Ltmp1, $4  }
0xdc: {  	s20 =	simm.s32 $0xB000;
	s22 =	simm.s32 $0xD000  }
0xdd: {  	[tilespmem:s22], [sflag:$0x2] =	stream.indirect.gather [spmem:s7], $0x1, s20, s25, $0xb8;
	[tilespmem:$0xE800] =	vst v63  }
0xde: {  	s24 =	simm.s32 $0xB400;
	s31 =	simm.s32 $0xD400  }
0xdf: {  	[tilespmem:s31], [sflag:$0x2] =	stream.indirect.gather [spmem:s7], $0x1, s24, s25, $0xb8;
	[tilespmem:$0xE800] =	vst v63  }
0xe0: {  	_ =	swait.ge [sflag:s26], $0x400  }
0xe1: {  	[sflag:s26] =	ssyncset.done $0x0  }
0xe2: {  	[sflag:s26] =	ssyncadd.s32 $0xFFFFFC00  }
0xe3: {  	_ =	swait.ge [sflag:s26], $0x400  }
0xe4: {  	[sflag:s26] =	ssyncset.done $0x0  }
0xe5: {  	[sflag:s26] =	ssyncadd.s32 $0xFFFFFC00  }
0xe6: {  	_ =	swait.ge [sflag:s26], $0x400  }
0xe7: {  	[sflag:s26] =	ssyncset.done $0x0  }
0xe8: {  	[sflag:s26] =	ssyncadd.s32 $0xFFFFFC00  }
0xe9: {  	_ =	swait.ge [sflag:s26], $0x400  }
0xea: {  	[sflag:s26] =	ssyncset.done $0x0  }
0xeb: {  	s2 =	simm.s32 $0x0;
	[sflag:s26] =	ssyncadd.s32 $0xFFFFFC00  }
0xec: {  	s4 =	simm.s32 $0x430;
	s5 =	simm.s32 $0x2180;
	v0 =	vld [tilespmem:s2+$0xE430]  }
0xed: {  	s10 =	sand.u32 $0x70, s4;
	s5 =	sand.u32 $0x3C00, s5;
	v1 =	vld [tilespmem:s2+$0xD830]  }
0xee: {  	s10 =	sor.u32 s10, s5;
	v2 =	vld [tilespmem:s2+$0xDC30]  }
0xef: {  	v3 =	vld [tilespmem:s10+$0x6200]  }
0xf0: {  	v4 =	vld [tilespmem:s10+$0x6280]  }
0xf1: {  	v5 =	vld [tilespmem:s2+$0xE030]  }
0xf2: {  	v6 =	vld [tilespmem:s2+$0xD800]  }
0xf3: {  	v7 =	vld [tilespmem:s2+$0xDC00]  }
0xf4: {  	v8 =	vld [tilespmem:s10+$0x6000]  }
0xf5: {  	v21 =	vld [tilespmem:s2+$0xE400]  }
0xf6: {  	v11 =	vld [tilespmem:s10+$0x6080]  }
0xf7: {  	s11 =	simm.s32 $0x0;
	s13 =	simm.s32 $0x2080;
	s5 =	simm.s32 $0x2000;
	v12 =	vld [tilespmem:s2+$0xD810];
	v9 =	vshll.u32 v1, $0x10;
	v1 =	vand.u32 $0xFFFF0000, v1  }
0xf8: {  	s14 =	simm.s32 $0x410;
	s11 =	sand.u32 $0x40, s11;
	s18 =	sand.u32 $0x3C00, s5;
	v13 =	vld [tilespmem:s10+$0x6100];
	v10 =	vshll.u32 v2, $0x10;
	v2 =	vand.u32 $0xFFFF0000, v2;
	v14 =	vshll.u32 v0, $0x10  }
0xf9: {  	s19 =	sand.u32 $0x50, s14;
	s13 =	sand.u32 $0x3C00, s13;
	s12 =	sor.u32 s11, s18;
	v16 =	vld [tilespmem:s2+$0xDC10];
	v15 =	vshll.u32 v5, $0x10;
	v5 =	vand.u32 $0xFFFF0000, v5;
	v0 =	vand.u32 $0xFFFF0000, v0  }
0xfa: {  	s13 =	sor.u32 s19, s13;
	v17 =	vld [tilespmem:s12+$0x6280];
	v26 =	vshll.u32 v21, $0x10;
	v9 =	vmul.f32 v9, v3;
	v1 =	vmul.f32 v1, v4  }
0xfb: {  	v19 =	vld [tilespmem:s13+$0x6200];
	v21 =	vand.u32 $0xFFFF0000, v21;
	v10 =	vmul.f32 v10, v3;
	v2 =	vmul.f32 v2, v4  }
0xfc: {  	v15 =	vmul.f32 v15, v3;
	v5 =	vmul.f32 v5, v4;
	v1 =	vadd.f32 v1, v9;
	v9 =	vld [tilespmem:s10+$0x6180]  }
0xfd: {  	v3 =	vmul.f32 v14, v3;
	v0 =	vmul.f32 v0, v4;
	v2 =	vadd.f32 v2, v10;
	v10 =	vld [tilespmem:s2+$0xD820]  }
0xfe: {  	v14 =	vshll.u32 v6, $0x10;
	v4 =	vadd.f32 v5, v15;
	v5 =	vand.u32 $0xFFFF0000, v6;
	v6 =	vld [tilespmem:s12+$0x6200]  }
0xff: {  	v3 =	vadd.f32 v0, v3;
	v0 =	vld [tilespmem:s13+$0x6280];
	v1 =	vmul.f32 v1, v8;
	v2 =	vmul.f32 v2, v11  }
0x100: {  	v15 =	vand.u32 $0xFFFF0000, v16;
	v5 =	vmul.f32 v5, v17;
	v11 =	vshll.u32 v7, $0x10  }
0x101: {  	s20 =	simm.s32 $0x420;
	s15 =	simm.s32 $0x2100;
	v20 =	vld [tilespmem:s2+$0xE000];
	v7 =	vand.u32 $0xFFFF0000, v7;
	v1 =	vadd.f32 v2, v1;
	v2 =	vmul.f32 v4, v13  }
0x102: {  	s22 =	sand.u32 $0x60, s20;
	s24 =	sand.u32 $0x3C00, s15;
	v8 =	vld [tilespmem:s2+$0xDC20];
	v4 =	vshll.u32 v12, $0x10;
	v12 =	vand.u32 $0xFFFF0000, v12;
	v13 =	vshll.u32 v16, $0x10  }
0x103: {  	v27 =	vld [tilespmem:s13+$0x6000];
	s10 =	sor.u32 s22, s24;
	v3 =	vmul.f32 v3, v9;
	v9 =	vshll.u32 v10, $0x10;
	v14 =	vmul.f32 v14, v6  }
0x104: {  	v4 =	vmul.f32 v4, v19;
	v12 =	vmul.f32 v12, v0;
	v16 =	vadd.f32 v2, v1;
	v1 =	vld [tilespmem:s10+$0x6200]  }
0x105: {  	v10 =	vand.u32 $0xFFFF0000, v10;
	v13 =	vmul.f32 v13, v19;
	v15 =	vmul.f32 v15, v0;
	v2 =	vld [tilespmem:s10+$0x6280]  }
0x106: {  	v12 =	vadd.f32 v12, v4;
	v16 =	vadd.f32 v3, v16;
	v3 =	vmul.f32 v7, v17;
	v7 =	vld [tilespmem:s2+$0xE010]  }
0x107: {  	v11 =	vmul.f32 v11, v6;
	v18 =	vshll.u32 v8, $0x10;
	v5 =	vadd.f32 v5, v14;
	v14 =	vld [tilespmem:s2+$0xE020]  }
0x108: {  	v22 =	vld [tilespmem:s2+$0xE420];
	v8 =	vand.u32 $0xFFFF0000, v8;
	v15 =	vadd.f32 v15, v13;
	v27 =	vmul.f32 v12, v27  }
0x109: {  	v28 =	vld [tilespmem:s13+$0x6080];
	v11 =	vadd.f32 v3, v11;
	v3 =	vmul.f32 v9, v1;
	v9 =	vmul.f32 v18, v1  }
0x10a: {  	v31 =	vld [tilespmem:s10+$0x6000];
	v4 =	vmul.f32 v10, v2;
	v10 =	vshll.u32 v20, $0x10;
	v20 =	vand.u32 $0xFFFF0000, v20  }
0x10b: {  	v13 =	vld [tilespmem:s12+$0x6000];
	v8 =	vmul.f32 v8, v2;
	v20 =	vmul.f32 v20, v17;
	v23 =	vshll.u32 v7, $0x10  }
0x10c: {  	v18 =	vld [tilespmem:s2+$0xE410];
	v7 =	vand.u32 $0xFFFF0000, v7;
	v24 =	vadd.f32 v4, v3;
	v3 =	vshll.u32 v14, $0x10  }
0x10d: {  	v4 =	vld [tilespmem:s12+$0x6080];
	v14 =	vand.u32 $0xFFFF0000, v14;
	v25 =	vadd.f32 v8, v9;
	v8 =	vmul.f32 v10, v6  }
0x10e: {  	v10 =	vshll.u32 v22, $0x10;
	v23 =	vmul.f32 v23, v19;
	v29 =	vmul.f32 v7, v0  }
0x10f: {  	v33 =	vld [tilespmem:s10+$0x6080];
	v32 =	vmul.f32 v3, v1;
	v14 =	vmul.f32 v14, v2;
	v3 =	vand.u32 $0xFFFF0000, v22  }
0x110: {  	v22 =	vmul.f32 v5, v13;
	v7 =	vld [tilespmem:s12+$0x6100];
	v13 =	vadd.f32 v20, v8;
	v20 =	vmul.f32 v21, v17  }
0x111: {  	v17 =	vmul.f32 v24, v31;
	v5 =	vadd.f32 v14, v32;
	v14 =	vmul.f32 v15, v28;
	v15 =	vld [tilespmem:s10+$0x6100]  }
0x112: {  	s31 =	simm.s32 $0x400;
	v30 =	vshll.u32 v18, $0x10;
	v9 =	vand.u32 $0xFFFF0000, v18;
	v11 =	vmul.f32 v11, v4;
	v4 =	vld [tilespmem:s13+$0x6100]  }
0x113: {  	s14 =	sand.u32 $0x780, s31;
	v12 =	vld [tilespmem:s12+$0x6180];
	[tilespmem:s2+$0xA430] =	vst v16;
	v8 =	vadd.f32 v29, v23;
	v18 =	vmul.f32 v26, v6;
	v16 =	vmul.f32 v30, v19  }
0x114: {  	s11 =	sor.u32 s11, s14;
	s12 =	simm.s32 $0x0;
	v19 =	vmul.f32 v25, v33;
	v14 =	vadd.f32 v14, v27;
	v6 =	vadd.f32 v11, v22;
	v11 =	vld [tilespmem:s13+$0x6180];
	s13 =	simm.s32 $0x100  }
.LBB2_6:
0x115: {  	s16 =	sshra.s32 s13, $0x2;
	v18 =	vadd.f32 v20, v18;
	v0 =	vmul.f32 v9, v0;
	v9 =	vld [tilespmem:s10+$0x6180];
	v1 =	vmul.f32 v10, v1;
	s5 =	sadd.s32 $0x200, s5  }
0x116: {  	v7 =	vmul.f32 v13, v7;
	v2 =	vmul.f32 v3, v2;
	s4 =	sadd.s32 $0x40, s4;
	s10 =	sadd.s32 $0x80, s5;
	s14 =	sadd.s32 $0x180, s5;
	v10 =	vld [tilespmem:s16+$0xE430];
	v13 =	vadd.f32 v19, v17  }
0x117: {  	s15 =	sadd.s32 $0xFFFFFFE0, s4;
	s18 =	sand.u32 $0x70, s4;
	v4 =	vmul.f32 v8, v4;
	s14 =	sand.u32 $0x3C00, s14;
	v3 =	vld [tilespmem:s16+$0xD830];
	v0 =	vadd.f32 v0, v16;
	v5 =	vmul.f32 v5, v15  }
0x118: {  	s12 =	sadd.s32 $0x4, s12;
	s24 =	sadd.s32 $0xFFFFFFF0, s4;
	v6 =	vadd.f32 v7, v6;
	v1 =	vadd.f32 v2, v1;
	s22 =	sor.u32 s18, s14;
	v8 =	vld [tilespmem:s16+$0xDC30];
	v7 =	vmul.f32 v18, v12  }
0x119: {  	p1 =	slt.u32 s12, $0x3C;
	s14 =	sadd.s32 $0xFFFFFBD0, s4;
	s18 =	sadd.s32 $0x100, s5;
	v4 =	vadd.f32 v4, v14;
	v2 =	vld [tilespmem:s22+$0x6200];
	v0 =	vmul.f32 v0, v11;
	v5 =	vadd.f32 v5, v13  }
0x11a: {  	s10 =	sand.u32 $0x3C00, s10;
	s31 =	sand.u32 $0x40, s14;
	s14 =	sand.u32 $0x50, s15;
	v11 =	vld [tilespmem:s22+$0x6280];
	v6 =	vadd.f32 v7, v6;
	v1 =	vmul.f32 v1, v9  }
0x11b: {  	s24 =	sand.u32 $0x60, s24;
	s15 =	sand.u32 $0x3C00, s5;
	s18 =	sand.u32 $0x3C00, s18;
	v7 =	vld [tilespmem:s16+$0xE030];
	v0 =	vadd.f32 v0, v4  }
0x11c: {  	s15 =	sor.u32 s31, s15;
	s14 =	sor.u32 s14, s10;
	s10 =	sor.u32 s24, s18;
	v4 =	vld [tilespmem:s16+$0xD800];
	[tilespmem:s11+$0xA000] =	vst v6;
	v1 =	vadd.f32 v1, v5  }
0x11d: {  	s11 =	sadd.s32 $0xFFFFFFD0, s4;
	v6 =	vshll.u32 v10, $0x10;
	v5 =	vld [tilespmem:s16+$0xDC00];
	[tilespmem:s2+$0xA410] =	vst v0  }
0x11e: {  	v9 =	vshll.u32 v3, $0x10;
	v3 =	vand.u32 $0xFFFF0000, v3;
	s11 =	sand.u32 $0x780, s11;
	v12 =	vshll.u32 v8, $0x10;
	v0 =	vld [tilespmem:s22+$0x6000];
	[tilespmem:s2+$0xA420] =	vst v1;
	s2 =	smov.u32 s16  }
0x11f: {  	v8 =	vand.u32 $0xFFFF0000, v8;
	s11 =	sor.u32 s31, s11;
	v9 =	vmul.f32 v9, v2;
	v1 =	vld [tilespmem:s22+$0x6080];
	v3 =	vmul.f32 v3, v11  }
0x120: {  	v12 =	vmul.f32 v12, v2;
	v8 =	vmul.f32 v8, v11;
	v13 =	vld [tilespmem:s2+$0xD810];
	v14 =	vshll.u32 v7, $0x10  }
0x121: {  	v10 =	vand.u32 $0xFFFF0000, v10;
	v7 =	vand.u32 $0xFFFF0000, v7;
	v15 =	vld [tilespmem:s22+$0x6100];
	v14 =	vmul.f32 v14, v2  }
0x122: {  	v3 =	vadd.f32 v3, v9;
	v8 =	vadd.f32 v8, v12;
	v7 =	vmul.f32 v7, v11;
	v16 =	vld [tilespmem:s2+$0xDC10]  }
0x123: {  	v9 =	vshll.u32 v4, $0x10;
	v2 =	vmul.f32 v6, v2;
	v6 =	vmul.f32 v10, v11;
	v12 =	vld [tilespmem:s22+$0x6180]  }
0x124: {  	v0 =	vmul.f32 v3, v0;
	v3 =	vadd.f32 v7, v14;
	v10 =	vld [tilespmem:s2+$0xD820];
	v1 =	vmul.f32 v8, v1  }
0x125: {  	v4 =	vand.u32 $0xFFFF0000, v4;
	v7 =	vshll.u32 v5, $0x10;
	v5 =	vand.u32 $0xFFFF0000, v5;
	v8 =	vld [tilespmem:s2+$0xDC20]  }
0x126: {  	v2 =	vadd.f32 v6, v2;
	v11 =	vld [tilespmem:s15+$0x6200];
	v0 =	vadd.f32 v1, v0;
	v1 =	vmul.f32 v3, v15  }
0x127: {  	v6 =	vand.u32 $0xFFFF0000, v13;
	v3 =	vshll.u32 v13, $0x10;
	v14 =	vld [tilespmem:s15+$0x6280];
	v13 =	vshll.u32 v16, $0x10  }
0x128: {  	v15 =	vand.u32 $0xFFFF0000, v16;
	v19 =	vld [tilespmem:s14+$0x6200];
	v16 =	vadd.f32 v1, v0;
	v2 =	vmul.f32 v2, v12  }
0x129: {  	v0 =	vld [tilespmem:s14+$0x6280];
	v12 =	vshll.u32 v10, $0x10;
	v10 =	vand.u32 $0xFFFF0000, v10  }
0x12a: {  	v1 =	vld [tilespmem:s10+$0x6200];
	v17 =	vshll.u32 v8, $0x10;
	v8 =	vand.u32 $0xFFFF0000, v8;
	v16 =	vadd.f32 v2, v16  }
0x12b: {  	v9 =	vmul.f32 v9, v11;
	v7 =	vmul.f32 v7, v11;
	v2 =	vld [tilespmem:s10+$0x6280]  }
0x12c: {  	v18 =	vld [tilespmem:s2+$0xE000];
	v4 =	vmul.f32 v4, v14;
	v5 =	vmul.f32 v5, v14;
	[tilespmem:s2+$0xA430] =	vst v16  }
0x12d: {  	v16 =	vld [tilespmem:s2+$0xE010];
	v3 =	vmul.f32 v3, v19;
	v13 =	vmul.f32 v13, v19  }
0x12e: {  	v4 =	vadd.f32 v4, v9;
	v6 =	vmul.f32 v6, v0;
	v9 =	vmul.f32 v15, v0;
	v15 =	vld [tilespmem:s2+$0xE020]  }
0x12f: {  	v5 =	vadd.f32 v5, v7;
	v20 =	vld [tilespmem:s2+$0xE400];
	v7 =	vmul.f32 v12, v1;
	v12 =	vmul.f32 v17, v1  }
0x130: {  	v17 =	vld [tilespmem:s2+$0xE410];
	v6 =	vadd.f32 v6, v3;
	v3 =	vmul.f32 v10, v2;
	v8 =	vmul.f32 v8, v2  }
0x131: {  	v21 =	vadd.f32 v9, v13;
	v10 =	vshll.u32 v18, $0x10;
	v18 =	vand.u32 $0xFFFF0000, v18;
	v13 =	vld [tilespmem:s2+$0xE420]  }
0x132: {  	v22 =	vld [tilespmem:s15+$0x6000];
	v9 =	vshll.u32 v16, $0x10;
	v16 =	vand.u32 $0xFFFF0000, v16;
	v23 =	vadd.f32 v3, v7  }
0x133: {  	v25 =	vadd.f32 v8, v12;
	v24 =	vld [tilespmem:s15+$0x6080];
	v3 =	vshll.u32 v15, $0x10;
	v7 =	vand.u32 $0xFFFF0000, v15  }
0x134: {  	v8 =	vmul.f32 v10, v11;
	v15 =	vmul.f32 v18, v14;
	v12 =	vshll.u32 v20, $0x10;
	v18 =	vld [tilespmem:s14+$0x6000]  }
0x135: {  	v27 =	vmul.f32 v9, v19;
	v16 =	vmul.f32 v16, v0;
	v20 =	vand.u32 $0xFFFF0000, v20;
	v26 =	vld [tilespmem:s14+$0x6080]  }
0x136: {  	v30 =	vmul.f32 v3, v1;
	v31 =	vmul.f32 v7, v2;
	v28 =	vshll.u32 v17, $0x10;
	v29 =	vld [tilespmem:s10+$0x6000]  }
0x137: {  	v9 =	vand.u32 $0xFFFF0000, v17;
	v10 =	vshll.u32 v13, $0x10;
	v3 =	vand.u32 $0xFFFF0000, v13;
	v32 =	vld [tilespmem:s10+$0x6080]  }
.Ltmp2:
0x138: {  	v13 =	vadd.f32 v15, v8;
	v17 =	vmul.f32 v4, v22;
	v7 =	vld [tilespmem:s15+$0x6100];
	v22 =	vmul.f32 v5, v24;
	(pc) =	sbr.rel @p1 .LBB2_6-.Ltmp2, $4  }
0x139: {  	v8 =	vadd.f32 v16, v27;
	v5 =	vadd.f32 v31, v30;
	v4 =	vld [tilespmem:s14+$0x6100];
	v24 =	vmul.f32 v6, v18  }
0x13a: {  	v18 =	vmul.f32 v12, v11;
	v6 =	vadd.f32 v22, v17;
	v16 =	vmul.f32 v21, v26;
	v15 =	vld [tilespmem:s10+$0x6100]  }
0x13b: {  	v20 =	vmul.f32 v20, v14;
	v12 =	vld [tilespmem:s15+$0x6180];
	v17 =	vmul.f32 v23, v29  }
0x13c: {  	s13 =	sadd.s32 $0x100, s13;
	v11 =	vld [tilespmem:s14+$0x6180];
	v14 =	vadd.f32 v16, v24;
	v16 =	vmul.f32 v28, v19;
	v19 =	vmul.f32 v25, v32  }
0x13d: {  	v18 =	vadd.f32 v20, v18;
	v0 =	vmul.f32 v9, v0;
	v55 =	vld [tilespmem:s10+$0x6180];
	v1 =	vmul.f32 v10, v1  }
0x13e: {  	v7 =	vmul.f32 v13, v7;
	v2 =	vmul.f32 v3, v2;
	v56 =	vadd.f32 v19, v17  }
0x13f: {  	v57 =	vmul.f32 v8, v4;
	v0 =	vadd.f32 v0, v16;
	v58 =	vmul.f32 v5, v15  }
0x140: {  	v59 =	vadd.f32 v7, v6;
	v1 =	vadd.f32 v2, v1;
	v60 =	vmul.f32 v18, v12  }
0x141: {  	v61 =	vadd.f32 v57, v14;
	v0 =	vmul.f32 v0, v11  }
0x142: {  	v62 =	vadd.f32 v58, v56;
	v63 =	vadd.f32 v60, v59;
	v1 =	vmul.f32 v1, v55  }
0x143: {  	v0 =	vadd.f32 v0, v61  }
0x144: {  	s4 =	sadd.s32 $0xFFFFFC00, s30;
	[tilespmem:s11+$0xA000] =	vst v63;
	v1 =	vadd.f32 v1, v62  }
0x145: {  	s24 =	rddreg [dreg:$0x5];
	s4 =	sshrl.u32 s4, $0x3;
	[tilespmem:s2+$0xA410] =	vst v0  }
0x146: {  	s31 =	simm.s32 $0xA400;
	[tilespmem:s2+$0xA420] =	vst v1;
	s2 =	sadd.s32 s24, s4  }
0x147: {  	[hbm4b:s2+s8] =	stream.linear.scatter [tilespmem:s31], [sflag:$0x4], $0x400, $0x38;
	[tilespmem:$0xE800] =	vst v63  }
0x148: {  	_ =	swait.ge [sflag:s17], $0x400  }
0x149: {  	[sflag:s17] =	ssyncset.done $0x0  }
0x14a: {  	[sflag:s17] =	ssyncadd.s32 $0xFFFFFC00  }
.LBB2_8:
0x14b: {  	_ =	swait.ge [sflag:s21], $0x400  }
0x14c: {  	[sflag:s21] =	ssyncset.done $0x0  }
0x14d: {  	[sflag:s21] =	ssyncadd.s32 $0xFFFFFC00  }
0x14e: {  	_ =	swait.ge [sflag:s21], $0x400  }
0x14f: {  	[sflag:s21] =	ssyncset.done $0x0  }
0x150: {  	s2 =	smin.u32 s30, $0x3FF400;
	[sflag:s21] =	ssyncadd.s32 $0xFFFFFC00  }
0x151: {  	s2 =	sshrl.u32 s2, $0x3;
	_ =	swait.ge [sflag:s21], $0x400  }
0x152: {  	s30 =	simm.s32 $0x0;
	s2 =	sadd.s32 $0x100, s2;
	[sflag:s21] =	ssyncset.done $0x0  }
0x153: {  	s5 =	simm.s32 $0x4800;
	s4 =	sadd.s32 s0, s2;
	[sflag:s21] =	ssyncadd.s32 $0xFFFFFC00  }
0x154: {  	[tilespmem:s5], [sflag:$0x1] =	stream.linear.gather [hbm4b:s4+s30], $0x400, $0x38;
	[tilespmem:$0xE800] =	vst v63  }
0x155: {  	s22 =	simm.s32 $0x5000;
	s24 =	simm.s32 $0x5800;
	s20 =	sadd.s32 s1, s2  }
0x156: {  	[tilespmem:s22], [sflag:$0x1] =	stream.linear.gather [hbm4b:s20+s30], $0x400, $0x38;
	[tilespmem:$0xE800] =	vst v63  }
0x157: {  	s31 =	simm.s32 $0xFFFFFFFC;
	p1 =	por $0x0, $0x0;
	s2 =	sadd.s32 s3, s2  }
0x158: {  	[tilespmem:s24], [sflag:$0x1] =	stream.linear.gather [hbm4b:s2+s30], $0x400, $0x38;
	[tilespmem:$0xE800] =	vst v63  }
0x159: {  	s4 =	simm.s32 $0x0;
	s5 =	simm.s32 $0x0;
	s2 =	simm.s32 $0x2180  }
.LBB2_9:
0x15a: {  	v4 =	vld [tilespmem:$0x4000]  }
0x15b: {  	v3 =	vld [tilespmem:$0x4080]  }
0x15c: {  	v1 =	vld [tilespmem:$0x4100]  }
0x15d: {  	v5 =	vld [tilespmem:$0x4180]  }
0x15e: {  	v6 =	vld [tilespmem:$0x4200]  }
0x15f: {  	s16 =	sshra.s32 s4, $0x2;
	v2 =	vld [tilespmem:$0x4280]  }
0x160: {  	v9 =	vld [tilespmem:s16+$0x4C00]  }
0x161: {  	v10 =	vld [tilespmem:s16+$0x5400]  }
0x162: {  	v11 =	vld [tilespmem:s16+$0x5C00]  }
0x163: {  	v8 =	vld [tilespmem:$0x4300]  }
0x164: {  	v7 =	vld [tilespmem:$0x4380]  }
0x165: {  	v0 =	vld [tilespmem:$0x4400]  }
0x166: {  	v23 =	vld [tilespmem:s16+$0x4C10];
	v12 =	vmul.f32 v9, v4  }
0x167: {  	v61 =	vld [tilespmem:s16+$0x5410];
	v13 =	vmul.f32 v10, v3;
	v14 =	vmul.f32 v11, v1  }
0x168: {  	v63 =	vld [tilespmem:s16+$0x5C10];
	v38 =	vmul.f32 v9, v5;
	v15 =	vmul.f32 v10, v6  }
0x169: {  	v9 =	vmul.f32 v9, v8;
	v10 =	vmul.f32 v10, v7;
	v12 =	vadd.f32 v13, v12  }
0x16a: {  	v39 =	vmul.f32 v11, v2;
	v40 =	vmul.f32 v11, v0;
	v13 =	vadd.f32 v15, v38  }
0x16b: {  	v37 =	vmul.f32 v23, v4;
	v9 =	vadd.f32 v10, v9;
	v12 =	vadd.f32 v14, v12  }
0x16c: {  	v27 =	vmul.f32 v23, v5;
	v28 =	vmul.f32 v61, v6;
	v13 =	vadd.f32 v39, v13  }
0x16d: {  	v26 =	vmul.f32 v63, v1;
	v9 =	vadd.f32 v40, v9;
	v12 =	vadd.f32 $3.350000000e+01, v12  }
0x16e: {  	v23 =	vmul.f32 v23, v8;
	v39 =	vadd.f32 v28, v27;
	v41 =	vadd.f32 $3.350000000e+01, v13  }
0x16f: {  	v40 =	vmul.f32 v63, v2;
	v9 =	vadd.f32 $3.350000000e+01, v9;
	v42 =	vand.u32 $0x7FFFFFFF, v12  }
0x170: {  	v43 =	vmax.f32 v12, $0.0e+00;
	v44 =	vand.u32 $0x7FFFFFFF, v41;
	v11 =	vmax.f32 v41, $0.0e+00  }
0x171: {  	v47 =	vand.u32 $0x7FFFFFFF, v9;
	v9 =	vmax.f32 v9, $0.0e+00;
	vm0 =	vle.f32 v42, $3.402823470e+38  }
0x172: {  	v10 =	vmin.f32 v43, $6.800000000e+01;
	vm1 =	vle.f32 v44, $3.402823470e+38;
	v11 =	vmin.f32 v11, $6.800000000e+01  }
0x173: {  	vm14 =	vle.f32 v47, $3.402823470e+38;
	v10 =	vnsel vm0, $0x42060000, v10;
	v11 =	vnsel vm1, $0x42060000, v11  }
0x174: {  	v9 =	vmin.f32 v9, $6.800000000e+01;
	v45 =	vtrunc.f32 v10;
	v46 =	vtrunc.f32 v11  }
0x175: {  	v9 =	vnsel vm14, $0x42060000, v9;
	v12 =	vcvt.f32.s32 v45;
	v13 =	vcvt.f32.s32 v46  }
0x176: {  	v38 =	vmul.f32 v61, v3;
	v51 =	vtrunc.f32 v9  }
0x177: {  	v44 =	vadd.f32 v40, v39;
	v48 =	vcvt.s32.f32 v12;
	v49 =	vcvt.s32.f32 v13  }
0x178: {  	v18 =	vadd.s32 $0xFFFFFFFE, v12;
	v19 =	vadd.s32 $0xFFFFFFFE, v13;
	v12 =	vadd.s32 $0xFFFFFFFF, v12  }
0x179: {  	v13 =	vadd.s32 $0xFFFFFFFF, v13;
	vm2 =	vlt.u32 v18, $0x40;
	vm3 =	vlt.u32 v19, $0x40  }
0x17a: {  	vm15 =	vlt.u32 v12, $0x40;
	vm7 =	vlt.u32 v13, $0x40;
	v19 =	vmul.f32 v61, v7  }
0x17b: {  	v16 =	vsub.f32 v10, v48;
	v50 =	vsub.f32 v11, v49;
	v11 =	vcvt.f32.s32 v51  }
0x17c: {  	v55 =	vadd.f32 $1.000000000e+00, v48;
	v15 =	vmax.f32 v48, $2.000000000e+00;
	v20 =	vmax.f32 v49, $2.000000000e+00  }
0x17d: {  	v14 =	vadd.f32 $1.000000000e+00, v49;
	vm2 =	vmand vm0, vm2;
	vm0 =	vmand vm0, vm15  }
0x17e: {  	v15 =	vmin.f32 v15, $6.500000000e+01;
	v20 =	vmin.f32 v20, $6.500000000e+01;
	v45 =	vadd.f32 v19, v23  }
0x17f: {  	v17 =	vsub.f32 $1.000000000e+00, v16;
	v52 =	vsub.f32 $1.000000000e+00, v50;
	v53 =	vcvt.s32.f32 v11  }
0x180: {  	v54 =	vadd.s32 $0xFFFFFFFF, v11;
	v21 =	vnsel vm7, $0x0, v50;
	v10 =	vmax.f32 v55, $2.000000000e+00  }
0x181: {  	v58 =	vmax.f32 v14, $2.000000000e+00;
	v60 =	vadd.s32 $0xFFFFFFFE, v11;
	vm4 =	veq.s32 v11, $0x1  }
0x182: {  	vm10 =	veq.s32 v11, $0x41;
	v33 =	vmul.f32 $4.096000000e+03, v15;
	v36 =	vmul.f32 $6.400000000e+01, v20  }
0x183: {  	v20 =	vadd.f32 v38, v37;
	v42 =	vnsel vm0, $0x0, v16;
	v11 =	vmul.f32 v63, v0  }
0x184: {  	vm8 =	vlt.u32 v54, $0x40;
	v22 =	vmin.f32 v10, $6.500000000e+01;
	v24 =	vmin.f32 v58, $6.500000000e+01  }
0x185: {  	v9 =	vsub.f32 v9, v53;
	v34 =	vmul.f32 $4.096000000e+03, v22;
	v13 =	vadd.f32 $-8.322000000e+03, v33  }
0x186: {  	v24 =	vmul.f32 $6.400000000e+01, v24;
	v20 =	vadd.f32 v26, v20;
	v11 =	vadd.f32 v11, v45  }
0x187: {  	vm9 =	vlt.u32 v60, $0x3F;
	v56 =	vsub.f32 $1.000000000e+00, v9;
	v15 =	vadd.f32 $-8.322000000e+03, v34  }
0x188: {  	v59 =	vmax.f32 v53, $2.000000000e+00;
	v25 =	vadd.f32 v13, v36;
	v13 =	vadd.f32 v24, v13  }
0x189: {  	v14 =	vmin.f32 v59, $6.400000000e+01;
	v43 =	vadd.f32 $3.350000000e+01, v20;
	v20 =	vadd.f32 $3.350000000e+01, v44  }
0x18a: {  	v35 =	vnsel vm2, $0x0, v17;
	v11 =	vadd.f32 $3.350000000e+01, v11;
	v17 =	vadd.f32 v25, v14  }
0x18b: {  	v12 =	vnsel vm3, $0x0, v52;
	v41 =	vadd.f32 v15, v36;
	v18 =	vadd.f32 v13, v14  }
0x18c: {  	v46 =	vand.u32 $0x7FFFFFFF, v43;
	v47 =	vmax.f32 v43, $0.0e+00;
	v48 =	vand.u32 $0x7FFFFFFF, v20  }
0x18d: {  	v20 =	vmax.f32 v20, $0.0e+00;
	v15 =	vadd.f32 v15, v24;
	v54 =	vand.u32 $0x7FFFFFFF, v11  }
0x18e: {  	v44 =	vld [tilespmem:s16+$0x4C20];
	v11 =	vmax.f32 v11, $0.0e+00;
	vm0 =	vle.f32 v46, $3.402823470e+38;
	v13 =	vmin.f32 v47, $6.800000000e+01  }
0x18f: {  	v34 =	vld [tilespmem:s16+$0x5420];
	vm11 =	vle.f32 v48, $3.402823470e+38;
	v49 =	vmin.f32 v20, $6.800000000e+01;
	vm12 =	vle.f32 v54, $3.402823470e+38  }
0x190: {  	v11 =	vmin.f32 v11, $6.800000000e+01;
	v19 =	vadd.f32 v41, v14;
	v13 =	vnsel vm0, $0x42060000, v13  }
0x191: {  	v51 =	vnsel vm11, $0x42060000, v49;
	v20 =	vadd.f32 v15, v14;
	v14 =	vmul.f32 v12, v35  }
0x192: {  	v11 =	vnsel vm12, $0x42060000, v11;
	v15 =	vmul.f32 v12, v42;
	v50 =	vtrunc.f32 v13  }
0x193: {  	v57 =	vnsel vm8, $0x0, v9;
	v16 =	vtrunc.f32 v51;
	v59 =	vtrunc.f32 v11  }
0x194: {  	v62 =	vnsel vm9, $0x0, v56;
	v48 =	vmul.f32 v44, v4;
	v49 =	vmul.f32 v34, v3  }
0x195: {  	v32 =	vsel vm10, v56, v57;
	v36 =	vmul.f32 v44, v5;
	v37 =	vmul.f32 v34, v6  }
0x196: {  	v10 =	vsel vm4, v9, v62;
	v34 =	vmul.f32 v34, v7;
	v52 =	vcvt.f32.s32 v50  }
0x197: {  	v9 =	vsel vm4, $0x0, v32;
	v53 =	vcvt.f32.s32 v16;
	v16 =	vmul.f32 v35, v21  }
0x198: {  	v46 =	vld [tilespmem:s16+$0x5C20];
	v23 =	vcvt.f32.s32 v59;
	v20 =	vtrunc.f32 v20;
	v36 =	vadd.f32 v37, v36  }
0x199: {  	v55 =	vcvt.s32.f32 v52;
	v56 =	vcvt.s32.f32 v53;
	v61 =	vadd.s32 $0xFFFFFFFE, v52  }
0x19a: {  	v30 =	vadd.s32 $0xFFFFFFFE, v53;
	v24 =	vadd.s32 $0xFFFFFFFF, v52;
	v62 =	vcvt.s32.f32 v23  }
0x19b: {  	v25 =	vadd.s32 $0xFFFFFFFF, v53;
	v39 =	vadd.s32 $0xFFFFFFFF, v23;
	v32 =	vadd.s32 $0xFFFFFFFE, v23  }
0x19c: {  	vm11 =	veq.s32 v23, $0x41;
	vm12 =	veq.s32 v23, $0x1;
	v23 =	vadd.f32 v49, v48  }
0x19d: {  	v50 =	vmul.f32 v46, v1;
	v38 =	vmul.f32 v46, v2;
	vm13 =	vlt.u32 v30, $0x40  }
0x19e: {  	vm14 =	vlt.u32 v61, $0x40;
	vm15 =	vlt.u32 v24, $0x40;
	vm8 =	vlt.u32 v25, $0x40  }
0x19f: {  	vm9 =	vlt.u32 v39, $0x40;
	vm10 =	vlt.u32 v32, $0x3F;
	v32 =	vmul.f32 v44, v8  }
0x1a0: {  	v57 =	vsub.f32 v13, v55;
	v58 =	vsub.f32 v51, v56;
	v13 =	vmul.f32 v42, v21  }
0x1a1: {  	v11 =	vsub.f32 v11, v62;
	v40 =	vadd.f32 $1.000000000e+00, v55;
	v26 =	vmax.f32 v55, $2.000000000e+00  }
0x1a2: {  	v31 =	vadd.f32 $1.000000000e+00, v56;
	v27 =	vmax.f32 v56, $2.000000000e+00;
	v30 =	vmax.f32 v62, $2.000000000e+00  }
0x1a3: {  	vm2 =	vmand vm0, vm14;
	v23 =	vadd.f32 v50, v23;
	v51 =	vadd.f32 v38, v36  }
0x1a4: {  	vm0 =	vmand vm0, vm15;
	v26 =	vmin.f32 v26, $6.500000000e+01;
	v27 =	vmin.f32 v27, $6.500000000e+01  }
0x1a5: {  	v30 =	vmin.f32 v30, $6.400000000e+01;
	v32 =	vadd.f32 v34, v32;
	v60 =	vsub.f32 $1.000000000e+00, v57  }
0x1a6: {  	v29 =	vsub.f32 $1.000000000e+00, v58;
	v41 =	vnsel vm8, $0x0, v58;
	v42 =	vsub.f32 $1.000000000e+00, v11  }
0x1a7: {  	v43 =	vnsel vm9, $0x0, v11;
	v25 =	vmax.f32 v40, $2.000000000e+00;
	v31 =	vmax.f32 v31, $2.000000000e+00  }
0x1a8: {  	v26 =	vmul.f32 $4.096000000e+03, v26;
	v27 =	vmul.f32 $6.400000000e+01, v27;
	v23 =	vadd.f32 $3.350000000e+01, v23  }
0x1a9: {  	v52 =	vnsel vm0, $0x0, v57;
	v25 =	vmin.f32 v25, $6.500000000e+01;
	v31 =	vmin.f32 v31, $6.500000000e+01  }
0x1aa: {  	v63 =	vnsel vm13, $0x0, v29;
	v33 =	vnsel vm10, $0x0, v42;
	v35 =	vadd.f32 $-8.322000000e+03, v26  }
0x1ab: {  	v45 =	vsel vm11, v42, v43;
	v25 =	vmul.f32 $4.096000000e+03, v25;
	v31 =	vmul.f32 $6.400000000e+01, v31  }
0x1ac: {  	v21 =	vnsel vm2, $0x0, v60;
	v29 =	vmul.f32 v46, v0;
	v53 =	vand.u32 $0x7FFFFFFF, v23  }
0x1ad: {  	v23 =	vmax.f32 v23, $0.0e+00;
	v12 =	vsel vm12, v11, v33;
	v11 =	vsel vm12, $0x0, v45  }
0x1ae: {  	v33 =	vadd.f32 $3.350000000e+01, v51;
	v22 =	vmul.f32 v63, v21;
	v21 =	vmul.f32 v21, v41  }
0x1af: {  	vm0 =	vle.f32 v53, $3.402823470e+38;
	v23 =	vmin.f32 v23, $6.800000000e+01;
	v47 =	vadd.f32 v35, v27  }
0x1b0: {  	v42 =	vld [tilespmem:s16+$0x5430];
	v24 =	vmul.f32 v63, v52;
	v25 =	vadd.f32 $-8.322000000e+03, v25;
	v35 =	vadd.f32 v31, v35  }
0x1b1: {  	v29 =	vadd.f32 v29, v32;
	v23 =	vnsel vm0, $0x42060000, v23;
	v54 =	vand.u32 $0x7FFFFFFF, v33  }
0x1b2: {  	v55 =	vmax.f32 v33, $0.0e+00;
	v26 =	vadd.f32 v47, v30;
	v35 =	vadd.f32 v35, v30  }
0x1b3: {  	v58 =	vtrunc.f32 v23;
	v27 =	vadd.f32 v25, v27;
	v25 =	vadd.f32 v25, v31  }
0x1b4: {  	v29 =	vadd.f32 $3.350000000e+01, v29;
	vm13 =	vle.f32 v54, $3.402823470e+38;
	v31 =	vmin.f32 v55, $6.800000000e+01  }
0x1b5: {  	v33 =	vcvt.f32.s32 v58;
	v31 =	vnsel vm13, $0x42060000, v31;
	v3 =	vmul.f32 v42, v3  }
0x1b6: {  	v6 =	vmul.f32 v42, v6;
	v58 =	vmul.f32 v42, v7;
	v56 =	vand.u32 $0x7FFFFFFF, v29  }
0x1b7: {  	v57 =	vtrunc.f32 v31;
	v29 =	vmax.f32 v29, $0.0e+00;
	v27 =	vadd.f32 v27, v30  }
0x1b8: {  	v30 =	vadd.f32 v25, v30;
	v61 =	vcvt.s32.f32 v33;
	v25 =	vmul.f32 v52, v41  }
0x1b9: {  	v62 =	vadd.s32 $0xFFFFFFFE, v33;
	v43 =	vadd.s32 $0xFFFFFFFF, v33;
	v42 =	vtrunc.f32 v35  }
0x1ba: {  	vm14 =	vle.f32 v56, $3.402823470e+38;
	v32 =	vcvt.f32.s32 v57;
	v29 =	vmin.f32 v29, $6.800000000e+01  }
0x1bb: {  	vm15 =	vlt.u32 v62, $0x40;
	vm9 =	vlt.u32 v43, $0x40;
	v62 =	vtrunc.f32 v19  }
0x1bc: {  	v19 =	vcvt.f32.s32 v42;
	v29 =	vnsel vm14, $0x42060000, v29;
	v34 =	vsub.f32 v23, v61  }
0x1bd: {  	v47 =	vadd.f32 $1.000000000e+00, v61;
	v48 =	vmax.f32 v61, $2.000000000e+00;
	vm1 =	vmand vm0, vm15  }
0x1be: {  	v52 =	vld [tilespmem:s16+$0x4C30];
	vm0 =	vmand vm0, vm9;
	v59 =	vcvt.s32.f32 v32;
	v60 =	vtrunc.f32 v29  }
0x1bf: {  	v39 =	vadd.s32 $0xFFFFFFFE, v32;
	v32 =	vadd.s32 $0xFFFFFFFF, v32;
	v33 =	vmin.f32 v48, $6.500000000e+01  }
0x1c0: {  	v37 =	vcvt.f32.s32 v60;
	vm8 =	vlt.u32 v39, $0x40;
	vm10 =	vlt.u32 v32, $0x40  }
0x1c1: {  	v39 =	vmax.f32 v47, $2.000000000e+00;
	v33 =	vmul.f32 $4.096000000e+03, v33;
	v43 =	vsub.f32 $1.000000000e+00, v34  }
0x1c2: {  	v60 =	vtrunc.f32 v18;
	v31 =	vsub.f32 v31, v59;
	v49 =	vadd.f32 $1.000000000e+00, v59  }
0x1c3: {  	v56 =	vld [tilespmem:s16+$0x5C30];
	v39 =	vmin.f32 v39, $6.500000000e+01;
	v4 =	vmul.f32 v52, v4;
	v5 =	vmul.f32 v52, v5  }
0x1c4: {  	v36 =	vmax.f32 v59, $2.000000000e+00;
	v8 =	vmul.f32 v52, v8;
	v59 =	vtrunc.f32 v17  }
0x1c5: {  	v61 =	vcvt.f32.s32 v60;
	v52 =	vnsel vm0, $0x0, v34;
	v63 =	vcvt.s32.f32 v37  }
0x1c6: {  	v46 =	vadd.s32 $0xFFFFFFFF, v37;
	v36 =	vmin.f32 v36, $6.500000000e+01;
	v50 =	vadd.s32 $0xFFFFFFFE, v37  }
0x1c7: {  	vm12 =	veq.s32 v37, $0x41;
	v51 =	vmul.f32 $4.096000000e+03, v39;
	v33 =	vadd.f32 $-8.322000000e+03, v33  }
0x1c8: {  	vm14 =	veq.s32 v37, $0x1;
	v1 =	vmul.f32 v56, v1;
	v2 =	vmul.f32 v56, v2  }
0x1c9: {  	v39 =	vcvt.f32.s32 v20;
	v0 =	vmul.f32 v56, v0;
	v44 =	vsub.f32 $1.000000000e+00, v31  }
0x1ca: {  	vm11 =	vlt.u32 v46, $0x40;
	v38 =	vmax.f32 v49, $2.000000000e+00;
	vm13 =	vlt.u32 v50, $0x3F  }
0x1cb: {  	v36 =	vmul.f32 $6.400000000e+01, v36;
	v3 =	vadd.f32 v3, v4;
	v5 =	vadd.f32 v6, v5  }
0x1cc: {  	v6 =	vcvt.f32.s32 v59;
	v4 =	vadd.f32 v58, v8;
	v46 =	vnsel vm1, $0x0, v43  }
0x1cd: {  	v29 =	vsub.f32 v29, v63;
	v38 =	vmin.f32 v38, $6.500000000e+01;
	v41 =	vmax.f32 v63, $2.000000000e+00  }
0x1ce: {  	v53 =	vadd.f32 $-8.322000000e+03, v51;
	v63 =	vcvt.f32.s32 v62;
	v28 =	vnsel vm8, $0x0, v44  }
0x1cf: {  	v38 =	vmul.f32 $6.400000000e+01, v38;
	v54 =	vadd.f32 v33, v36;
	v57 =	vmin.f32 v41, $6.400000000e+01  }
0x1d0: {  	v3 =	vadd.f32 v1, v3;
	v2 =	vadd.f32 v2, v5;
	v41 =	vtrunc.f32 v26  }
0x1d1: {  	v44 =	vtrunc.f32 v27;
	v0 =	vadd.f32 v0, v4;
	v45 =	vsub.f32 $1.000000000e+00, v29  }
0x1d2: {  	v40 =	vnsel vm11, $0x0, v29;
	v36 =	vadd.f32 v53, v36;
	v18 =	vcvt.f32.s32 v41  }
0x1d3: {  	v47 =	vcvt.f32.s32 v44;
	v56 =	vmul.f32 v28, v46;
	v55 =	vadd.f32 v38, v33  }
0x1d4: {  	v37 =	vadd.f32 v53, v38;
	v38 =	vnsel vm10, $0x0, v31;
	v3 =	vadd.f32 $3.350000000e+01, v3  }
0x1d5: {  	v2 =	vadd.f32 $3.350000000e+01, v2;
	v0 =	vadd.f32 $3.350000000e+01, v0;
	v40 =	vsel vm12, v45, v40  }
0x1d6: {  	[tilespmem:s16+$0xBC10] =	vst v19;
	v32 =	vnsel vm13, $0x0, v45;
	v36 =	vadd.f32 v36, v57;
	v45 =	vtrunc.f32 v30  }
0x1d7: {  	[tilespmem:s16+$0xB800] =	vst v6;
	v6 =	vmul.f32 v46, v38;
	v23 =	vsel vm14, v29, v32;
	v29 =	vadd.f32 v54, v57  }
0x1d8: {  	s10 =	sadd.s32 $0xFFFFFE80, s2;
	[tilespmem:s16+$0xBC00] =	vst v61;
	v8 =	vmul.f32 v52, v38;
	v32 =	vadd.f32 v55, v57;
	v37 =	vadd.f32 v37, v57  }
0x1d9: {  	s11 =	sand.u32 $0x40, s5;
	s12 =	sand.u32 $0x3C00, s10;
	[tilespmem:s16+$0xC400] =	vst v39;
	v48 =	vcvt.f32.s32 v45;
	v55 =	vand.u32 $0x7FFFFFFF, v3;
	v3 =	vmax.f32 v3, $0.0e+00  }
0x1da: {  	s13 =	simm.s32 $0x1;
	s11 =	sor.u32 s11, s12;
	[tilespmem:s16+$0xC000] =	vst v63;
	v57 =	vmul.f32 v28, v52;
	v59 =	vand.u32 $0x7FFFFFFF, v2;
	v60 =	vand.u32 $0x7FFFFFFF, v0  }
0x1db: {  	s13 =	simm.s32 @!p1 $0x0;
	[tilespmem:s11+$0x6000] =	vst v14;
	v2 =	vmax.f32 v2, $0.0e+00;
	v0 =	vmax.f32 v0, $0.0e+00;
	v53 =	vtrunc.f32 v36  }
0x1dc: {  	s8 =	sshll.u32 s13, $0x6;
	[tilespmem:s11+$0x6080] =	vst v16;
	vm15 =	vle.f32 v55, $3.402823470e+38;
	v3 =	vmin.f32 v3, $6.800000000e+01;
	vm6 =	vle.f32 v59, $3.402823470e+38  }
0x1dd: {  	s10 =	sadd.s32 s8, s10;
	[tilespmem:s11+$0x6100] =	vst v15;
	vm7 =	vle.f32 v60, $3.402823470e+38;
	v2 =	vmin.f32 v2, $6.800000000e+01;
	v49 =	vtrunc.f32 v29  }
0x1de: {  	s12 =	sor.u32 $0x200, s10;
	[tilespmem:s11+$0x6180] =	vst v13;
	v0 =	vmin.f32 v0, $6.800000000e+01;
	v50 =	vtrunc.f32 v32;
	v54 =	vtrunc.f32 v37  }
0x1df: {  	[tilespmem:s12+$0x6000] =	vst v10;
	v3 =	vnsel vm15, $0x42060000, v3;
	v62 =	vcvt.f32.s32 v53;
	v5 =	vcvt.f32.s32 v49  }
0x1e0: {  	[tilespmem:s16+$0xB810] =	vst v18;
	v2 =	vnsel vm6, $0x42060000, v2;
	v51 =	vcvt.f32.s32 v50;
	v58 =	vtrunc.f32 v3  }
0x1e1: {  	s14 =	sadd.s32 $0xFFFFFF00, s2;
	s13 =	sadd.s32 $0x410, s5;
	s10 =	sor.u32 $0x280, s10;
	[tilespmem:s16+$0xC010] =	vst v47;
	v0 =	vnsel vm7, $0x42060000, v0;
	v63 =	vcvt.f32.s32 v54;
	v20 =	vtrunc.f32 v2  }
0x1e2: {  	s11 =	sand.u32 $0x3C00, s14;
	[tilespmem:s10+$0x6000] =	vst v9;
	s10 =	sand.u32 $0x50, s13;
	v30 =	vtrunc.f32 v0;
	v14 =	vcvt.f32.s32 v58  }
0x1e3: {  	v1 =	vsel vm14, $0x0, v40;
	s10 =	sor.u32 s10, s11;
	[tilespmem:s16+$0xC410] =	vst v48;
	v16 =	vcvt.f32.s32 v20;
	v31 =	vcvt.f32.s32 v30  }
0x1e4: {  	s15 =	sand.u32 $0x7, s30;
	[tilespmem:s10+$0x6000] =	vst v22;
	v61 =	vcvt.s32.f32 v14;
	v27 =	vadd.s32 $0xFFFFFFFE, v14;
	v14 =	vadd.s32 $0xFFFFFFFF, v14  }
0x1e5: {  	s11 =	sshll.u32 s15, $0x4;
	[tilespmem:s10+$0x6080] =	vst v21;
	v29 =	vcvt.s32.f32 v16;
	v34 =	vcvt.s32.f32 v31;
	v41 =	vadd.s32 $0xFFFFFFFE, v16  }
0x1e6: {  	s11 =	sadd.s32 s2, s11;
	[tilespmem:s10+$0x6100] =	vst v24;
	v47 =	vadd.s32 $0xFFFFFFFF, v16;
	v55 =	vadd.s32 $0xFFFFFFFF, v31;
	vm8 =	vlt.u32 v27, $0x40  }
0x1e7: {  	[tilespmem:s10+$0x6180] =	vst v25;
	s11 =	sadd.s32 $0xFFFFFF10, s11;
	vm9 =	vlt.u32 v14, $0x40;
	v32 =	vadd.f32 $1.000000000e+00, v61;
	v9 =	vmax.f32 v61, $2.000000000e+00  }
0x1e8: {  	[tilespmem:s10+$0x6200] =	vst v12;
	s18 =	sor.u32 $0x200, s11;
	v33 =	vadd.f32 $1.000000000e+00, v29;
	v35 =	vmax.f32 v29, $2.000000000e+00;
	v9 =	vmin.f32 v9, $6.500000000e+01  }
0x1e9: {  	[tilespmem:s18+$0x6000] =	vst v11;
	v11 =	vmin.f32 v35, $6.500000000e+01;
	v19 =	vmax.f32 v32, $2.000000000e+00;
	v9 =	vmul.f32 $4.096000000e+03, v9  }
0x1ea: {  	s19 =	sadd.s32 $0x420, s5;
	[tilespmem:s16+$0xC020] =	vst v62;
	v36 =	vmax.f32 v33, $2.000000000e+00;
	v39 =	vmul.f32 $6.400000000e+01, v11;
	v37 =	vmin.f32 v19, $6.500000000e+01  }
0x1eb: {  	s20 =	sadd.s32 $0xFFFFFF80, s2;
	[tilespmem:s16+$0xB820] =	vst v5;
	v17 =	vmin.f32 v36, $6.500000000e+01;
	v38 =	vadd.f32 $-8.322000000e+03, v9;
	v5 =	vmul.f32 $4.096000000e+03, v37  }
0x1ec: {  	s10 =	sand.u32 $0x60, s19;
	s11 =	sand.u32 $0x3C00, s20;
	[tilespmem:s16+$0xBC20] =	vst v51;
	v3 =	vsub.f32 v3, v61;
	v2 =	vsub.f32 v2, v29;
	v17 =	vmul.f32 $6.400000000e+01, v17  }
0x1ed: {  	[tilespmem:s16+$0xC420] =	vst v63;
	s10 =	sor.u32 s10, s11;
	v42 =	vmax.f32 v34, $2.000000000e+00;
	v5 =	vadd.f32 $-8.322000000e+03, v5;
	v43 =	vadd.f32 v38, v39  }
0x1ee: {  	[tilespmem:s10+$0x6000] =	vst v56;
	v0 =	vsub.f32 v0, v34;
	v44 =	vmin.f32 v42, $6.400000000e+01;
	v7 =	vadd.f32 v17, v38  }
0x1ef: {  	[tilespmem:s10+$0x6080] =	vst v6;
	vm10 =	vlt.u32 v41, $0x40;
	v46 =	vadd.f32 v43, v44;
	v9 =	vadd.f32 v5, v39  }
0x1f0: {  	[tilespmem:s10+$0x6100] =	vst v57;
	vm11 =	vlt.u32 v47, $0x40;
	v7 =	vadd.f32 v7, v44;
	v5 =	vadd.f32 v5, v17  }
0x1f1: {  	[tilespmem:s10+$0x6180] =	vst v8;
	v28 =	vsub.f32 $1.000000000e+00, v3;
	v48 =	vtrunc.f32 v46;
	v9 =	vadd.f32 v9, v44  }
0x1f2: {  	[tilespmem:s10+$0x6200] =	vst v23;
	v7 =	vtrunc.f32 v7;
	v4 =	vadd.f32 v5, v44;
	v8 =	vcvt.f32.s32 v48  }
0x1f3: {  	[tilespmem:s10+$0x6280] =	vst v1;
	v40 =	vsub.f32 $1.000000000e+00, v2;
	v49 =	vcvt.f32.s32 v7;
	v50 =	vtrunc.f32 v9  }
0x1f4: {  	vm2 =	vmand vm15, vm8;
	v4 =	vtrunc.f32 v4;
	[tilespmem:s16+$0xB830] =	vst v8;
	v5 =	vcvt.f32.s32 v50  }
0x1f5: {  	s22 =	sadd.s32 $0x430, s5;
	v45 =	vnsel vm10, $0x0, v40;
	v51 =	vnsel vm2, $0x0, v28;
	[tilespmem:s16+$0xBC30] =	vst v49;
	v52 =	vcvt.f32.s32 v4  }
0x1f6: {  	s24 =	sand.u32 $0x3C00, s2;
	s10 =	sand.u32 $0x70, s22;
	vm0 =	vmand vm15, vm9;
	v2 =	vnsel vm11, $0x0, v2;
	v54 =	vmul.f32 v45, v51;
	[tilespmem:s16+$0xC030] =	vst v5  }
0x1f7: {  	s31 =	sadd.s32 $0x4, s31;
	v57 =	vadd.s32 $0xFFFFFFFE, v31;
	s10 =	sor.u32 s10, s24;
	v3 =	vnsel vm0, $0x0, v3;
	v56 =	vmul.f32 v51, v2;
	[tilespmem:s16+$0xC430] =	vst v52  }
0x1f8: {  	p2 =	slt.u32 s31, $0x3C;
	vm14 =	veq.s32 v31, $0x1;
	v53 =	vsub.f32 $1.000000000e+00, v0;
	v58 =	vmul.f32 v45, v3;
	[tilespmem:s10+$0x6000] =	vst v54  }
.Ltmp3:
0x1f9: {  	vm12 =	vlt.u32 v55, $0x40;
	vm13 =	vlt.u32 v57, $0x3F;
	v60 =	vmul.f32 v3, v2;
	[tilespmem:s10+$0x6080] =	vst v56;
	(pc) =	sbr.rel @p2 .LBB2_9-.Ltmp3, $4  }
0x1fa: {  	vm15 =	veq.s32 v31, $0x41;
	v59 =	vnsel vm12, $0x0, v0;
	v61 =	vnsel vm13, $0x0, v53;
	[tilespmem:s10+$0x6100] =	vst v58  }
0x1fb: {  	v62 =	vsel vm15, v53, v59;
	v0 =	vsel vm14, v0, v61;
	[tilespmem:s10+$0x6180] =	vst v60  }
0x1fc: {  	s4 =	sadd.s32 $0x100, s4;
	s30 =	sadd.s32 $0x4, s30;
	v63 =	vsel vm14, $0x0, v62;
	[tilespmem:s10+$0x6200] =	vst v0  }
0x1fd: {  	p1 =	por !p1, !p1;
	s5 =	sadd.s32 $0x40, s5;
	s2 =	sadd.s32 $0x200, s2;
	[tilespmem:s10+$0x6280] =	vst v63  }
0x1fe: {  	s2 =	simm.s32 $0xB800;
	s4 =	simm.s32 $0xD800  }
0x1ff: {  	[tilespmem:s4], [sflag:$0x3] =	stream.indirect.gather [spmem:s7], $0x1, s2, s25, $0xb8;
	[tilespmem:$0xE800] =	vst v63  }
0x200: {  	s8 =	simm.s32 $0xBC00;
	s10 =	simm.s32 $0xDC00  }
0x201: {  	[tilespmem:s10], [sflag:$0x3] =	stream.indirect.gather [spmem:s7], $0x1, s8, s25, $0xb8;
	[tilespmem:$0xE800] =	vst v63  }
0x202: {  	s11 =	simm.s32 $0xC000;
	s12 =	simm.s32 $0xE000  }
0x203: {  	[tilespmem:s12], [sflag:$0x3] =	stream.indirect.gather [spmem:s7], $0x1, s11, s25, $0xb8;
	[tilespmem:$0xE800] =	vst v63  }
0x204: {  	s13 =	simm.s32 $0xC400;
	s14 =	simm.s32 $0xE400  }
0x205: {  	[tilespmem:s14], [sflag:$0x3] =	stream.indirect.gather [spmem:s7], $0x1, s13, s25, $0xb8;
	[tilespmem:$0xE800] =	vst v63  }
0x206: {  	_ =	swait.ge [sflag:s23], $0x400  }
0x207: {  	[sflag:s23] =	ssyncset.done $0x0  }
0x208: {  	[sflag:s23] =	ssyncadd.s32 $0xFFFFFC00  }
0x209: {  	_ =	swait.ge [sflag:s23], $0x400  }
0x20a: {  	[sflag:s23] =	ssyncset.done $0x0  }
0x20b: {  	[sflag:s23] =	ssyncadd.s32 $0xFFFFFC00  }
0x20c: {  	_ =	swait.ge [sflag:s23], $0x400  }
0x20d: {  	[sflag:s23] =	ssyncset.done $0x0  }
0x20e: {  	[sflag:s23] =	ssyncadd.s32 $0xFFFFFC00  }
0x20f: {  	_ =	swait.ge [sflag:s23], $0x400  }
0x210: {  	[sflag:s23] =	ssyncset.done $0x0  }
0x211: {  	s15 =	simm.s32 $0xD400;
	[sflag:s23] =	ssyncadd.s32 $0xFFFFFC00  }
0x212: {  	s16 =	simm.s32 $0x0;
	s5 =	simm.s32 $0xD000;
	v0 =	vld [tilespmem:s15+$0x0]  }
0x213: {  	s18 =	simm.s32 $0xC800;
	s14 =	sand.u32 $0x40, s16;
	v2 =	vld [tilespmem:s5+$0x0]  }
0x214: {  	s20 =	sand.u32 $0x380, s16;
	s10 =	simm.s32 $0xCC00;
	s22 =	sor.u32 $0x30, s14;
	v3 =	vld [tilespmem:s18+$0x0]  }
0x215: {  	s11 =	sor.u32 s20, s22;
	v4 =	vld [tilespmem:s10+$0x0]  }
0x216: {  	v5 =	vld [tilespmem:s11+$0xD400]  }
0x217: {  	v7 =	vld [tilespmem:s11+$0xC800]  }
0x218: {  	s24 =	sor.u32 $0x10, s14;
	v8 =	vld [tilespmem:s11+$0xCC00]  }
0x219: {  	s19 =	sand.u32 $0x1C00, s16;
	s12 =	sor.u32 s20, s24;
	v10 =	vld [tilespmem:s11+$0xD000]  }
0x21a: {  	s5 =	sor.u32 $0x6000, s19;
	v11 =	vld [tilespmem:s12+$0xC800]  }
0x21b: {  	v12 =	vld [tilespmem:s12+$0xCC00];
	s4 =	sor.u32 s22, s5  }
0x21c: {  	v6 =	vld [tilespmem:s4+$0x200]  }
0x21d: {  	v9 =	vld [tilespmem:s4+$0x280]  }
0x21e: {  	s15 =	sor.u32 $0x20, s14;
	v13 =	vld [tilespmem:s4+$0x0]  }
0x21f: {  	s13 =	sor.u32 s20, s15;
	v14 =	vld [tilespmem:s4+$0x80]  }
0x220: {  	v17 =	vld [tilespmem:s13+$0xC800]  }
0x221: {  	v19 =	vld [tilespmem:s4+$0x100];
	v15 =	vshll.u32 v3, $0x10  }
0x222: {  	v22 =	vld [tilespmem:s13+$0xCC00];
	v16 =	vshll.u32 v2, $0x10;
	v1 =	vshll.u32 v0, $0x10;
	v3 =	vand.u32 $0xFFFF0000, v3  }
0x223: {  	s6 =	sor.u32 s14, s5;
	v23 =	vld [tilespmem:s4+$0x180];
	v18 =	vshll.u32 v5, $0x10;
	v20 =	vshll.u32 v7, $0x10;
	v7 =	vand.u32 $0xFFFF0000, v7  }
0x224: {  	v25 =	vld [tilespmem:s6+$0x200];
	v21 =	vshll.u32 v8, $0x10;
	v8 =	vand.u32 $0xFFFF0000, v8;
	v24 =	vshll.u32 v10, $0x10  }
0x225: {  	s8 =	sor.u32 s24, s5;
	s5 =	sor.u32 s15, s5;
	v26 =	vld [tilespmem:s6+$0x280];
	v10 =	vand.u32 $0xFFFF0000, v10;
	v20 =	vmul.f32 v20, v6;
	v7 =	vmul.f32 v7, v9  }
0x226: {  	v38 =	vld [tilespmem:s5+$0x280];
	v5 =	vand.u32 $0xFFFF0000, v5;
	v21 =	vmul.f32 v21, v6;
	v8 =	vmul.f32 v8, v9  }
0x227: {  	v28 =	vld [tilespmem:s13+$0xD400];
	v2 =	vand.u32 $0xFFFF0000, v2;
	v24 =	vmul.f32 v24, v6;
	v10 =	vmul.f32 v10, v9  }
0x228: {  	v29 =	vld [tilespmem:s6+$0x80];
	v0 =	vand.u32 $0xFFFF0000, v0;
	v6 =	vmul.f32 v18, v6;
	v5 =	vmul.f32 v5, v9  }
0x229: {  	v39 =	vld [tilespmem:s8+$0x80];
	v18 =	vshll.u32 v11, $0x10;
	v11 =	vand.u32 $0xFFFF0000, v11;
	v15 =	vmul.f32 v15, v25  }
0x22a: {  	v40 =	vld [tilespmem:s6+$0x100];
	v27 =	vshll.u32 v22, $0x10;
	v3 =	vmul.f32 v3, v26;
	v16 =	vmul.f32 v16, v25  }
0x22b: {  	v41 =	vld [tilespmem:s5+$0x100];
	v22 =	vand.u32 $0xFFFF0000, v22;
	v2 =	vmul.f32 v2, v26;
	v1 =	vmul.f32 v1, v25  }
0x22c: {  	v9 =	vld [tilespmem:s8+$0x280];
	v0 =	vmul.f32 v0, v26;
	v7 =	vadd.f32 v7, v20;
	v8 =	vadd.f32 v8, v21  }
0x22d: {  	v42 =	vld [tilespmem:s5+$0x180];
	v21 =	vshll.u32 v4, $0x10;
	v10 =	vadd.f32 v10, v24;
	v5 =	vadd.f32 v5, v6  }
0x22e: {  	v20 =	vld [tilespmem:s8+$0x200];
	v4 =	vand.u32 $0xFFFF0000, v4;
	v3 =	vadd.f32 v3, v15;
	v16 =	vadd.f32 v2, v16  }
0x22f: {  	v6 =	vld [tilespmem:s12+$0xD000];
	v0 =	vadd.f32 v0, v1;
	v21 =	vmul.f32 v21, v25;
	v4 =	vmul.f32 v4, v26  }
0x230: {  	v15 =	vld [tilespmem:s8+$0x0];
	v7 =	vmul.f32 v7, v13;
	v8 =	vmul.f32 v8, v14;
	v14 =	vshll.u32 v12, $0x10  }
0x231: {  	s10 =	simm.s32 $0xD440;
	v13 =	vld [tilespmem:s5+$0x200];
	v12 =	vand.u32 $0xFFFF0000, v12;
	v5 =	vmul.f32 v5, v23;
	v11 =	vmul.f32 v11, v9  }
0x232: {  	v2 =	vld [tilespmem:s10+$0x0];
	v12 =	vmul.f32 v12, v9;
	v7 =	vadd.f32 v8, v7;
	v8 =	vmul.f32 v10, v19  }
0x233: {  	v23 =	vld [tilespmem:s12+$0xD400];
	v4 =	vadd.f32 v4, v21;
	v10 =	vshll.u32 v17, $0x10;
	v17 =	vand.u32 $0xFFFF0000, v17  }
0x234: {  	v18 =	vmul.f32 v18, v20;
	v14 =	vmul.f32 v14, v20;
	v7 =	vadd.f32 v8, v7;
	v8 =	vld [tilespmem:s6+$0x0]  }
0x235: {  	v19 =	vld [tilespmem:s13+$0xD000];
	v17 =	vmul.f32 v17, v38;
	v30 =	vshll.u32 v6, $0x10;
	v6 =	vand.u32 $0xFFFF0000, v6  }
0x236: {  	v10 =	vmul.f32 v10, v13;
	v11 =	vadd.f32 v11, v18;
	v18 =	vmul.f32 v22, v38;
	v22 =	vld [tilespmem:s5+$0x0]  }
0x237: {  	v6 =	vmul.f32 v6, v9;
	v21 =	vmul.f32 v27, v13;
	v12 =	vadd.f32 v12, v14;
	v14 =	vld [tilespmem:s5+$0x80]  }
0x238: {  	v10 =	vadd.f32 v17, v10;
	v17 =	vmul.f32 v30, v20;
	v11 =	vmul.f32 v11, v15;
	v15 =	vld [tilespmem:s6+$0x180]  }
0x239: {  	v16 =	vmul.f32 v16, v40;
	v18 =	vadd.f32 v18, v21;
	v3 =	vmul.f32 v3, v8;
	v8 =	vld [tilespmem:s8+$0x100]  }
0x23a: {  	s2 =	simm.s32 $0x40;
	s16 =	simm.s32 $0x200;
	s5 =	simm.s32 $0xD040;
	v21 =	vshll.u32 v19, $0x10;
	v12 =	vmul.f32 v12, v39;
	v6 =	vadd.f32 v6, v17;
	v17 =	vld [tilespmem:s8+$0x180]  }
0x23b: {  	s14 =	sand.u32 $0x40, s2;
	s4 =	simm.s32 $0xC840;
	v19 =	vand.u32 $0xFFFF0000, v19;
	s6 =	sand.u32 $0x1C00, s16;
	v21 =	vmul.f32 v21, v13;
	v10 =	vmul.f32 v10, v22;
	v22 =	vld [tilespmem:s5+$0x0]  }
0x23c: {  	s30 =	simm.s32 $0xCC40;
	s24 =	sor.u32 $0x30, s14;
	v19 =	vmul.f32 v19, v38;
	s22 =	sor.u32 $0x6000, s6;
	v11 =	vadd.f32 v12, v11;
	v12 =	vmul.f32 v18, v14;
	v14 =	vld [tilespmem:s4+$0x0]  }
0x23d: {  	v4 =	vmul.f32 v4, v29;
	v31 =	vshll.u32 v23, $0x10;
	v23 =	vand.u32 $0xFFFF0000, v23;
	s10 =	sor.u32 s24, s22;
	v18 =	vld [tilespmem:s30+$0x0]  }
0x23e: {  	s18 =	sand.u32 $0x380, s2;
	v9 =	vmul.f32 v23, v9;
	v20 =	vmul.f32 v31, v20;
	v19 =	vadd.f32 v19, v21;
	v43 =	vld [tilespmem:s10+$0x100]  }
0x23f: {  	s8 =	sor.u32 s18, s24;
	v21 =	vshll.u32 v28, $0x10;
	v44 =	vld [tilespmem:s10+$0x180];
	v3 =	vadd.f32 v4, v3;
	v4 =	vand.u32 $0xFFFF0000, v28  }
0x240: {  	v13 =	vmul.f32 v21, v13;
	v4 =	vmul.f32 v4, v38;
	v10 =	vadd.f32 v12, v10;
	v12 =	vld [tilespmem:s8+$0xD400]  }
0x241: {  	v6 =	vmul.f32 v6, v8;
	v8 =	vadd.f32 v9, v20;
	v9 =	vmul.f32 v19, v41;
	v19 =	vld [tilespmem:s10+$0x200]  }
0x242: {  	v5 =	vadd.f32 v5, v7;
	v1 =	vadd.f32 v4, v13;
	v13 =	vld [tilespmem:s8+$0xC800]  }
0x243: {  	v0 =	vmul.f32 v0, v15;
	v3 =	vadd.f32 v16, v3;
	v20 =	vld [tilespmem:s10+$0x80];
	v15 =	vshll.u32 v14, $0x10  }
0x244: {  	v4 =	vadd.f32 v6, v11;
	v6 =	vmul.f32 v8, v17;
	v8 =	vadd.f32 v9, v10;
	v9 =	vld [tilespmem:s8+$0xCC00]  }
0x245: {  	s19 =	sor.u32 $0x10, s14;
	v16 =	vshll.u32 v22, $0x10;
	v14 =	vand.u32 $0xFFFF0000, v14;
	v1 =	vmul.f32 v1, v42;
	v10 =	vld [tilespmem:s10+$0x280]  }
0x246: {  	s31 =	sor.u32 s18, s19;
	v17 =	vshll.u32 v18, $0x10;
	v7 =	vadd.f32 v6, v4;
	v6 =	vld [tilespmem:s8+$0xD000];
	v4 =	vadd.f32 v0, v3  }
0x247: {  	s20 =	sor.u32 $0x20, s14;
	v11 =	vadd.f32 v1, v8;
	v8 =	vld [tilespmem:s31+$0xC800];
	v0 =	vshll.u32 v2, $0x10;
	v1 =	vshll.u32 v12, $0x10  }
0x248: {  	[tilespmem:s11+$0xA000] =	vst v5;
	s11 =	simm.s32 $0xA000;
	v3 =	vld [tilespmem:s10+$0x0];
	s10 =	sor.u32 s18, s20;
	v12 =	vand.u32 $0xFFFF0000, v12;
	v21 =	vshll.u32 v13, $0x10;
	v13 =	vand.u32 $0xFFFF0000, v13  }
0x249: {  	v47 =	vld [tilespmem:s10+$0xC800];
	v21 =	vmul.f32 v21, v19;
	[tilespmem:s11+$0x0] =	vst v4;
	v4 =	vand.u32 $0xFFFF0000, v2;
	v23 =	vshll.u32 v9, $0x10  }
0x24a: {  	v48 =	vld [tilespmem:s10+$0xCC00];
	v9 =	vand.u32 $0xFFFF0000, v9;
	v13 =	vmul.f32 v13, v10;
	v23 =	vmul.f32 v23, v19  }
0x24b: {  	v45 =	vld [tilespmem:s31+$0xCC00];
	s19 =	sor.u32 s19, s22;
	s18 =	sor.u32 s14, s22;
	s22 =	sor.u32 s20, s22;
	v9 =	vmul.f32 v9, v10;
	v46 =	vshll.u32 v6, $0x10;
	v6 =	vand.u32 $0xFFFF0000, v6  }
0x24c: {  	v53 =	vld [tilespmem:s22+$0x280];
	v13 =	vadd.f32 v13, v21;
	v21 =	vshll.u32 v8, $0x10;
	v27 =	vmul.f32 v46, v19  }
0x24d: {  	v8 =	vand.u32 $0xFFFF0000, v8;
	v6 =	vmul.f32 v6, v10;
	v19 =	vmul.f32 v1, v19;
	v1 =	vld [tilespmem:s18+$0x200]  }
0x24e: {  	v9 =	vadd.f32 v9, v23;
	v10 =	vmul.f32 v12, v10;
	v23 =	vld [tilespmem:s19+$0x200];
	v49 =	vand.u32 $0xFFFF0000, v47  }
0x24f: {  	v51 =	vld [tilespmem:s22+$0x200];
	v50 =	vshll.u32 v48, $0x10;
	v52 =	vand.u32 $0xFFFF0000, v48;
	v6 =	vadd.f32 v6, v27  }
0x250: {  	v12 =	vmul.f32 v13, v3;
	v3 =	vld [tilespmem:s18+$0x280];
	v13 =	vshll.u32 v45, $0x10;
	v9 =	vmul.f32 v9, v20  }
0x251: {  	v56 =	vmul.f32 v52, v53;
	v10 =	vadd.f32 v10, v19;
	v19 =	vld [tilespmem:s19+$0x280];
	v6 =	vmul.f32 v6, v43  }
0x252: {  	v9 =	vadd.f32 v9, v12;
	v15 =	vmul.f32 v15, v1;
	v17 =	vmul.f32 v17, v1  }
0x253: {  	v57 =	vld [tilespmem:s19+$0x0];
	v12 =	vshll.u32 v47, $0x10;
	v21 =	vmul.f32 v21, v23;
	v13 =	vmul.f32 v13, v23  }
0x254: {  	v55 =	vld [tilespmem:s18+$0x80];
	v12 =	vmul.f32 v12, v51;
	v16 =	vmul.f32 v16, v1;
	v6 =	vadd.f32 v6, v9  }
0x255: {  	v9 =	vmul.f32 v10, v44;
	v10 =	vand.u32 $0xFFFF0000, v18;
	v18 =	vld [tilespmem:s31+$0xD000];
	v14 =	vmul.f32 v14, v3  }
0x256: {  	v59 =	vld [tilespmem:s22+$0x0];
	v20 =	vand.u32 $0xFFFF0000, v45;
	v10 =	vmul.f32 v10, v3;
	v8 =	vmul.f32 v8, v19  }
0x257: {  	v20 =	vmul.f32 v20, v19;
	v54 =	vadd.f32 v9, v6;
	v6 =	vld [tilespmem:s10+$0xD000];
	v9 =	vand.u32 $0xFFFF0000, v22  }
0x258: {  	v22 =	vld [tilespmem:s18+$0x0];
	v14 =	vadd.f32 v14, v15;
	v10 =	vadd.f32 v10, v17;
	v17 =	vmul.f32 v50, v51  }
0x259: {  	v15 =	vld [tilespmem:s31+$0xD400];
	v8 =	vadd.f32 v8, v21;
	v21 =	vmul.f32 v49, v53;
	v13 =	vadd.f32 v20, v13  }
0x25a: {  	v20 =	vld [tilespmem:s10+$0xD400];
	v61 =	vmul.f32 v9, v3;
	v58 =	vshll.u32 v18, $0x10;
	v18 =	vand.u32 $0xFFFF0000, v18  }
0x25b: {  	v21 =	vadd.f32 v21, v12;
	v12 =	vld [tilespmem:s19+$0x80];
	v17 =	vadd.f32 v56, v17;
	v10 =	vmul.f32 v10, v55  }
0x25c: {  	v32 =	vld [tilespmem:s22+$0x80];
	v28 =	vmul.f32 v8, v57;
	v8 =	vadd.f32 v61, v16;
	v30 =	vmul.f32 v58, v23  }
0x25d: {  	v18 =	vmul.f32 v18, v19;
	v22 =	vmul.f32 v14, v22;
	v14 =	vshll.u32 v6, $0x10  }
0x25e: {  	v5 =	vld [tilespmem:s18+$0x180];
	v6 =	vand.u32 $0xFFFF0000, v6;
	v60 =	vshll.u32 v15, $0x10;
	v14 =	vmul.f32 v14, v51  }
0x25f: {  	v33 =	vmul.f32 v6, v53;
	v9 =	vadd.f32 v18, v30;
	v18 =	vand.u32 $0xFFFF0000, v15;
	v15 =	vld [tilespmem:s22+$0x100]  }
0x260: {  	v62 =	vshll.u32 v20, $0x10;
	v16 =	vmul.f32 v60, v23;
	v13 =	vmul.f32 v13, v12;
	v12 =	vld [tilespmem:s19+$0x100]  }
0x261: {  	[tilespmem:s12+$0xA000] =	vst v7;
	v6 =	vld [tilespmem:s18+$0x100];
	v63 =	vand.u32 $0xFFFF0000, v20;
	v20 =	vmul.f32 v21, v59;
	v21 =	vmul.f32 v17, v32  }
0x262: {  	[tilespmem:s13+$0xA000] =	vst v11;
	v7 =	vadd.f32 v10, v22;
	v10 =	vld [tilespmem:s19+$0x180];
	v19 =	vmul.f32 v18, v19;
	v17 =	vmul.f32 v62, v51  }
0x263: {  	s12 =	simm.s32 $0x4;
	v11 =	vld [tilespmem:s22+$0x180];
	s13 =	simm.s32 $0xD480;
	[tilespmem:s8+$0xA000] =	vst v54;
	v18 =	vmul.f32 v63, v53;
	v14 =	vadd.f32 v33, v14;
	v13 =	vadd.f32 v13, v28  }
.LBB2_11:
0x264: {  	v2 =	vld [tilespmem:s13+$0x0];
	v0 =	vmul.f32 v0, v1;
	v1 =	vmul.f32 v4, v3;
	v3 =	vadd.f32 v21, v20;
	s2 =	sadd.s32 $0x40, s2;
	s4 =	sadd.s32 $0x40, s4;
	s5 =	sadd.s32 $0x40, s5  }
0x265: {  	v9 =	vmul.f32 v9, v12;
	v12 =	vadd.f32 v19, v16;
	s16 =	sadd.s32 $0x200, s16;
	s30 =	sadd.s32 $0x40, s30;
	s14 =	sand.u32 $0x40, s2;
	v4 =	vld [tilespmem:s5+$0x0];
	v14 =	vmul.f32 v14, v15  }
0x266: {  	v6 =	vmul.f32 v8, v6;
	s15 =	sand.u32 $0x1C00, s16;
	s19 =	sand.u32 $0x380, s2;
	v15 =	vld [tilespmem:s4+$0x0];
	s18 =	sor.u32 $0x30, s14;
	v0 =	vadd.f32 v1, v0;
	v1 =	vadd.f32 v18, v17  }
0x267: {  	s20 =	sor.u32 $0x6000, s15;
	s22 =	sor.u32 $0x10, s14;
	v9 =	vadd.f32 v9, v13;
	v8 =	vld [tilespmem:s30+$0x0];
	s24 =	sor.u32 s19, s18;
	v10 =	vmul.f32 v12, v10;
	v3 =	vadd.f32 v14, v3  }
0x268: {  	s8 =	sor.u32 $0x20, s14;
	v6 =	vadd.f32 v6, v7;
	s6 =	sor.u32 s19, s22;
	s18 =	sor.u32 s18, s20;
	v12 =	vld [tilespmem:s24+$0xD400];
	v0 =	vmul.f32 v0, v5;
	v1 =	vmul.f32 v1, v11  }
0x269: {  	s12 =	sadd.s32 $0x4, s12;
	s15 =	sor.u32 s14, s20;
	s19 =	sor.u32 s19, s8;
	v5 =	vld [tilespmem:s18+$0x200];
	v7 =	vadd.f32 v10, v9  }
0x26a: {  	p1 =	slt.u32 s12, $0x3C;
	s22 =	sor.u32 s22, s20;
	s14 =	sor.u32 s8, s20;
	v9 =	vld [tilespmem:s24+$0xC800];
	v0 =	vadd.f32 v0, v6;
	v1 =	vadd.f32 v1, v3  }
0x26b: {  	v3 =	vld [tilespmem:s24+$0xCC00];
	[tilespmem:s31+$0xA000] =	vst v7;
	s31 =	smov.u32 s6  }
0x26c: {  	s11 =	sadd.s32 $0x40, s11;
	v6 =	vld [tilespmem:s18+$0x280];
	[tilespmem:s10+$0xA000] =	vst v1;
	s10 =	smov.u32 s19  }
0x26d: {  	v1 =	vld [tilespmem:s24+$0xD000];
	[tilespmem:s11+$0x0] =	vst v0  }
0x26e: {  	v10 =	vshll.u32 v4, $0x10;
	v7 =	vshll.u32 v15, $0x10;
	v0 =	vshll.u32 v2, $0x10;
	v11 =	vld [tilespmem:s31+$0xC800]  }
0x26f: {  	v13 =	vand.u32 $0xFFFF0000, v15;
	v14 =	vshll.u32 v8, $0x10;
	v16 =	vshll.u32 v12, $0x10;
	v15 =	vld [tilespmem:s31+$0xCC00]  }
0x270: {  	v18 =	vshll.u32 v9, $0x10;
	v9 =	vand.u32 $0xFFFF0000, v9;
	v17 =	vld [tilespmem:s18+$0x0];
	v19 =	vshll.u32 v3, $0x10  }
0x271: {  	v3 =	vand.u32 $0xFFFF0000, v3;
	v18 =	vmul.f32 v18, v5;
	v20 =	vld [tilespmem:s18+$0x80];
	v9 =	vmul.f32 v9, v6  }
0x272: {  	v19 =	vmul.f32 v19, v5;
	v3 =	vmul.f32 v3, v6;
	v21 =	vld [tilespmem:s10+$0xC800];
	v22 =	vshll.u32 v1, $0x10  }
0x273: {  	v12 =	vand.u32 $0xFFFF0000, v12;
	v1 =	vand.u32 $0xFFFF0000, v1;
	v23 =	vld [tilespmem:s18+$0x100];
	v22 =	vmul.f32 v22, v5  }
0x274: {  	v9 =	vadd.f32 v9, v18;
	v3 =	vadd.f32 v3, v19;
	v18 =	vmul.f32 v1, v6;
	v24 =	vld [tilespmem:s10+$0xCC00]  }
0x275: {  	v19 =	vshll.u32 v11, $0x10;
	v5 =	vmul.f32 v16, v5;
	v6 =	vmul.f32 v12, v6;
	v25 =	vld [tilespmem:s18+$0x180]  }
0x276: {  	v9 =	vmul.f32 v9, v17;
	v16 =	vadd.f32 v18, v22;
	v1 =	vld [tilespmem:s15+$0x200];
	v12 =	vmul.f32 v3, v20  }
0x277: {  	v11 =	vand.u32 $0xFFFF0000, v11;
	v17 =	vshll.u32 v15, $0x10;
	v15 =	vand.u32 $0xFFFF0000, v15;
	v3 =	vld [tilespmem:s15+$0x280]  }
0x278: {  	v5 =	vadd.f32 v6, v5;
	v18 =	vld [tilespmem:s22+$0x200];
	v9 =	vadd.f32 v12, v9;
	v12 =	vmul.f32 v16, v23  }
0x279: {  	v6 =	vshll.u32 v21, $0x10;
	v16 =	vand.u32 $0xFFFF0000, v21;
	v22 =	vld [tilespmem:s22+$0x280];
	v20 =	vshll.u32 v24, $0x10  }
0x27a: {  	v21 =	vand.u32 $0xFFFF0000, v24;
	v23 =	vld [tilespmem:s14+$0x200];
	v9 =	vadd.f32 v12, v9;
	v5 =	vmul.f32 v5, v25  }
0x27b: {  	v8 =	vand.u32 $0xFFFF0000, v8;
	v7 =	vmul.f32 v7, v1;
	v12 =	vmul.f32 v14, v1;
	v24 =	vld [tilespmem:s14+$0x280]  }
0x27c: {  	v13 =	vmul.f32 v13, v3;
	v8 =	vmul.f32 v8, v3;
	v14 =	vld [tilespmem:s31+$0xD000];
	v5 =	vadd.f32 v5, v9  }
0x27d: {  	v4 =	vand.u32 $0xFFFF0000, v4;
	v9 =	vmul.f32 v19, v18;
	v17 =	vmul.f32 v17, v18;
	v19 =	vld [tilespmem:s10+$0xD000]  }
0x27e: {  	v7 =	vadd.f32 v13, v7;
	v13 =	vld [tilespmem:s31+$0xD400];
	v11 =	vmul.f32 v11, v22;
	v15 =	vmul.f32 v15, v22;
	[tilespmem:s24+$0xA000] =	vst v5  }
0x27f: {  	v5 =	vadd.f32 v8, v12;
	v8 =	vld [tilespmem:s10+$0xD400];
	v6 =	vmul.f32 v6, v23;
	v12 =	vmul.f32 v20, v23  }
0x280: {  	v20 =	vld [tilespmem:s15+$0x0];
	v9 =	vadd.f32 v11, v9;
	v11 =	vmul.f32 v16, v24;
	v16 =	vmul.f32 v21, v24  }
0x281: {  	v15 =	vadd.f32 v15, v17;
	v21 =	vld [tilespmem:s15+$0x80];
	v25 =	vshll.u32 v14, $0x10;
	v14 =	vand.u32 $0xFFFF0000, v14  }
0x282: {  	v17 =	vld [tilespmem:s22+$0x0];
	v26 =	vshll.u32 v19, $0x10;
	v19 =	vand.u32 $0xFFFF0000, v19;
	v11 =	vadd.f32 v11, v6  }
0x283: {  	v25 =	vmul.f32 v25, v18;
	v14 =	vmul.f32 v14, v22;
	v28 =	vadd.f32 v16, v12;
	v27 =	vld [tilespmem:s22+$0x80]  }
0x284: {  	v16 =	vshll.u32 v13, $0x10;
	v26 =	vmul.f32 v26, v23;
	v19 =	vmul.f32 v19, v24;
	v29 =	vld [tilespmem:s14+$0x0]  }
0x285: {  	v10 =	vmul.f32 v10, v1;
	v4 =	vmul.f32 v4, v3;
	v30 =	vand.u32 $0xFFFF0000, v13;
	v31 =	vld [tilespmem:s14+$0x80]  }
0x286: {  	v32 =	vshll.u32 v8, $0x10;
	v33 =	vand.u32 $0xFFFF0000, v8;
	v7 =	vmul.f32 v7, v20;
	v6 =	vld [tilespmem:s15+$0x100]  }
.Ltmp4:
0x287: {  	v13 =	vmul.f32 v5, v21;
	v12 =	vld [tilespmem:s22+$0x100];
	v17 =	vmul.f32 v9, v17;
	v9 =	vadd.f32 v14, v25;
	(pc) =	sbr.rel @p1 .LBB2_11-.Ltmp4, $4  }
0x288: {  	v8 =	vadd.f32 v4, v10;
	v14 =	vadd.f32 v19, v26;
	v4 =	vmul.f32 v15, v27;
	v15 =	vld [tilespmem:s14+$0x100]  }
0x289: {  	v16 =	vmul.f32 v16, v18;
	v7 =	vadd.f32 v13, v7;
	v5 =	vld [tilespmem:s15+$0x180];
	v20 =	vmul.f32 v11, v29  }
0x28a: {  	v19 =	vmul.f32 v30, v22;
	v10 =	vld [tilespmem:s22+$0x180];
	v13 =	vadd.f32 v4, v17;
	v21 =	vmul.f32 v28, v31  }
0x28b: {  	s13 =	sadd.s32 $0x40, s13;
	v18 =	vmul.f32 v33, v24;
	v4 =	vand.u32 $0xFFFF0000, v2;
	v17 =	vmul.f32 v32, v23;
	v11 =	vld [tilespmem:s14+$0x180]  }
0x28c: {  	v0 =	vmul.f32 v0, v1;
	v56 =	vmul.f32 v4, v3  }
0x28d: {  	v2 =	vadd.f32 v21, v20;
	v57 =	vmul.f32 v9, v12;
	v58 =	vadd.f32 v19, v16  }
0x28e: {  	v6 =	vmul.f32 v8, v6;
	v59 =	vmul.f32 v14, v15;
	v60 =	vadd.f32 v18, v17  }
0x28f: {  	v0 =	vadd.f32 v56, v0;
	v61 =	vadd.f32 v57, v13;
	v62 =	vmul.f32 v58, v10  }
0x290: {  	v2 =	vadd.f32 v59, v2;
	v63 =	vmul.f32 v60, v11  }
0x291: {  	v6 =	vadd.f32 v6, v7;
	v0 =	vmul.f32 v0, v5;
	v1 =	vadd.f32 v62, v61  }
0x292: {  	v2 =	vadd.f32 v63, v2  }
0x293: {  	s2 =	sadd.s32 $0x40, s11;
	s28 =	sadd.s32 $0x1, s28;
	v0 =	vadd.f32 v0, v6;
	[tilespmem:s31+$0xA000] =	vst v1  }
0x294: {  	s8 =	simm.s32 $0x0;
	p1 =	sne.s32 s28, $0x40;
	s31 =	rddreg [dreg:$0x5];
	[tilespmem:s10+$0xA000] =	vst v2  }
.Ltmp5:
0x295: {  	s4 =	simm.s32 $0xA000;
	[tilespmem:s2+$0x0] =	vst v0;
	s2 =	sadd.s32 s31, s29;
	(pc) =	sbr.rel @p1 .LBB2_2-.Ltmp5, $4  }
0x296: {  	[hbm4b:s2+s8] =	stream.linear.scatter [tilespmem:s4], [sflag:$0x4], $0x400, $0x38;
	[tilespmem:$0xE800] =	vst v63  }
0x297: {  	_ =	swait.ge [sflag:s17], $0x400  }
0x298: {  	[sflag:s17] =	ssyncset.done $0x0  }
0x299: {  	[sflag:s17] =	ssyncadd.s32 $0xFFFFFC00  }
0x29a: {  	_ =	swait.ge [sflag:s26], $0x400  }
0x29b: {  	[sflag:s26] =	ssyncset.done $0x0  }
0x29c: {  	[sflag:s26] =	ssyncadd.s32 $0xFFFFFC00  }
0x29d: {  	_ =	swait.ge [sflag:s26], $0x400  }
0x29e: {  	[sflag:s26] =	ssyncset.done $0x0  }
0x29f: {  	[sflag:s26] =	ssyncadd.s32 $0xFFFFFC00  }
0x2a0: {  	_ =	swait.ge [sflag:s26], $0x400  }
0x2a1: {  	[sflag:s26] =	ssyncset.done $0x0  }
0x2a2: {  	[sflag:s26] =	ssyncadd.s32 $0xFFFFFC00  }
0x2a3: {  	_ =	swait.ge [sflag:s26], $0x400  }
0x2a4: {  	[sflag:s26] =	ssyncset.done $0x0  }
0x2a5: {  	s2 =	simm.s32 $0x0;
	[sflag:s26] =	ssyncadd.s32 $0xFFFFFC00  }
0x2a6: {  	s4 =	simm.s32 $0x430;
	s5 =	simm.s32 $0x2180;
	v0 =	vld [tilespmem:s2+$0xE430]  }
0x2a7: {  	s6 =	sand.u32 $0x70, s4;
	s5 =	sand.u32 $0x3C00, s5;
	v1 =	vld [tilespmem:s2+$0xD830]  }
0x2a8: {  	s6 =	sor.u32 s6, s5;
	v2 =	vld [tilespmem:s2+$0xDC30]  }
0x2a9: {  	v3 =	vld [tilespmem:s6+$0x6200]  }
0x2aa: {  	v4 =	vld [tilespmem:s6+$0x6280]  }
0x2ab: {  	v5 =	vld [tilespmem:s2+$0xE030]  }
0x2ac: {  	v6 =	vld [tilespmem:s2+$0xD800]  }
0x2ad: {  	v7 =	vld [tilespmem:s2+$0xDC00]  }
0x2ae: {  	v8 =	vld [tilespmem:s6+$0x6000]  }
0x2af: {  	v21 =	vld [tilespmem:s2+$0xE400]  }
0x2b0: {  	v11 =	vld [tilespmem:s6+$0x6080]  }
0x2b1: {  	s8 =	simm.s32 $0x0;
	s22 =	simm.s32 $0x2080;
	s5 =	simm.s32 $0x2000;
	v12 =	vld [tilespmem:s2+$0xD810];
	v9 =	vshll.u32 v1, $0x10;
	v1 =	vand.u32 $0xFFFF0000, v1  }
0x2b2: {  	s10 =	simm.s32 $0x410;
	s11 =	sand.u32 $0x40, s8;
	s20 =	sand.u32 $0x3C00, s5;
	v13 =	vld [tilespmem:s6+$0x6100];
	v10 =	vshll.u32 v2, $0x10;
	v2 =	vand.u32 $0xFFFF0000, v2;
	v14 =	vshll.u32 v0, $0x10  }
0x2b3: {  	s24 =	sand.u32 $0x50, s10;
	s8 =	sand.u32 $0x3C00, s22;
	s12 =	sor.u32 s11, s20;
	v16 =	vld [tilespmem:s2+$0xDC10];
	v15 =	vshll.u32 v5, $0x10;
	v5 =	vand.u32 $0xFFFF0000, v5;
	v0 =	vand.u32 $0xFFFF0000, v0  }
0x2b4: {  	s13 =	sor.u32 s24, s8;
	v17 =	vld [tilespmem:s12+$0x6280];
	v26 =	vshll.u32 v21, $0x10;
	v9 =	vmul.f32 v9, v3;
	v1 =	vmul.f32 v1, v4  }
0x2b5: {  	v19 =	vld [tilespmem:s13+$0x6200];
	v21 =	vand.u32 $0xFFFF0000, v21;
	v10 =	vmul.f32 v10, v3;
	v2 =	vmul.f32 v2, v4  }
0x2b6: {  	v15 =	vmul.f32 v15, v3;
	v5 =	vmul.f32 v5, v4;
	v1 =	vadd.f32 v1, v9;
	v9 =	vld [tilespmem:s6+$0x6180]  }
0x2b7: {  	v3 =	vmul.f32 v14, v3;
	v0 =	vmul.f32 v0, v4;
	v2 =	vadd.f32 v2, v10;
	v10 =	vld [tilespmem:s2+$0xD820]  }
0x2b8: {  	v14 =	vshll.u32 v6, $0x10;
	v4 =	vadd.f32 v5, v15;
	v5 =	vand.u32 $0xFFFF0000, v6;
	v6 =	vld [tilespmem:s12+$0x6200]  }
0x2b9: {  	v3 =	vadd.f32 v0, v3;
	v0 =	vld [tilespmem:s13+$0x6280];
	v1 =	vmul.f32 v1, v8;
	v2 =	vmul.f32 v2, v11  }
0x2ba: {  	v15 =	vand.u32 $0xFFFF0000, v16;
	v5 =	vmul.f32 v5, v17;
	v11 =	vshll.u32 v7, $0x10  }
0x2bb: {  	s28 =	simm.s32 $0x420;
	s14 =	simm.s32 $0x2100;
	v20 =	vld [tilespmem:s2+$0xE000];
	v7 =	vand.u32 $0xFFFF0000, v7;
	v1 =	vadd.f32 v2, v1;
	v2 =	vmul.f32 v4, v13  }
0x2bc: {  	s29 =	sand.u32 $0x60, s28;
	s30 =	sand.u32 $0x3C00, s14;
	v8 =	vld [tilespmem:s2+$0xDC20];
	v4 =	vshll.u32 v12, $0x10;
	v12 =	vand.u32 $0xFFFF0000, v12;
	v13 =	vshll.u32 v16, $0x10  }
0x2bd: {  	s10 =	sor.u32 s29, s30;
	v27 =	vld [tilespmem:s13+$0x6000];
	v3 =	vmul.f32 v3, v9;
	v9 =	vshll.u32 v10, $0x10;
	v14 =	vmul.f32 v14, v6  }
0x2be: {  	v4 =	vmul.f32 v4, v19;
	v12 =	vmul.f32 v12, v0;
	v16 =	vadd.f32 v2, v1;
	v1 =	vld [tilespmem:s10+$0x6200]  }
0x2bf: {  	v10 =	vand.u32 $0xFFFF0000, v10;
	v13 =	vmul.f32 v13, v19;
	v15 =	vmul.f32 v15, v0;
	v2 =	vld [tilespmem:s10+$0x6280]  }
0x2c0: {  	v12 =	vadd.f32 v12, v4;
	v16 =	vadd.f32 v3, v16;
	v3 =	vmul.f32 v7, v17;
	v7 =	vld [tilespmem:s2+$0xE010]  }
0x2c1: {  	v11 =	vmul.f32 v11, v6;
	v18 =	vshll.u32 v8, $0x10;
	v5 =	vadd.f32 v5, v14;
	v14 =	vld [tilespmem:s2+$0xE020]  }
0x2c2: {  	v22 =	vld [tilespmem:s2+$0xE420];
	v8 =	vand.u32 $0xFFFF0000, v8;
	v15 =	vadd.f32 v15, v13;
	v27 =	vmul.f32 v12, v27  }
0x2c3: {  	v28 =	vld [tilespmem:s13+$0x6080];
	v11 =	vadd.f32 v3, v11;
	v3 =	vmul.f32 v9, v1;
	v9 =	vmul.f32 v18, v1  }
0x2c4: {  	v31 =	vld [tilespmem:s10+$0x6000];
	v4 =	vmul.f32 v10, v2;
	v10 =	vshll.u32 v20, $0x10;
	v20 =	vand.u32 $0xFFFF0000, v20  }
0x2c5: {  	v13 =	vld [tilespmem:s12+$0x6000];
	v8 =	vmul.f32 v8, v2;
	v20 =	vmul.f32 v20, v17;
	v23 =	vshll.u32 v7, $0x10  }
0x2c6: {  	v18 =	vld [tilespmem:s2+$0xE410];
	v7 =	vand.u32 $0xFFFF0000, v7;
	v24 =	vadd.f32 v4, v3;
	v3 =	vshll.u32 v14, $0x10  }
0x2c7: {  	v4 =	vld [tilespmem:s12+$0x6080];
	v14 =	vand.u32 $0xFFFF0000, v14;
	v25 =	vadd.f32 v8, v9;
	v8 =	vmul.f32 v10, v6  }
0x2c8: {  	v10 =	vshll.u32 v22, $0x10;
	v23 =	vmul.f32 v23, v19;
	v29 =	vmul.f32 v7, v0  }
0x2c9: {  	v33 =	vld [tilespmem:s10+$0x6080];
	v32 =	vmul.f32 v3, v1;
	v14 =	vmul.f32 v14, v2;
	v3 =	vand.u32 $0xFFFF0000, v22  }
0x2ca: {  	v22 =	vmul.f32 v5, v13;
	v7 =	vld [tilespmem:s12+$0x6100];
	v13 =	vadd.f32 v20, v8;
	v20 =	vmul.f32 v21, v17  }
0x2cb: {  	v17 =	vmul.f32 v24, v31;
	v5 =	vadd.f32 v14, v32;
	v14 =	vmul.f32 v15, v28;
	v15 =	vld [tilespmem:s10+$0x6100]  }
0x2cc: {  	s31 =	simm.s32 $0x400;
	v30 =	vshll.u32 v18, $0x10;
	v9 =	vand.u32 $0xFFFF0000, v18;
	v11 =	vmul.f32 v11, v4;
	v4 =	vld [tilespmem:s13+$0x6100]  }
0x2cd: {  	s6 =	sand.u32 $0x780, s31;
	v12 =	vld [tilespmem:s12+$0x6180];
	[tilespmem:s2+$0xA430] =	vst v16;
	v8 =	vadd.f32 v29, v23;
	v18 =	vmul.f32 v26, v6;
	v16 =	vmul.f32 v30, v19  }
0x2ce: {  	s11 =	sor.u32 s11, s6;
	s12 =	simm.s32 $0x0;
	v19 =	vmul.f32 v25, v33;
	v14 =	vadd.f32 v14, v27;
	v6 =	vadd.f32 v11, v22;
	v11 =	vld [tilespmem:s13+$0x6180];
	s13 =	simm.s32 $0x100  }
.LBB2_14:
0x2cf: {  	s16 =	sshra.s32 s13, $0x2;
	v18 =	vadd.f32 v20, v18;
	v0 =	vmul.f32 v9, v0;
	v9 =	vld [tilespmem:s10+$0x6180];
	v1 =	vmul.f32 v10, v1;
	s5 =	sadd.s32 $0x200, s5  }
0x2d0: {  	v7 =	vmul.f32 v13, v7;
	v2 =	vmul.f32 v3, v2;
	s4 =	sadd.s32 $0x40, s4;
	s6 =	sadd.s32 $0x80, s5;
	s8 =	sadd.s32 $0x180, s5;
	v10 =	vld [tilespmem:s16+$0xE430];
	v13 =	vadd.f32 v19, v17  }
0x2d1: {  	s10 =	sadd.s32 $0xFFFFFFE0, s4;
	s14 =	sand.u32 $0x70, s4;
	v4 =	vmul.f32 v8, v4;
	s8 =	sand.u32 $0x3C00, s8;
	v3 =	vld [tilespmem:s16+$0xD830];
	v0 =	vadd.f32 v0, v16;
	v5 =	vmul.f32 v5, v15  }
0x2d2: {  	s12 =	sadd.s32 $0x4, s12;
	s15 =	sadd.s32 $0xFFFFFFF0, s4;
	v6 =	vadd.f32 v7, v6;
	v1 =	vadd.f32 v2, v1;
	s22 =	sor.u32 s14, s8;
	v8 =	vld [tilespmem:s16+$0xDC30];
	v7 =	vmul.f32 v18, v12  }
0x2d3: {  	p1 =	slt.u32 s12, $0x3C;
	s8 =	sadd.s32 $0xFFFFFBD0, s4;
	s14 =	sadd.s32 $0x100, s5;
	v4 =	vadd.f32 v4, v14;
	v2 =	vld [tilespmem:s22+$0x6200];
	v0 =	vmul.f32 v0, v11;
	v5 =	vadd.f32 v5, v13  }
0x2d4: {  	s10 =	sand.u32 $0x50, s10;
	s6 =	sand.u32 $0x3C00, s6;
	s8 =	sand.u32 $0x40, s8;
	v11 =	vld [tilespmem:s22+$0x6280];
	v6 =	vadd.f32 v7, v6;
	v1 =	vmul.f32 v1, v9  }
0x2d5: {  	s18 =	sand.u32 $0x3C00, s5;
	s19 =	sand.u32 $0x60, s15;
	s20 =	sand.u32 $0x3C00, s14;
	v7 =	vld [tilespmem:s16+$0xE030];
	v0 =	vadd.f32 v0, v4  }
0x2d6: {  	s14 =	sor.u32 s10, s6;
	s15 =	sor.u32 s8, s18;
	s10 =	sor.u32 s19, s20;
	v4 =	vld [tilespmem:s16+$0xD800];
	[tilespmem:s11+$0xA000] =	vst v6;
	v1 =	vadd.f32 v1, v5  }
0x2d7: {  	s6 =	sadd.s32 $0xFFFFFFD0, s4;
	v6 =	vshll.u32 v10, $0x10;
	v5 =	vld [tilespmem:s16+$0xDC00];
	[tilespmem:s2+$0xA410] =	vst v0  }
0x2d8: {  	s6 =	sand.u32 $0x780, s6;
	v9 =	vshll.u32 v3, $0x10;
	v3 =	vand.u32 $0xFFFF0000, v3;
	v12 =	vshll.u32 v8, $0x10;
	v0 =	vld [tilespmem:s22+$0x6000];
	[tilespmem:s2+$0xA420] =	vst v1;
	s2 =	smov.u32 s16  }
0x2d9: {  	s11 =	sor.u32 s8, s6;
	v8 =	vand.u32 $0xFFFF0000, v8;
	v9 =	vmul.f32 v9, v2;
	v1 =	vld [tilespmem:s22+$0x6080];
	v3 =	vmul.f32 v3, v11  }
0x2da: {  	v12 =	vmul.f32 v12, v2;
	v8 =	vmul.f32 v8, v11;
	v13 =	vld [tilespmem:s2+$0xD810];
	v14 =	vshll.u32 v7, $0x10  }
0x2db: {  	v10 =	vand.u32 $0xFFFF0000, v10;
	v7 =	vand.u32 $0xFFFF0000, v7;
	v15 =	vld [tilespmem:s22+$0x6100];
	v14 =	vmul.f32 v14, v2  }
0x2dc: {  	v3 =	vadd.f32 v3, v9;
	v8 =	vadd.f32 v8, v12;
	v7 =	vmul.f32 v7, v11;
	v16 =	vld [tilespmem:s2+$0xDC10]  }
0x2dd: {  	v9 =	vshll.u32 v4, $0x10;
	v2 =	vmul.f32 v6, v2;
	v6 =	vmul.f32 v10, v11;
	v12 =	vld [tilespmem:s22+$0x6180]  }
0x2de: {  	v0 =	vmul.f32 v3, v0;
	v3 =	vadd.f32 v7, v14;
	v10 =	vld [tilespmem:s2+$0xD820];
	v1 =	vmul.f32 v8, v1  }
0x2df: {  	v4 =	vand.u32 $0xFFFF0000, v4;
	v7 =	vshll.u32 v5, $0x10;
	v5 =	vand.u32 $0xFFFF0000, v5;
	v8 =	vld [tilespmem:s2+$0xDC20]  }
0x2e0: {  	v2 =	vadd.f32 v6, v2;
	v11 =	vld [tilespmem:s15+$0x6200];
	v0 =	vadd.f32 v1, v0;
	v1 =	vmul.f32 v3, v15  }
0x2e1: {  	v6 =	vand.u32 $0xFFFF0000, v13;
	v3 =	vshll.u32 v13, $0x10;
	v14 =	vld [tilespmem:s15+$0x6280];
	v13 =	vshll.u32 v16, $0x10  }
0x2e2: {  	v15 =	vand.u32 $0xFFFF0000, v16;
	v19 =	vld [tilespmem:s14+$0x6200];
	v16 =	vadd.f32 v1, v0;
	v2 =	vmul.f32 v2, v12  }
0x2e3: {  	v0 =	vld [tilespmem:s14+$0x6280];
	v12 =	vshll.u32 v10, $0x10;
	v10 =	vand.u32 $0xFFFF0000, v10  }
0x2e4: {  	v1 =	vld [tilespmem:s10+$0x6200];
	v17 =	vshll.u32 v8, $0x10;
	v8 =	vand.u32 $0xFFFF0000, v8;
	v16 =	vadd.f32 v2, v16  }
0x2e5: {  	v9 =	vmul.f32 v9, v11;
	v7 =	vmul.f32 v7, v11;
	v2 =	vld [tilespmem:s10+$0x6280]  }
0x2e6: {  	v18 =	vld [tilespmem:s2+$0xE000];
	v4 =	vmul.f32 v4, v14;
	v5 =	vmul.f32 v5, v14;
	[tilespmem:s2+$0xA430] =	vst v16  }
0x2e7: {  	v16 =	vld [tilespmem:s2+$0xE010];
	v3 =	vmul.f32 v3, v19;
	v13 =	vmul.f32 v13, v19  }
0x2e8: {  	v4 =	vadd.f32 v4, v9;
	v6 =	vmul.f32 v6, v0;
	v9 =	vmul.f32 v15, v0;
	v15 =	vld [tilespmem:s2+$0xE020]  }
0x2e9: {  	v5 =	vadd.f32 v5, v7;
	v20 =	vld [tilespmem:s2+$0xE400];
	v7 =	vmul.f32 v12, v1;
	v12 =	vmul.f32 v17, v1  }
0x2ea: {  	v17 =	vld [tilespmem:s2+$0xE410];
	v6 =	vadd.f32 v6, v3;
	v3 =	vmul.f32 v10, v2;
	v8 =	vmul.f32 v8, v2  }
0x2eb: {  	v21 =	vadd.f32 v9, v13;
	v10 =	vshll.u32 v18, $0x10;
	v18 =	vand.u32 $0xFFFF0000, v18;
	v13 =	vld [tilespmem:s2+$0xE420]  }
0x2ec: {  	v22 =	vld [tilespmem:s15+$0x6000];
	v9 =	vshll.u32 v16, $0x10;
	v16 =	vand.u32 $0xFFFF0000, v16;
	v23 =	vadd.f32 v3, v7  }
0x2ed: {  	v25 =	vadd.f32 v8, v12;
	v24 =	vld [tilespmem:s15+$0x6080];
	v3 =	vshll.u32 v15, $0x10;
	v7 =	vand.u32 $0xFFFF0000, v15  }
0x2ee: {  	v8 =	vmul.f32 v10, v11;
	v15 =	vmul.f32 v18, v14;
	v12 =	vshll.u32 v20, $0x10;
	v18 =	vld [tilespmem:s14+$0x6000]  }
0x2ef: {  	v27 =	vmul.f32 v9, v19;
	v16 =	vmul.f32 v16, v0;
	v20 =	vand.u32 $0xFFFF0000, v20;
	v26 =	vld [tilespmem:s14+$0x6080]  }
0x2f0: {  	v30 =	vmul.f32 v3, v1;
	v31 =	vmul.f32 v7, v2;
	v28 =	vshll.u32 v17, $0x10;
	v29 =	vld [tilespmem:s10+$0x6000]  }
0x2f1: {  	v9 =	vand.u32 $0xFFFF0000, v17;
	v10 =	vshll.u32 v13, $0x10;
	v3 =	vand.u32 $0xFFFF0000, v13;
	v32 =	vld [tilespmem:s10+$0x6080]  }
.Ltmp6:
0x2f2: {  	v13 =	vadd.f32 v15, v8;
	v17 =	vmul.f32 v4, v22;
	v7 =	vld [tilespmem:s15+$0x6100];
	v22 =	vmul.f32 v5, v24;
	(pc) =	sbr.rel @p1 .LBB2_14-.Ltmp6, $4  }
0x2f3: {  	v8 =	vadd.f32 v16, v27;
	v5 =	vadd.f32 v31, v30;
	v4 =	vld [tilespmem:s14+$0x6100];
	v24 =	vmul.f32 v6, v18  }
0x2f4: {  	v18 =	vmul.f32 v12, v11;
	v6 =	vadd.f32 v22, v17;
	v16 =	vmul.f32 v21, v26;
	v15 =	vld [tilespmem:s10+$0x6100]  }
0x2f5: {  	v20 =	vmul.f32 v20, v14;
	v12 =	vld [tilespmem:s15+$0x6180];
	v17 =	vmul.f32 v23, v29  }
0x2f6: {  	s13 =	sadd.s32 $0x100, s13;
	v11 =	vld [tilespmem:s14+$0x6180];
	v14 =	vadd.f32 v16, v24;
	v16 =	vmul.f32 v28, v19;
	v19 =	vmul.f32 v25, v32  }
0x2f7: {  	v18 =	vadd.f32 v20, v18;
	v0 =	vmul.f32 v9, v0;
	v55 =	vld [tilespmem:s10+$0x6180];
	v1 =	vmul.f32 v10, v1  }
0x2f8: {  	v7 =	vmul.f32 v13, v7;
	v2 =	vmul.f32 v3, v2;
	v56 =	vadd.f32 v19, v17  }
0x2f9: {  	v57 =	vmul.f32 v8, v4;
	v0 =	vadd.f32 v0, v16;
	v58 =	vmul.f32 v5, v15  }
0x2fa: {  	v59 =	vadd.f32 v7, v6;
	v1 =	vadd.f32 v2, v1;
	v60 =	vmul.f32 v18, v12  }
0x2fb: {  	v61 =	vadd.f32 v57, v14;
	v0 =	vmul.f32 v0, v11  }
0x2fc: {  	v62 =	vadd.f32 v58, v56;
	v63 =	vadd.f32 v60, v59;
	v1 =	vmul.f32 v1, v55  }
0x2fd: {  	v0 =	vadd.f32 v0, v61  }
0x2fe: {  	[tilespmem:s11+$0xA000] =	vst v63;
	v1 =	vadd.f32 v1, v62  }
0x2ff: {  	[tilespmem:s2+$0xA410] =	vst v0  }
0x300: {  	[tilespmem:s2+$0xA420] =	vst v1  }
0x301: {  	s8 =	simm.s32 $0x0;
	s4 =	simm.s32 $0xA400;
	s2 =	rddreg [dreg:$0xb]  }
0x302: {  	[hbm4b:s2+s8] =	stream.linear.scatter [tilespmem:s4], [sflag:$0x4], $0x400, $0x38;
	[tilespmem:$0xE800] =	vst v63  }
0x303: {  	_ =	swait.ge [sflag:s17], $0x400  }
0x304: {  	[sflag:s17] =	ssyncset.done $0x0  }
0x305: {  	[sflag:s17] =	ssyncadd.s32 $0xFFFFFC00  }
0x306: {  	_ =	swait.ge [sflag:s21], $0x400  }
0x307: {  	[sflag:s21] =	ssyncset.done $0x0  }
0x308: {  	[sflag:s21] =	ssyncadd.s32 $0xFFFFFC00  }
0x309: {  	_ =	swait.ge [sflag:s21], $0x400  }
0x30a: {  	[sflag:s21] =	ssyncset.done $0x0  }
0x30b: {  	[sflag:s21] =	ssyncadd.s32 $0xFFFFFC00  }
0x30c: {  	_ =	swait.ge [sflag:s21], $0x400  }
0x30d: {  	s30 =	rddreg [dreg:$0xe]  }
0x30e: {  	s31 =	rddreg [dreg:$0xc];
	s4 =	sadd.s32 $0x1, s30  }
0x30f: {  	p1 =	sne.s32 s4, s31  }
.Ltmp7:
0x310: {  	_ = 	snop;
	(pc) =	sbr.rel @p1 .LBB2_1-.Ltmp7, $3  }
0x311: {  	_ =	sdelay $0x1  }
0x312: {  	[sflag:s21] =	ssyncset.done $0x0  }
0x313: {  	[sflag:s21] =	ssyncadd.s32 $0xFFFFFC00  }
0x314: {  	_ =	sfence.sel $0x180000  }
0x315: {  	[bflag:$0x0] =	sbarrier.arrive $0xFFFF  }
0x316: {  	_ =	strace $0x90000047  }
0x317: {  	[bflag:$0x2] =	sbarrier.arrive $0xFFFF  }
0x318: {  	s0 =	rddreg [dreg:$0x7]  }
0x319: {  	s0 =	sadd.s32 @!p0 $0x100000, s0  }
0x31a: {  	[sflag:s0] =	ssyncadd.tile.s32 @!p0 $0x1;
	_ =	shalt  }
.Lfunc_end2:
_tile_overlayer_lowered:
.L_overlay_start_2:
0x31b: {  	(tag) =	ssettag $0x2  }
0x31c: {  	s0 =	rddreg [dreg:$0x0];
	s2 =	stileid.u32  }
0x31d: {  	s1 =	rddreg [dreg:$0x1];
	p0 =	sne.s32 s2, $0x0  }
0x31e: {  	s3 =	rddreg [dreg:$0x2];
	[bflag:$0x3] =	sbarrier.arrive $0xFFFF;
	s2 =	simm.s32 @!p0 $0x1C04  }
0x31f: {  	[timem:s3], [sflag:s2] =	dma.local @!p0 [hbm:s0], s1  }
0x320: {  	s0 =	simm.s32 @!p0 $0x4  }
0x321: {  	_ =	swait.ge @!p0 [sflag:s0], s1  }
0x322: {  	s1 =	ssub.s32 @!p0 $0x0, s1;
	[sflag:s0] =	ssyncset.done @!p0 $0x0  }
0x323: {  	[sflag:s0] =	ssyncadd.s32 @!p0 s1  }
0x324: {  	[bflag:$0x3] =	sbarrier.arrive $0xFFFF  }
0x325: {  	_ =	shalt  }

</sc_bundles>
